<compile_context>
chip_gen: v7x
topology: tpu7x:2x2x1
jax: 0.10.2.dev20260603
libtpu: 0.0.44.dev20260713+nightly
codegen_flags: <defaults>
</compile_context>

<pallas_src>
import functools

import jax
import jax.numpy as jnp
from jax import lax
from jax.experimental import pallas as pl
from jax.experimental.pallas import tpu as pltpu
from jax.experimental.pallas import tpu_sc as plsc

MAX_D = 513
H = 16
B = 8
N = 512
K = 4
CH = 4
NW = 32
ROWS_PER_TILE = (B * N) // NW
NCHUNK = ROWS_PER_TILE // CH
JBLK = N // 16


def _sc_body(tbl_hbm, dist_hbm, out_hbm, tbl_v, idx_v, out_v, sem):
    nc = 2
    wid = lax.axis_index("s") * nc + lax.axis_index("c")
    b = wid // 4
    ibase = (wid % 4) * ROWS_PER_TILE

    pltpu.sync_copy(tbl_hbm, tbl_v)

    def chunk_body(ci, carry):
        i0 = ibase + ci * CH
        row_off = (b * N + i0) * N
        for k in range(K):
            pltpu.sync_copy(
                dist_hbm.at[k, pl.ds(row_off, CH * N)],
                idx_v.at[pl.ds(k * CH * N, CH * N)])

        def j_body(j, c2):
            for r in range(CH):
                d = [idx_v[pl.ds(k * CH * N + r * N + j * 16, 16)]
                     for k in range(K)]
                for h in range(H):
                    acc = plsc.load_gather(tbl_v, [d[0] + h * MAX_D])
                    acc = acc + plsc.load_gather(
                        tbl_v, [d[1] + (H + h) * MAX_D])
                    acc = acc + plsc.load_gather(
                        tbl_v, [d[2] + (2 * H + h) * MAX_D])
                    acc = acc + plsc.load_gather(
                        tbl_v, [d[3] + (3 * H + h) * MAX_D])
                    out_v[pl.ds(h * (CH * N) + r * N + j * 16, 16)] = acc
            return c2

        lax.fori_loop(0, JBLK, j_body, 0)

        handles = []
        for h in range(H):
            dst_off = ((b * H + h) * N + i0) * N
            handles.append(
                pltpu.async_copy(
                    out_v.at[pl.ds(h * CH * N, CH * N)],
                    out_hbm.at[pl.ds(dst_off, CH * N)],
                    sem,
                ))
        for hd in handles:
            hd.wait()
        return carry

    lax.fori_loop(0, NCHUNK, chunk_body, 0)


@functools.partial(jax.jit)
def _spatial_bias_sc(tbl, dist_t):
    mesh = plsc.VectorSubcoreMesh(core_axis_name="c", subcore_axis_name="s")
    run = functools.partial(
        pl.kernel,
        mesh=mesh,
        out_type=jax.ShapeDtypeStruct((B * H * N * N,), jnp.float32),
        scratch_types=[
            pltpu.VMEM((K * H * MAX_D,), jnp.float32),
            pltpu.VMEM((K * CH * N,), jnp.int32),
            pltpu.VMEM((H * CH * N,), jnp.float32),
            pltpu.SemaphoreType.DMA,
        ],
        compiler_params=pltpu.CompilerParams(needs_layout_passes=False),
    )(_sc_body)
    return run(tbl, dist_t)


def kernel(dist_matrix, W_face, W_vertex, W_gluing, W_global):
    tbl = jnp.stack(
        [W_face.T, W_vertex.T, W_gluing.T, W_global.T]).reshape(-1)
    dist_t = dist_matrix.transpose(3, 0, 1, 2).reshape(K, B * N * N)
    out = _spatial_bias_sc(tbl, dist_t)
    return out.reshape(B, H, N, N)

# --- scband reference (transcript-rebuilt; emitter-appended) ---
"""Pipeline reference for scband-spatial-bias-2628519985634 (READ-ONLY COPY).

The authoritative reference and input builder live on the scoring server;
editing this copy changes nothing except your own understanding.
"""

import jax, jax.numpy as jnp
import numpy as np

MAX_DIST = 512
NUM_HEADS = 16
B, N = 8, 512

def setup_inputs(seed: int = 0) -> dict:
    key = jax.random.key(seed)
    k0, k1, k2, k3, k4 = jax.random.split(key, 5)
    dist_matrix = jax.random.randint(k0, (B, N, N, 4), 0, MAX_DIST + 1, dtype=jnp.int32)
    V = MAX_DIST + 1
    W_face = jax.random.normal(k1, (V, NUM_HEADS), dtype=jnp.float32) * 0.02
    W_vertex = jax.random.normal(k2, (V, NUM_HEADS), dtype=jnp.float32) * 0.02
    W_gluing = jax.random.normal(k3, (V, NUM_HEADS), dtype=jnp.float32) * 0.02
    W_global = jax.random.normal(k4, (V, NUM_HEADS), dtype=jnp.float32) * 0.02
    return {"dist_matrix": dist_matrix, "W_face": W_face, "W_vertex": W_vertex, "W_gluing": W_gluing, "W_global": W_global}

def reference(dist_matrix, W_face, W_vertex, W_gluing, W_global):
    bias_face = jnp.take(W_face, dist_matrix[:, :, :, 0], axis=0)
    bias_vertex = jnp.take(W_vertex, dist_matrix[:, :, :, 1], axis=0)
    bias_gluing = jnp.take(W_gluing, dist_matrix[:, :, :, 2], axis=0)
    bias_global = jnp.take(W_global, dist_matrix[:, :, :, 3], axis=0)
    bias_face = bias_face.transpose(0, 3, 1, 2)
    bias_vertex = bias_vertex.transpose(0, 3, 1, 2)
    bias_gluing = bias_gluing.transpose(0, 3, 1, 2)
    bias_global = bias_global.transpose(0, 3, 1, 2)
    bias = bias_face + bias_vertex + bias_gluing + bias_global
    return bias

if __name__ == "__main__":
    import jax
    _d = setup_inputs()
    print(jax.jit(kernel)(*tuple(_d.values())))

</pallas_src>

<mosaic_0001>
#map = affine_map<(d0, d1) -> (0)>
#map1 = affine_map<(d0, d1) -> (0, 0)>
module attributes {stable_mosaic.version = 14 : i64} {
  func.func @_sc_body(%arg0: i32, %arg1: i32, %arg2: memref<32832xf32, #tpu.memory_space<hbm>>, %arg3: memref<4x2097152xi32, #tpu.memory_space<hbm>>, %arg4: memref<33554432xf32, #tpu.memory_space<hbm>>, %arg5: memref<32832xf32, #tpu.memory_space<vmem>>, %arg6: memref<8192xi32, #tpu.memory_space<vmem>>, %arg7: memref<32768xf32, #tpu.memory_space<vmem>>, %arg8: memref<!tpu.dma_semaphore, #tpu.memory_space<semaphore_mem>>) attributes {dimension_semantics = [#tpu.dimension_semantics<core_parallel>, #tpu.dimension_semantics<subcore_parallel>], iteration_bounds = array<i64: 2, 16>, scalar_prefetch = 0 : i64, scratch_operands = 4 : i64, tpu.core_type = #tpu.core_type<sc_vector_subcore>, window_params = [{transform_indices = #map}, {transform_indices = #map1}, {transform_indices = #map}]} {
    %mul3A = arith.constant 2 : i32
    %mul3A_0 = arith.muli %arg1, %mul3A : i32
    %add3A = arith.addi %mul3A_0, %arg0 : i32
    %jit3A = arith.constant 4 : i32
    %div3A = arith.divsi %add3A, %jit3A : i32
    %sign3A = arith.constant 0 : i32
    %sign3A_1 = arith.cmpi sgt, %add3A, %sign3A : i32
    %sign3A_2 = arith.extui %sign3A_1 : i1 to i32
    %sign3A_3 = arith.constant 0 : i32
    %sign3A_4 = arith.cmpi slt, %add3A, %sign3A_3 : i32
    %sign3A_5 = arith.extui %sign3A_4 : i1 to i32
    %sign3A_6 = arith.subi %sign3A_2, %sign3A_5 : i32
    %sign3A_7 = arith.constant 0 : i32
    %sign3A_8 = arith.cmpi sgt, %jit3A, %sign3A_7 : i32
    %sign3A_9 = arith.extui %sign3A_8 : i1 to i32
    %sign3A_10 = arith.constant 0 : i32
    %sign3A_11 = arith.cmpi slt, %jit3A, %sign3A_10 : i32
    %sign3A_12 = arith.extui %sign3A_11 : i1 to i32
    %sign3A_13 = arith.subi %sign3A_9, %sign3A_12 : i32
    %ne3A = arith.cmpi ne, %sign3A_6, %sign3A_13 : i32
    %rem3A = arith.remsi %add3A, %jit3A : i32
    %ne3A_14 = arith.constant 0 : i32
    %ne3A_15 = arith.cmpi ne, %rem3A, %ne3A_14 : i32
    %and3A = arith.andi %ne3A, %ne3A_15 : i1
    %sub3A = arith.constant 1 : i32
    %sub3A_16 = arith.subi %div3A, %sub3A : i32
    %select_n3A = arith.select %and3A, %sub3A_16, %div3A : i32
    %jit3A_17 = arith.constant 4 : i32
    %eq3A = arith.constant 0 : i32
    %eq3A_18 = arith.cmpi eq, %jit3A_17, %eq3A : i32
    %jit3A_19 = arith.constant 1 : i32
    %select_n3A_20 = arith.select %eq3A_18, %jit3A_19, %jit3A_17 : i32
    %rem3A_21 = arith.remsi %add3A, %select_n3A_20 : i32
    %ne3A_22 = arith.constant 0 : i32
    %ne3A_23 = arith.cmpi ne, %rem3A_21, %ne3A_22 : i32
    %lt3A = arith.constant 0 : i32
    %lt3A_24 = arith.cmpi slt, %rem3A_21, %lt3A : i32
    %lt3A_25 = arith.constant 0 : i32
    %lt3A_26 = arith.cmpi slt, %select_n3A_20, %lt3A_25 : i32
    %ne3A_27 = arith.xori %lt3A_24, %lt3A_26 : i1
    %and3A_28 = arith.andi %ne3A_27, %ne3A_23 : i1
    %add3A_29 = arith.addi %rem3A_21, %select_n3A_20 : i32
    %select_n3A_30 = arith.select %and3A_28, %add3A_29, %rem3A_21 : i32
    %mul3A_31 = arith.constant 128 : i32
    %mul3A_32 = arith.muli %select_n3A_30, %mul3A_31 : i32
    "tpu.region"() ({
      %run_scoped3A = tpu.sem_alloc : memref<!tpu.dma_semaphore, #tpu.memory_space<semaphore_mem>>
      tpu.enqueue_dma source(%arg2 : memref<32832xf32, #tpu.memory_space<hbm>>) target(%arg5 : memref<32832xf32, #tpu.memory_space<vmem>>) target_semaphore(%run_scoped3A : memref<!tpu.dma_semaphore, #tpu.memory_space<semaphore_mem>>)
      tpu.wait_dma2 semaphore(%run_scoped3A : memref<!tpu.dma_semaphore, #tpu.memory_space<semaphore_mem>>) src(%arg2 : memref<32832xf32, #tpu.memory_space<hbm>>) dst(%arg5 : memref<32832xf32, #tpu.memory_space<vmem>>)
      tpu.yield
    }) : () -> ()
    %scan3A = arith.constant 0 : i32
    %scan3A_33 = arith.constant 0 : i32
    %scan3A_34 = arith.constant 32 : i32
    %scan3A_35 = arith.addi %scan3A_33, %scan3A_34 : i32
    %scan3A_36 = arith.constant 1 : i32
    scf.for %scan3A_38 = %scan3A_33 to %scan3A_35 step %scan3A_36  : i32 {
      %mul3A_39 = arith.constant 4 : i32
      %mul3A_40 = arith.muli %scan3A_38, %mul3A_39 : i32
      %add3A_41 = arith.addi %mul3A_32, %mul3A_40 : i32
      %mul3A_42 = arith.constant 512 : i32
      %mul3A_43 = arith.muli %select_n3A, %mul3A_42 : i32
      %add3A_44 = arith.addi %mul3A_43, %add3A_41 : i32
      %mul3A_45 = arith.constant 512 : i32
      %mul3A_46 = arith.muli %add3A_44, %mul3A_45 : i32
      %run_scoped3A = arith.constant 0 : i32
      "tpu.region"() ({
        %run_scoped3A_390 = tpu.sem_alloc : memref<!tpu.dma_semaphore, #tpu.memory_space<semaphore_mem>>
        %dma_start3A_391 = arith.constant 0 : i32
        %dma_start3A_392 = tpu.memref_slice %arg6[%dma_start3A_391] : memref<8192xi32, #tpu.memory_space<vmem>> -> memref<2048xi32, #tpu.memory_space<vmem>>
        %dma_start3A_393 = tpu.memref_slice %arg3[%run_scoped3A, %mul3A_46] : memref<4x2097152xi32, #tpu.memory_space<hbm>> -> memref<1x2048xi32, #tpu.memory_space<hbm>>
        %dma_start3A_394 = tpu.memref_squeeze %dma_start3A_393 : memref<1x2048xi32, #tpu.memory_space<hbm>> -> memref<2048xi32, #tpu.memory_space<hbm>>
        %dma_start3A_395 = arith.constant 0 : i32
        %dma_start3A_396 = tpu.memref_slice %arg6[%dma_start3A_395] : memref<8192xi32, #tpu.memory_space<vmem>> -> memref<2048xi32, #tpu.memory_space<vmem>>
        %dma_start3A_397 = tpu.memref_slice %arg3[%run_scoped3A, %mul3A_46] : memref<4x2097152xi32, #tpu.memory_space<hbm>> -> memref<1x2048xi32, #tpu.memory_space<hbm>>
        %dma_start3A_398 = tpu.memref_squeeze %dma_start3A_397 : memref<1x2048xi32, #tpu.memory_space<hbm>> -> memref<2048xi32, #tpu.memory_space<hbm>>
        tpu.enqueue_dma source(%dma_start3A_398 : memref<2048xi32, #tpu.memory_space<hbm>>) target(%dma_start3A_396 : memref<2048xi32, #tpu.memory_space<vmem>>) target_semaphore(%run_scoped3A_390 : memref<!tpu.dma_semaphore, #tpu.memory_space<semaphore_mem>>)
        %dma_wait3A_399 = arith.constant 0 : i32
        %dma_wait3A_400 = tpu.memref_slice %arg6[%dma_wait3A_399] : memref<8192xi32, #tpu.memory_space<vmem>> -> memref<2048xi32, #tpu.memory_space<vmem>>
        %dma_wait3A_401 = tpu.memref_slice %arg3[%run_scoped3A, %mul3A_46] : memref<4x2097152xi32, #tpu.memory_space<hbm>> -> memref<1x2048xi32, #tpu.memory_space<hbm>>
        %dma_wait3A_402 = tpu.memref_squeeze %dma_wait3A_401 : memref<1x2048xi32, #tpu.memory_space<hbm>> -> memref<2048xi32, #tpu.memory_space<hbm>>
        %dma_wait3A_403 = arith.constant 0 : i32
        %dma_wait3A_404 = tpu.memref_slice %arg6[%dma_wait3A_403] : memref<8192xi32, #tpu.memory_space<vmem>> -> memref<2048xi32, #tpu.memory_space<vmem>>
        %dma_wait3A_405 = tpu.memref_slice %arg3[%run_scoped3A, %mul3A_46] : memref<4x2097152xi32, #tpu.memory_space<hbm>> -> memref<1x2048xi32, #tpu.memory_space<hbm>>
        %dma_wait3A_406 = tpu.memref_squeeze %dma_wait3A_405 : memref<1x2048xi32, #tpu.memory_space<hbm>> -> memref<2048xi32, #tpu.memory_space<hbm>>
        tpu.wait_dma2 semaphore(%run_scoped3A_390 : memref<!tpu.dma_semaphore, #tpu.memory_space<semaphore_mem>>) src(%dma_wait3A_406 : memref<2048xi32, #tpu.memory_space<hbm>>) dst(%dma_wait3A_404 : memref<2048xi32, #tpu.memory_space<vmem>>)
        tpu.yield
      }) : () -> ()
      %run_scoped3A_47 = arith.constant 1 : i32
      "tpu.region"() ({
        %run_scoped3A_390 = tpu.sem_alloc : memref<!tpu.dma_semaphore, #tpu.memory_space<semaphore_mem>>
        %dma_start3A_391 = arith.constant 2048 : i32
        %dma_start3A_392 = tpu.memref_slice %arg6[%dma_start3A_391] : memref<8192xi32, #tpu.memory_space<vmem>> -> memref<2048xi32, #tpu.memory_space<vmem>>
        %dma_start3A_393 = tpu.memref_slice %arg3[%run_scoped3A_47, %mul3A_46] : memref<4x2097152xi32, #tpu.memory_space<hbm>> -> memref<1x2048xi32, #tpu.memory_space<hbm>>
        %dma_start3A_394 = tpu.memref_squeeze %dma_start3A_393 : memref<1x2048xi32, #tpu.memory_space<hbm>> -> memref<2048xi32, #tpu.memory_space<hbm>>
        %dma_start3A_395 = arith.constant 2048 : i32
        %dma_start3A_396 = tpu.memref_slice %arg6[%dma_start3A_395] : memref<8192xi32, #tpu.memory_space<vmem>> -> memref<2048xi32, #tpu.memory_space<vmem>>
        %dma_start3A_397 = tpu.memref_slice %arg3[%run_scoped3A_47, %mul3A_46] : memref<4x2097152xi32, #tpu.memory_space<hbm>> -> memref<1x2048xi32, #tpu.memory_space<hbm>>
        %dma_start3A_398 = tpu.memref_squeeze %dma_start3A_397 : memref<1x2048xi32, #tpu.memory_space<hbm>> -> memref<2048xi32, #tpu.memory_space<hbm>>
        tpu.enqueue_dma source(%dma_start3A_398 : memref<2048xi32, #tpu.memory_space<hbm>>) target(%dma_start3A_396 : memref<2048xi32, #tpu.memory_space<vmem>>) target_semaphore(%run_scoped3A_390 : memref<!tpu.dma_semaphore, #tpu.memory_space<semaphore_mem>>)
        %dma_wait3A_399 = arith.constant 2048 : i32
        %dma_wait3A_400 = tpu.memref_slice %arg6[%dma_wait3A_399] : memref<8192xi32, #tpu.memory_space<vmem>> -> memref<2048xi32, #tpu.memory_space<vmem>>
        %dma_wait3A_401 = tpu.memref_slice %arg3[%run_scoped3A_47, %mul3A_46] : memref<4x2097152xi32, #tpu.memory_space<hbm>> -> memref<1x2048xi32, #tpu.memory_space<hbm>>
        %dma_wait3A_402 = tpu.memref_squeeze %dma_wait3A_401 : memref<1x2048xi32, #tpu.memory_space<hbm>> -> memref<2048xi32, #tpu.memory_space<hbm>>
        %dma_wait3A_403 = arith.constant 2048 : i32
        %dma_wait3A_404 = tpu.memref_slice %arg6[%dma_wait3A_403] : memref<8192xi32, #tpu.memory_space<vmem>> -> memref<2048xi32, #tpu.memory_space<vmem>>
        %dma_wait3A_405 = tpu.memref_slice %arg3[%run_scoped3A_47, %mul3A_46] : memref<4x2097152xi32, #tpu.memory_space<hbm>> -> memref<1x2048xi32, #tpu.memory_space<hbm>>
        %dma_wait3A_406 = tpu.memref_squeeze %dma_wait3A_405 : memref<1x2048xi32, #tpu.memory_space<hbm>> -> memref<2048xi32, #tpu.memory_space<hbm>>
        tpu.wait_dma2 semaphore(%run_scoped3A_390 : memref<!tpu.dma_semaphore, #tpu.memory_space<semaphore_mem>>) src(%dma_wait3A_406 : memref<2048xi32, #tpu.memory_space<hbm>>) dst(%dma_wait3A_404 : memref<2048xi32, #tpu.memory_space<vmem>>)
        tpu.yield
      }) : () -> ()
      %run_scoped3A_48 = arith.constant 2 : i32
      "tpu.region"() ({
        %run_scoped3A_390 = tpu.sem_alloc : memref<!tpu.dma_semaphore, #tpu.memory_space<semaphore_mem>>
        %dma_start3A_391 = arith.constant 4096 : i32
        %dma_start3A_392 = tpu.memref_slice %arg6[%dma_start3A_391] : memref<8192xi32, #tpu.memory_space<vmem>> -> memref<2048xi32, #tpu.memory_space<vmem>>
        %dma_start3A_393 = tpu.memref_slice %arg3[%run_scoped3A_48, %mul3A_46] : memref<4x2097152xi32, #tpu.memory_space<hbm>> -> memref<1x2048xi32, #tpu.memory_space<hbm>>
        %dma_start3A_394 = tpu.memref_squeeze %dma_start3A_393 : memref<1x2048xi32, #tpu.memory_space<hbm>> -> memref<2048xi32, #tpu.memory_space<hbm>>
        %dma_start3A_395 = arith.constant 4096 : i32
        %dma_start3A_396 = tpu.memref_slice %arg6[%dma_start3A_395] : memref<8192xi32, #tpu.memory_space<vmem>> -> memref<2048xi32, #tpu.memory_space<vmem>>
        %dma_start3A_397 = tpu.memref_slice %arg3[%run_scoped3A_48, %mul3A_46] : memref<4x2097152xi32, #tpu.memory_space<hbm>> -> memref<1x2048xi32, #tpu.memory_space<hbm>>
        %dma_start3A_398 = tpu.memref_squeeze %dma_start3A_397 : memref<1x2048xi32, #tpu.memory_space<hbm>> -> memref<2048xi32, #tpu.memory_space<hbm>>
        tpu.enqueue_dma source(%dma_start3A_398 : memref<2048xi32, #tpu.memory_space<hbm>>) target(%dma_start3A_396 : memref<2048xi32, #tpu.memory_space<vmem>>) target_semaphore(%run_scoped3A_390 : memref<!tpu.dma_semaphore, #tpu.memory_space<semaphore_mem>>)
        %dma_wait3A_399 = arith.constant 4096 : i32
        %dma_wait3A_400 = tpu.memref_slice %arg6[%dma_wait3A_399] : memref<8192xi32, #tpu.memory_space<vmem>> -> memref<2048xi32, #tpu.memory_space<vmem>>
        %dma_wait3A_401 = tpu.memref_slice %arg3[%run_scoped3A_48, %mul3A_46] : memref<4x2097152xi32, #tpu.memory_space<hbm>> -> memref<1x2048xi32, #tpu.memory_space<hbm>>
        %dma_wait3A_402 = tpu.memref_squeeze %dma_wait3A_401 : memref<1x2048xi32, #tpu.memory_space<hbm>> -> memref<2048xi32, #tpu.memory_space<hbm>>
        %dma_wait3A_403 = arith.constant 4096 : i32
        %dma_wait3A_404 = tpu.memref_slice %arg6[%dma_wait3A_403] : memref<8192xi32, #tpu.memory_space<vmem>> -> memref<2048xi32, #tpu.memory_space<vmem>>
        %dma_wait3A_405 = tpu.memref_slice %arg3[%run_scoped3A_48, %mul3A_46] : memref<4x2097152xi32, #tpu.memory_space<hbm>> -> memref<1x2048xi32, #tpu.memory_space<hbm>>
        %dma_wait3A_406 = tpu.memref_squeeze %dma_wait3A_405 : memref<1x2048xi32, #tpu.memory_space<hbm>> -> memref<2048xi32, #tpu.memory_space<hbm>>
        tpu.wait_dma2 semaphore(%run_scoped3A_390 : memref<!tpu.dma_semaphore, #tpu.memory_space<semaphore_mem>>) src(%dma_wait3A_406 : memref<2048xi32, #tpu.memory_space<hbm>>) dst(%dma_wait3A_404 : memref<2048xi32, #tpu.memory_space<vmem>>)
        tpu.yield
      }) : () -> ()
      %run_scoped3A_49 = arith.constant 3 : i32
      "tpu.region"() ({
        %run_scoped3A_390 = tpu.sem_alloc : memref<!tpu.dma_semaphore, #tpu.memory_space<semaphore_mem>>
        %dma_start3A_391 = arith.constant 6144 : i32
        %dma_start3A_392 = tpu.memref_slice %arg6[%dma_start3A_391] : memref<8192xi32, #tpu.memory_space<vmem>> -> memref<2048xi32, #tpu.memory_space<vmem>>
        %dma_start3A_393 = tpu.memref_slice %arg3[%run_scoped3A_49, %mul3A_46] : memref<4x2097152xi32, #tpu.memory_space<hbm>> -> memref<1x2048xi32, #tpu.memory_space<hbm>>
        %dma_start3A_394 = tpu.memref_squeeze %dma_start3A_393 : memref<1x2048xi32, #tpu.memory_space<hbm>> -> memref<2048xi32, #tpu.memory_space<hbm>>
        %dma_start3A_395 = arith.constant 6144 : i32
        %dma_start3A_396 = tpu.memref_slice %arg6[%dma_start3A_395] : memref<8192xi32, #tpu.memory_space<vmem>> -> memref<2048xi32, #tpu.memory_space<vmem>>
        %dma_start3A_397 = tpu.memref_slice %arg3[%run_scoped3A_49, %mul3A_46] : memref<4x2097152xi32, #tpu.memory_space<hbm>> -> memref<1x2048xi32, #tpu.memory_space<hbm>>
        %dma_start3A_398 = tpu.memref_squeeze %dma_start3A_397 : memref<1x2048xi32, #tpu.memory_space<hbm>> -> memref<2048xi32, #tpu.memory_space<hbm>>
        tpu.enqueue_dma source(%dma_start3A_398 : memref<2048xi32, #tpu.memory_space<hbm>>) target(%dma_start3A_396 : memref<2048xi32, #tpu.memory_space<vmem>>) target_semaphore(%run_scoped3A_390 : memref<!tpu.dma_semaphore, #tpu.memory_space<semaphore_mem>>)
        %dma_wait3A_399 = arith.constant 6144 : i32
        %dma_wait3A_400 = tpu.memref_slice %arg6[%dma_wait3A_399] : memref<8192xi32, #tpu.memory_space<vmem>> -> memref<2048xi32, #tpu.memory_space<vmem>>
        %dma_wait3A_401 = tpu.memref_slice %arg3[%run_scoped3A_49, %mul3A_46] : memref<4x2097152xi32, #tpu.memory_space<hbm>> -> memref<1x2048xi32, #tpu.memory_space<hbm>>
        %dma_wait3A_402 = tpu.memref_squeeze %dma_wait3A_401 : memref<1x2048xi32, #tpu.memory_space<hbm>> -> memref<2048xi32, #tpu.memory_space<hbm>>
        %dma_wait3A_403 = arith.constant 6144 : i32
        %dma_wait3A_404 = tpu.memref_slice %arg6[%dma_wait3A_403] : memref<8192xi32, #tpu.memory_space<vmem>> -> memref<2048xi32, #tpu.memory_space<vmem>>
        %dma_wait3A_405 = tpu.memref_slice %arg3[%run_scoped3A_49, %mul3A_46] : memref<4x2097152xi32, #tpu.memory_space<hbm>> -> memref<1x2048xi32, #tpu.memory_space<hbm>>
        %dma_wait3A_406 = tpu.memref_squeeze %dma_wait3A_405 : memref<1x2048xi32, #tpu.memory_space<hbm>> -> memref<2048xi32, #tpu.memory_space<hbm>>
        tpu.wait_dma2 semaphore(%run_scoped3A_390 : memref<!tpu.dma_semaphore, #tpu.memory_space<semaphore_mem>>) src(%dma_wait3A_406 : memref<2048xi32, #tpu.memory_space<hbm>>) dst(%dma_wait3A_404 : memref<2048xi32, #tpu.memory_space<vmem>>)
        tpu.yield
      }) : () -> ()
      %scan3A_50 = arith.constant 0 : i32
      %scan3A_51 = arith.constant 0 : i32
      %scan3A_52 = arith.constant 32 : i32
      %scan3A_53 = arith.addi %scan3A_51, %scan3A_52 : i32
      %scan3A_54 = arith.constant 1 : i32
      scf.for %scan3A_390 = %scan3A_51 to %scan3A_53 step %scan3A_54  : i32 {
        %mul3A_391 = arith.constant 16 : i32
        %mul3A_392 = arith.muli %scan3A_390, %mul3A_391 : i32
        %add3A_393 = arith.constant 0 : i32
        %add3A_394 = arith.addi %add3A_393, %mul3A_392 : i32
        %get3A = arith.index_cast %add3A_394 : i32 to index
        %get3A_395 = tpu.vector_load %arg6[%get3A] {strides = array<i32>} : memref<8192xi32, #tpu.memory_space<vmem>>, vector<16xi32>,
        %mul3A_396 = arith.constant 16 : i32
        %mul3A_397 = arith.muli %scan3A_390, %mul3A_396 : i32
        %add3A_398 = arith.constant 2048 : i32
        %add3A_399 = arith.addi %add3A_398, %mul3A_397 : i32
        %get3A_400 = arith.index_cast %add3A_399 : i32 to index
        %get3A_401 = tpu.vector_load %arg6[%get3A_400] {strides = array<i32>} : memref<8192xi32, #tpu.memory_space<vmem>>, vector<16xi32>,
        %mul3A_402 = arith.constant 16 : i32
        %mul3A_403 = arith.muli %scan3A_390, %mul3A_402 : i32
        %add3A_404 = arith.constant 4096 : i32
        %add3A_405 = arith.addi %add3A_404, %mul3A_403 : i32
        %get3A_406 = arith.index_cast %add3A_405 : i32 to index
        %get3A_407 = tpu.vector_load %arg6[%get3A_406] {strides = array<i32>} : memref<8192xi32, #tpu.memory_space<vmem>>, vector<16xi32>,
        %mul3A_408 = arith.constant 16 : i32
        %mul3A_409 = arith.muli %scan3A_390, %mul3A_408 : i32
        %add3A_410 = arith.constant 6144 : i32
        %add3A_411 = arith.addi %add3A_410, %mul3A_409 : i32
        %get3A_412 = arith.index_cast %add3A_411 : i32 to index
        %get3A_413 = tpu.vector_load %arg6[%get3A_412] {strides = array<i32>} : memref<8192xi32, #tpu.memory_space<vmem>>, vector<16xi32>,
        %add3A_414 = arith.constant 0 : i32
        %add3A_415 = vector.broadcast %add3A_414 : i32 to vector<16xi32>
        %add3A_416 = arith.addi %get3A_395, %add3A_415 : vector<16xi32>
        %gather3A = tpu.vector_load_idx %arg5[%add3A_416] : memref<32832xf32, #tpu.memory_space<vmem>>[vector<16xi32>], vector<16xf32>,
        %add3A_417 = arith.constant 8208 : i32
        %add3A_418 = vector.broadcast %add3A_417 : i32 to vector<16xi32>
        %add3A_419 = arith.addi %get3A_401, %add3A_418 : vector<16xi32>
        %gather3A_420 = tpu.vector_load_idx %arg5[%add3A_419] : memref<32832xf32, #tpu.memory_space<vmem>>[vector<16xi32>], vector<16xf32>,
        %add3A_421 = arith.addf %gather3A, %gather3A_420 : vector<16xf32>
        %add3A_422 = arith.constant 16416 : i32
        %add3A_423 = vector.broadcast %add3A_422 : i32 to vector<16xi32>
        %add3A_424 = arith.addi %get3A_407, %add3A_423 : vector<16xi32>
        %gather3A_425 = tpu.vector_load_idx %arg5[%add3A_424] : memref<32832xf32, #tpu.memory_space<vmem>>[vector<16xi32>], vector<16xf32>,
        %add3A_426 = arith.addf %add3A_421, %gather3A_425 : vector<16xf32>
        %add3A_427 = arith.constant 24624 : i32
        %add3A_428 = vector.broadcast %add3A_427 : i32 to vector<16xi32>
        %add3A_429 = arith.addi %get3A_413, %add3A_428 : vector<16xi32>
        %gather3A_430 = tpu.vector_load_idx %arg5[%add3A_429] : memref<32832xf32, #tpu.memory_space<vmem>>[vector<16xi32>], vector<16xf32>,
        %add3A_431 = arith.addf %add3A_426, %gather3A_430 : vector<16xf32>
        %mul3A_432 = arith.constant 16 : i32
        %mul3A_433 = arith.muli %scan3A_390, %mul3A_432 : i32
        %add3A_434 = arith.constant 0 : i32
        %add3A_435 = arith.addi %add3A_434, %mul3A_433 : i32
        %swap3A = arith.index_cast %add3A_435 : i32 to index
        %swap3A_436 = tpu.vector_load %arg7[%swap3A] {strides = array<i32>} : memref<32768xf32, #tpu.memory_space<vmem>>, vector<16xf32>,
        tpu.vector_store %arg7[%swap3A], %add3A_431 {strides = array<i32>} : memref<32768xf32, #tpu.memory_space<vmem>>, vector<16xf32>,
        %add3A_437 = arith.constant 513 : i32
        %add3A_438 = vector.broadcast %add3A_437 : i32 to vector<16xi32>
        %add3A_439 = arith.addi %get3A_395, %add3A_438 : vector<16xi32>
        %gather3A_440 = tpu.vector_load_idx %arg5[%add3A_439] : memref<32832xf32, #tpu.memory_space<vmem>>[vector<16xi32>], vector<16xf32>,
        %add3A_441 = arith.constant 8721 : i32
        %add3A_442 = vector.broadcast %add3A_441 : i32 to vector<16xi32>
        %add3A_443 = arith.addi %get3A_401, %add3A_442 : vector<16xi32>
        %gather3A_444 = tpu.vector_load_idx %arg5[%add3A_443] : memref<32832xf32, #tpu.memory_space<vmem>>[vector<16xi32>], vector<16xf32>,
        %add3A_445 = arith.addf %gather3A_440, %gather3A_444 : vector<16xf32>
        %add3A_446 = arith.constant 16929 : i32
        %add3A_447 = vector.broadcast %add3A_446 : i32 to vector<16xi32>
        %add3A_448 = arith.addi %get3A_407, %add3A_447 : vector<16xi32>
        %gather3A_449 = tpu.vector_load_idx %arg5[%add3A_448] : memref<32832xf32, #tpu.memory_space<vmem>>[vector<16xi32>], vector<16xf32>,
        %add3A_450 = arith.addf %add3A_445, %gather3A_449 : vector<16xf32>
        %add3A_451 = arith.constant 25137 : i32
        %add3A_452 = vector.broadcast %add3A_451 : i32 to vector<16xi32>
        %add3A_453 = arith.addi %get3A_413, %add3A_452 : vector<16xi32>
        %gather3A_454 = tpu.vector_load_idx %arg5[%add3A_453] : memref<32832xf32, #tpu.memory_space<vmem>>[vector<16xi32>], vector<16xf32>,
        %add3A_455 = arith.addf %add3A_450, %gather3A_454 : vector<16xf32>
        %mul3A_456 = arith.constant 16 : i32
        %mul3A_457 = arith.muli %scan3A_390, %mul3A_456 : i32
        %add3A_458 = arith.constant 2048 : i32
        %add3A_459 = arith.addi %add3A_458, %mul3A_457 : i32
        %swap3A_460 = arith.index_cast %add3A_459 : i32 to index
        %swap3A_461 = tpu.vector_load %arg7[%swap3A_460] {strides = array<i32>} : memref<32768xf32, #tpu.memory_space<vmem>>, vector<16xf32>,
        tpu.vector_store %arg7[%swap3A_460], %add3A_455 {strides = array<i32>} : memref<32768xf32, #tpu.memory_space<vmem>>, vector<16xf32>,
        %add3A_462 = arith.constant 1026 : i32
        %add3A_463 = vector.broadcast %add3A_462 : i32 to vector<16xi32>
        %add3A_464 = arith.addi %get3A_395, %add3A_463 : vector<16xi32>
        %gather3A_465 = tpu.vector_load_idx %arg5[%add3A_464] : memref<32832xf32, #tpu.memory_space<vmem>>[vector<16xi32>], vector<16xf32>,
        %add3A_466 = arith.constant 9234 : i32
        %add3A_467 = vector.broadcast %add3A_466 : i32 to vector<16xi32>
        %add3A_468 = arith.addi %get3A_401, %add3A_467 : vector<16xi32>
        %gather3A_469 = tpu.vector_load_idx %arg5[%add3A_468] : memref<32832xf32, #tpu.memory_space<vmem>>[vector<16xi32>], vector<16xf32>,
        %add3A_470 = arith.addf %gather3A_465, %gather3A_469 : vector<16xf32>
        %add3A_471 = arith.constant 17442 : i32
        %add3A_472 = vector.broadcast %add3A_471 : i32 to vector<16xi32>
        %add3A_473 = arith.addi %get3A_407, %add3A_472 : vector<16xi32>
        %gather3A_474 = tpu.vector_load_idx %arg5[%add3A_473] : memref<32832xf32, #tpu.memory_space<vmem>>[vector<16xi32>], vector<16xf32>,
        %add3A_475 = arith.addf %add3A_470, %gather3A_474 : vector<16xf32>
        %add3A_476 = arith.constant 25650 : i32
        %add3A_477 = vector.broadcast %add3A_476 : i32 to vector<16xi32>
        %add3A_478 = arith.addi %get3A_413, %add3A_477 : vector<16xi32>
        %gather3A_479 = tpu.vector_load_idx %arg5[%add3A_478] : memref<32832xf32, #tpu.memory_space<vmem>>[vector<16xi32>], vector<16xf32>,
        %add3A_480 = arith.addf %add3A_475, %gather3A_479 : vector<16xf32>
        %mul3A_481 = arith.constant 16 : i32
        %mul3A_482 = arith.muli %scan3A_390, %mul3A_481 : i32
        %add3A_483 = arith.constant 4096 : i32
        %add3A_484 = arith.addi %add3A_483, %mul3A_482 : i32
        %swap3A_485 = arith.index_cast %add3A_484 : i32 to index
        %swap3A_486 = tpu.vector_load %arg7[%swap3A_485] {strides = array<i32>} : memref<32768xf32, #tpu.memory_space<vmem>>, vector<16xf32>,
        tpu.vector_store %arg7[%swap3A_485], %add3A_480 {strides = array<i32>} : memref<32768xf32, #tpu.memory_space<vmem>>, vector<16xf32>,
        %add3A_487 = arith.constant 1539 : i32
        %add3A_488 = vector.broadcast %add3A_487 : i32 to vector<16xi32>
        %add3A_489 = arith.addi %get3A_395, %add3A_488 : vector<16xi32>
        %gather3A_490 = tpu.vector_load_idx %arg5[%add3A_489] : memref<32832xf32, #tpu.memory_space<vmem>>[vector<16xi32>], vector<16xf32>,
        %add3A_491 = arith.constant 9747 : i32
        %add3A_492 = vector.broadcast %add3A_491 : i32 to vector<16xi32>
        %add3A_493 = arith.addi %get3A_401, %add3A_492 : vector<16xi32>
        %gather3A_494 = tpu.vector_load_idx %arg5[%add3A_493] : memref<32832xf32, #tpu.memory_space<vmem>>[vector<16xi32>], vector<16xf32>,
        %add3A_495 = arith.addf %gather3A_490, %gather3A_494 : vector<16xf32>
        %add3A_496 = arith.constant 17955 : i32
        %add3A_497 = vector.broadcast %add3A_496 : i32 to vector<16xi32>
        %add3A_498 = arith.addi %get3A_407, %add3A_497 : vector<16xi32>
        %gather3A_499 = tpu.vector_load_idx %arg5[%add3A_498] : memref<32832xf32, #tpu.memory_space<vmem>>[vector<16xi32>], vector<16xf32>,
        %add3A_500 = arith.addf %add3A_495, %gather3A_499 : vector<16xf32>
        %add3A_501 = arith.constant 26163 : i32
        %add3A_502 = vector.broadcast %add3A_501 : i32 to vector<16xi32>
        %add3A_503 = arith.addi %get3A_413, %add3A_502 : vector<16xi32>
        %gather3A_504 = tpu.vector_load_idx %arg5[%add3A_503] : memref<32832xf32, #tpu.memory_space<vmem>>[vector<16xi32>], vector<16xf32>,
        %add3A_505 = arith.addf %add3A_500, %gather3A_504 : vector<16xf32>
        %mul3A_506 = arith.constant 16 : i32
        %mul3A_507 = arith.muli %scan3A_390, %mul3A_506 : i32
        %add3A_508 = arith.constant 6144 : i32
        %add3A_509 = arith.addi %add3A_508, %mul3A_507 : i32
        %swap3A_510 = arith.index_cast %add3A_509 : i32 to index
        %swap3A_511 = tpu.vector_load %arg7[%swap3A_510] {strides = array<i32>} : memref<32768xf32, #tpu.memory_space<vmem>>, vector<16xf32>,
        tpu.vector_store %arg7[%swap3A_510], %add3A_505 {strides = array<i32>} : memref<32768xf32, #tpu.memory_space<vmem>>, vector<16xf32>,
        %add3A_512 = arith.constant 2052 : i32
        %add3A_513 = vector.broadcast %add3A_512 : i32 to vector<16xi32>
        %add3A_514 = arith.addi %get3A_395, %add3A_513 : vector<16xi32>
        %gather3A_515 = tpu.vector_load_idx %arg5[%add3A_514] : memref<32832xf32, #tpu.memory_space<vmem>>[vector<16xi32>], vector<16xf32>,
        %add3A_516 = arith.constant 10260 : i32
        %add3A_517 = vector.broadcast %add3A_516 : i32 to vector<16xi32>
        %add3A_518 = arith.addi %get3A_401, %add3A_517 : vector<16xi32>
        %gather3A_519 = tpu.vector_load_idx %arg5[%add3A_518] : memref<32832xf32, #tpu.memory_space<vmem>>[vector<16xi32>], vector<16xf32>,
        %add3A_520 = arith.addf %gather3A_515, %gather3A_519 : vector<16xf32>
        %add3A_521 = arith.constant 18468 : i32
        %add3A_522 = vector.broadcast %add3A_521 : i32 to vector<16xi32>
        %add3A_523 = arith.addi %get3A_407, %add3A_522 : vector<16xi32>
        %gather3A_524 = tpu.vector_load_idx %arg5[%add3A_523] : memref<32832xf32, #tpu.memory_space<vmem>>[vector<16xi32>], vector<16xf32>,
        %add3A_525 = arith.addf %add3A_520, %gather3A_524 : vector<16xf32>
        %add3A_526 = arith.constant 26676 : i32
        %add3A_527 = vector.broadcast %add3A_526 : i32 to vector<16xi32>
        %add3A_528 = arith.addi %get3A_413, %add3A_527 : vector<16xi32>
        %gather3A_529 = tpu.vector_load_idx %arg5[%add3A_528] : memref<32832xf32, #tpu.memory_space<vmem>>[vector<16xi32>], vector<16xf32>,
        %add3A_530 = arith.addf %add3A_525, %gather3A_529 : vector<16xf32>
        %mul3A_531 = arith.constant 16 : i32
        %mul3A_532 = arith.muli %scan3A_390, %mul3A_531 : i32
        %add3A_533 = arith.constant 8192 : i32
        %add3A_534 = arith.addi %add3A_533, %mul3A_532 : i32
        %swap3A_535 = arith.index_cast %add3A_534 : i32 to index
        %swap3A_536 = tpu.vector_load %arg7[%swap3A_535] {strides = array<i32>} : memref<32768xf32, #tpu.memory_space<vmem>>, vector<16xf32>,
        tpu.vector_store %arg7[%swap3A_535], %add3A_530 {strides = array<i32>} : memref<32768xf32, #tpu.memory_space<vmem>>, vector<16xf32>,
        %add3A_537 = arith.constant 2565 : i32
        %add3A_538 = vector.broadcast %add3A_537 : i32 to vector<16xi32>
        %add3A_539 = arith.addi %get3A_395, %add3A_538 : vector<16xi32>
        %gather3A_540 = tpu.vector_load_idx %arg5[%add3A_539] : memref<32832xf32, #tpu.memory_space<vmem>>[vector<16xi32>], vector<16xf32>,
        %add3A_541 = arith.constant 10773 : i32
        %add3A_542 = vector.broadcast %add3A_541 : i32 to vector<16xi32>
        %add3A_543 = arith.addi %get3A_401, %add3A_542 : vector<16xi32>
        %gather3A_544 = tpu.vector_load_idx %arg5[%add3A_543] : memref<32832xf32, #tpu.memory_space<vmem>>[vector<16xi32>], vector<16xf32>,
        %add3A_545 = arith.addf %gather3A_540, %gather3A_544 : vector<16xf32>
        %add3A_546 = arith.constant 18981 : i32
        %add3A_547 = vector.broadcast %add3A_546 : i32 to vector<16xi32>
        %add3A_548 = arith.addi %get3A_407, %add3A_547 : vector<16xi32>
        %gather3A_549 = tpu.vector_load_idx %arg5[%add3A_548] : memref<32832xf32, #tpu.memory_space<vmem>>[vector<16xi32>], vector<16xf32>,
        %add3A_550 = arith.addf %add3A_545, %gather3A_549 : vector<16xf32>
        %add3A_551 = arith.constant 27189 : i32
        %add3A_552 = vector.broadcast %add3A_551 : i32 to vector<16xi32>
        %add3A_553 = arith.addi %get3A_413, %add3A_552 : vector<16xi32>
        %gather3A_554 = tpu.vector_load_idx %arg5[%add3A_553] : memref<32832xf32, #tpu.memory_space<vmem>>[vector<16xi32>], vector<16xf32>,
        %add3A_555 = arith.addf %add3A_550, %gather3A_554 : vector<16xf32>
        %mul3A_556 = arith.constant 16 : i32
        %mul3A_557 = arith.muli %scan3A_390, %mul3A_556 : i32
        %add3A_558 = arith.constant 10240 : i32
        %add3A_559 = arith.addi %add3A_558, %mul3A_557 : i32
        %swap3A_560 = arith.index_cast %add3A_559 : i32 to index
        %swap3A_561 = tpu.vector_load %arg7[%swap3A_560] {strides = array<i32>} : memref<32768xf32, #tpu.memory_space<vmem>>, vector<16xf32>,
        tpu.vector_store %arg7[%swap3A_560], %add3A_555 {strides = array<i32>} : memref<32768xf32, #tpu.memory_space<vmem>>, vector<16xf32>,
        %add3A_562 = arith.constant 3078 : i32
        %add3A_563 = vector.broadcast %add3A_562 : i32 to vector<16xi32>
        %add3A_564 = arith.addi %get3A_395, %add3A_563 : vector<16xi32>
        %gather3A_565 = tpu.vector_load_idx %arg5[%add3A_564] : memref<32832xf32, #tpu.memory_space<vmem>>[vector<16xi32>], vector<16xf32>,
        %add3A_566 = arith.constant 11286 : i32
        %add3A_567 = vector.broadcast %add3A_566 : i32 to vector<16xi32>
        %add3A_568 = arith.addi %get3A_401, %add3A_567 : vector<16xi32>
        %gather3A_569 = tpu.vector_load_idx %arg5[%add3A_568] : memref<32832xf32, #tpu.memory_space<vmem>>[vector<16xi32>], vector<16xf32>,
        %add3A_570 = arith.addf %gather3A_565, %gather3A_569 : vector<16xf32>
        %add3A_571 = arith.constant 19494 : i32
        %add3A_572 = vector.broadcast %add3A_571 : i32 to vector<16xi32>
        %add3A_573 = arith.addi %get3A_407, %add3A_572 : vector<16xi32>
        %gather3A_574 = tpu.vector_load_idx %arg5[%add3A_573] : memref<32832xf32, #tpu.memory_space<vmem>>[vector<16xi32>], vector<16xf32>,
        %add3A_575 = arith.addf %add3A_570, %gather3A_574 : vector<16xf32>
        %add3A_576 = arith.constant 27702 : i32
        %add3A_577 = vector.broadcast %add3A_576 : i32 to vector<16xi32>
        %add3A_578 = arith.addi %get3A_413, %add3A_577 : vector<16xi32>
        %gather3A_579 = tpu.vector_load_idx %arg5[%add3A_578] : memref<32832xf32, #tpu.memory_space<vmem>>[vector<16xi32>], vector<16xf32>,
        %add3A_580 = arith.addf %add3A_575, %gather3A_579 : vector<16xf32>
        %mul3A_581 = arith.constant 16 : i32
        %mul3A_582 = arith.muli %scan3A_390, %mul3A_581 : i32
        %add3A_583 = arith.constant 12288 : i32
        %add3A_584 = arith.addi %add3A_583, %mul3A_582 : i32
        %swap3A_585 = arith.index_cast %add3A_584 : i32 to index
        %swap3A_586 = tpu.vector_load %arg7[%swap3A_585] {strides = array<i32>} : memref<32768xf32, #tpu.memory_space<vmem>>, vector<16xf32>,
        tpu.vector_store %arg7[%swap3A_585], %add3A_580 {strides = array<i32>} : memref<32768xf32, #tpu.memory_space<vmem>>, vector<16xf32>,
        %add3A_587 = arith.constant 3591 : i32
        %add3A_588 = vector.broadcast %add3A_587 : i32 to vector<16xi32>
        %add3A_589 = arith.addi %get3A_395, %add3A_588 : vector<16xi32>
        %gather3A_590 = tpu.vector_load_idx %arg5[%add3A_589] : memref<32832xf32, #tpu.memory_space<vmem>>[vector<16xi32>], vector<16xf32>,
        %add3A_591 = arith.constant 11799 : i32
        %add3A_592 = vector.broadcast %add3A_591 : i32 to vector<16xi32>
        %add3A_593 = arith.addi %get3A_401, %add3A_592 : vector<16xi32>
        %gather3A_594 = tpu.vector_load_idx %arg5[%add3A_593] : memref<32832xf32, #tpu.memory_space<vmem>>[vector<16xi32>], vector<16xf32>,
        %add3A_595 = arith.addf %gather3A_590, %gather3A_594 : vector<16xf32>
        %add3A_596 = arith.constant 20007 : i32
        %add3A_597 = vector.broadcast %add3A_596 : i32 to vector<16xi32>
        %add3A_598 = arith.addi %get3A_407, %add3A_597 : vector<16xi32>
        %gather3A_599 = tpu.vector_load_idx %arg5[%add3A_598] : memref<32832xf32, #tpu.memory_space<vmem>>[vector<16xi32>], vector<16xf32>,
        %add3A_600 = arith.addf %add3A_595, %gather3A_599 : vector<16xf32>
        %add3A_601 = arith.constant 28215 : i32
        %add3A_602 = vector.broadcast %add3A_601 : i32 to vector<16xi32>
        %add3A_603 = arith.addi %get3A_413, %add3A_602 : vector<16xi32>
        %gather3A_604 = tpu.vector_load_idx %arg5[%add3A_603] : memref<32832xf32, #tpu.memory_space<vmem>>[vector<16xi32>], vector<16xf32>,
        %add3A_605 = arith.addf %add3A_600, %gather3A_604 : vector<16xf32>
        %mul3A_606 = arith.constant 16 : i32
        %mul3A_607 = arith.muli %scan3A_390, %mul3A_606 : i32
        %add3A_608 = arith.constant 14336 : i32
        %add3A_609 = arith.addi %add3A_608, %mul3A_607 : i32
        %swap3A_610 = arith.index_cast %add3A_609 : i32 to index
        %swap3A_611 = tpu.vector_load %arg7[%swap3A_610] {strides = array<i32>} : memref<32768xf32, #tpu.memory_space<vmem>>, vector<16xf32>,
        tpu.vector_store %arg7[%swap3A_610], %add3A_605 {strides = array<i32>} : memref<32768xf32, #tpu.memory_space<vmem>>, vector<16xf32>,
        %add3A_612 = arith.constant 4104 : i32
        %add3A_613 = vector.broadcast %add3A_612 : i32 to vector<16xi32>
        %add3A_614 = arith.addi %get3A_395, %add3A_613 : vector<16xi32>
        %gather3A_615 = tpu.vector_load_idx %arg5[%add3A_614] : memref<32832xf32, #tpu.memory_space<vmem>>[vector<16xi32>], vector<16xf32>,
        %add3A_616 = arith.constant 12312 : i32
        %add3A_617 = vector.broadcast %add3A_616 : i32 to vector<16xi32>
        %add3A_618 = arith.addi %get3A_401, %add3A_617 : vector<16xi32>
        %gather3A_619 = tpu.vector_load_idx %arg5[%add3A_618] : memref<32832xf32, #tpu.memory_space<vmem>>[vector<16xi32>], vector<16xf32>,
        %add3A_620 = arith.addf %gather3A_615, %gather3A_619 : vector<16xf32>
        %add3A_621 = arith.constant 20520 : i32
        %add3A_622 = vector.broadcast %add3A_621 : i32 to vector<16xi32>
        %add3A_623 = arith.addi %get3A_407, %add3A_622 : vector<16xi32>
        %gather3A_624 = tpu.vector_load_idx %arg5[%add3A_623] : memref<32832xf32, #tpu.memory_space<vmem>>[vector<16xi32>], vector<16xf32>,
        %add3A_625 = arith.addf %add3A_620, %gather3A_624 : vector<16xf32>
        %add3A_626 = arith.constant 28728 : i32
        %add3A_627 = vector.broadcast %add3A_626 : i32 to vector<16xi32>
        %add3A_628 = arith.addi %get3A_413, %add3A_627 : vector<16xi32>
        %gather3A_629 = tpu.vector_load_idx %arg5[%add3A_628] : memref<32832xf32, #tpu.memory_space<vmem>>[vector<16xi32>], vector<16xf32>,
        %add3A_630 = arith.addf %add3A_625, %gather3A_629 : vector<16xf32>
        %mul3A_631 = arith.constant 16 : i32
        %mul3A_632 = arith.muli %scan3A_390, %mul3A_631 : i32
        %add3A_633 = arith.constant 16384 : i32
        %add3A_634 = arith.addi %add3A_633, %mul3A_632 : i32
        %swap3A_635 = arith.index_cast %add3A_634 : i32 to index
        %swap3A_636 = tpu.vector_load %arg7[%swap3A_635] {strides = array<i32>} : memref<32768xf32, #tpu.memory_space<vmem>>, vector<16xf32>,
        tpu.vector_store %arg7[%swap3A_635], %add3A_630 {strides = array<i32>} : memref<32768xf32, #tpu.memory_space<vmem>>, vector<16xf32>,
        %add3A_637 = arith.constant 4617 : i32
        %add3A_638 = vector.broadcast %add3A_637 : i32 to vector<16xi32>
        %add3A_639 = arith.addi %get3A_395, %add3A_638 : vector<16xi32>
        %gather3A_640 = tpu.vector_load_idx %arg5[%add3A_639] : memref<32832xf32, #tpu.memory_space<vmem>>[vector<16xi32>], vector<16xf32>,
        %add3A_641 = arith.constant 12825 : i32
        %add3A_642 = vector.broadcast %add3A_641 : i32 to vector<16xi32>
        %add3A_643 = arith.addi %get3A_401, %add3A_642 : vector<16xi32>
        %gather3A_644 = tpu.vector_load_idx %arg5[%add3A_643] : memref<32832xf32, #tpu.memory_space<vmem>>[vector<16xi32>], vector<16xf32>,
        %add3A_645 = arith.addf %gather3A_640, %gather3A_644 : vector<16xf32>
        %add3A_646 = arith.constant 21033 : i32
        %add3A_647 = vector.broadcast %add3A_646 : i32 to vector<16xi32>
        %add3A_648 = arith.addi %get3A_407, %add3A_647 : vector<16xi32>
        %gather3A_649 = tpu.vector_load_idx %arg5[%add3A_648] : memref<32832xf32, #tpu.memory_space<vmem>>[vector<16xi32>], vector<16xf32>,
        %add3A_650 = arith.addf %add3A_645, %gather3A_649 : vector<16xf32>
        %add3A_651 = arith.constant 29241 : i32
        %add3A_652 = vector.broadcast %add3A_651 : i32 to vector<16xi32>
        %add3A_653 = arith.addi %get3A_413, %add3A_652 : vector<16xi32>
        %gather3A_654 = tpu.vector_load_idx %arg5[%add3A_653] : memref<32832xf32, #tpu.memory_space<vmem>>[vector<16xi32>], vector<16xf32>,
        %add3A_655 = arith.addf %add3A_650, %gather3A_654 : vector<16xf32>
        %mul3A_656 = arith.constant 16 : i32
        %mul3A_657 = arith.muli %scan3A_390, %mul3A_656 : i32
        %add3A_658 = arith.constant 18432 : i32
        %add3A_659 = arith.addi %add3A_658, %mul3A_657 : i32
        %swap3A_660 = arith.index_cast %add3A_659 : i32 to index
        %swap3A_661 = tpu.vector_load %arg7[%swap3A_660] {strides = array<i32>} : memref<32768xf32, #tpu.memory_space<vmem>>, vector<16xf32>,
        tpu.vector_store %arg7[%swap3A_660], %add3A_655 {strides = array<i32>} : memref<32768xf32, #tpu.memory_space<vmem>>, vector<16xf32>,
        %add3A_662 = arith.constant 5130 : i32
        %add3A_663 = vector.broadcast %add3A_662 : i32 to vector<16xi32>
        %add3A_664 = arith.addi %get3A_395, %add3A_663 : vector<16xi32>
        %gather3A_665 = tpu.vector_load_idx %arg5[%add3A_664] : memref<32832xf32, #tpu.memory_space<vmem>>[vector<16xi32>], vector<16xf32>,
        %add3A_666 = arith.constant 13338 : i32
        %add3A_667 = vector.broadcast %add3A_666 : i32 to vector<16xi32>
        %add3A_668 = arith.addi %get3A_401, %add3A_667 : vector<16xi32>
        %gather3A_669 = tpu.vector_load_idx %arg5[%add3A_668] : memref<32832xf32, #tpu.memory_space<vmem>>[vector<16xi32>], vector<16xf32>,
        %add3A_670 = arith.addf %gather3A_665, %gather3A_669 : vector<16xf32>
        %add3A_671 = arith.constant 21546 : i32
        %add3A_672 = vector.broadcast %add3A_671 : i32 to vector<16xi32>
        %add3A_673 = arith.addi %get3A_407, %add3A_672 : vector<16xi32>
        %gather3A_674 = tpu.vector_load_idx %arg5[%add3A_673] : memref<32832xf32, #tpu.memory_space<vmem>>[vector<16xi32>], vector<16xf32>,
        %add3A_675 = arith.addf %add3A_670, %gather3A_674 : vector<16xf32>
        %add3A_676 = arith.constant 29754 : i32
        %add3A_677 = vector.broadcast %add3A_676 : i32 to vector<16xi32>
        %add3A_678 = arith.addi %get3A_413, %add3A_677 : vector<16xi32>
        %gather3A_679 = tpu.vector_load_idx %arg5[%add3A_678] : memref<32832xf32, #tpu.memory_space<vmem>>[vector<16xi32>], vector<16xf32>,
        %add3A_680 = arith.addf %add3A_675, %gather3A_679 : vector<16xf32>
        %mul3A_681 = arith.constant 16 : i32
        %mul3A_682 = arith.muli %scan3A_390, %mul3A_681 : i32
        %add3A_683 = arith.constant 20480 : i32
        %add3A_684 = arith.addi %add3A_683, %mul3A_682 : i32
        %swap3A_685 = arith.index_cast %add3A_684 : i32 to index
        %swap3A_686 = tpu.vector_load %arg7[%swap3A_685] {strides = array<i32>} : memref<32768xf32, #tpu.memory_space<vmem>>, vector<16xf32>,
        tpu.vector_store %arg7[%swap3A_685], %add3A_680 {strides = array<i32>} : memref<32768xf32, #tpu.memory_space<vmem>>, vector<16xf32>,
        %add3A_687 = arith.constant 5643 : i32
        %add3A_688 = vector.broadcast %add3A_687 : i32 to vector<16xi32>
        %add3A_689 = arith.addi %get3A_395, %add3A_688 : vector<16xi32>
        %gather3A_690 = tpu.vector_load_idx %arg5[%add3A_689] : memref<32832xf32, #tpu.memory_space<vmem>>[vector<16xi32>], vector<16xf32>,
        %add3A_691 = arith.constant 13851 : i32
        %add3A_692 = vector.broadcast %add3A_691 : i32 to vector<16xi32>
        %add3A_693 = arith.addi %get3A_401, %add3A_692 : vector<16xi32>
        %gather3A_694 = tpu.vector_load_idx %arg5[%add3A_693] : memref<32832xf32, #tpu.memory_space<vmem>>[vector<16xi32>], vector<16xf32>,
        %add3A_695 = arith.addf %gather3A_690, %gather3A_694 : vector<16xf32>
        %add3A_696 = arith.constant 22059 : i32
        %add3A_697 = vector.broadcast %add3A_696 : i32 to vector<16xi32>
        %add3A_698 = arith.addi %get3A_407, %add3A_697 : vector<16xi32>
        %gather3A_699 = tpu.vector_load_idx %arg5[%add3A_698] : memref<32832xf32, #tpu.memory_space<vmem>>[vector<16xi32>], vector<16xf32>,
        %add3A_700 = arith.addf %add3A_695, %gather3A_699 : vector<16xf32>
        %add3A_701 = arith.constant 30267 : i32
        %add3A_702 = vector.broadcast %add3A_701 : i32 to vector<16xi32>
        %add3A_703 = arith.addi %get3A_413, %add3A_702 : vector<16xi32>
        %gather3A_704 = tpu.vector_load_idx %arg5[%add3A_703] : memref<32832xf32, #tpu.memory_space<vmem>>[vector<16xi32>], vector<16xf32>,
        %add3A_705 = arith.addf %add3A_700, %gather3A_704 : vector<16xf32>
        %mul3A_706 = arith.constant 16 : i32
        %mul3A_707 = arith.muli %scan3A_390, %mul3A_706 : i32
        %add3A_708 = arith.constant 22528 : i32
        %add3A_709 = arith.addi %add3A_708, %mul3A_707 : i32
        %swap3A_710 = arith.index_cast %add3A_709 : i32 to index
        %swap3A_711 = tpu.vector_load %arg7[%swap3A_710] {strides = array<i32>} : memref<32768xf32, #tpu.memory_space<vmem>>, vector<16xf32>,
        tpu.vector_store %arg7[%swap3A_710], %add3A_705 {strides = array<i32>} : memref<32768xf32, #tpu.memory_space<vmem>>, vector<16xf32>,
        %add3A_712 = arith.constant 6156 : i32
        %add3A_713 = vector.broadcast %add3A_712 : i32 to vector<16xi32>
        %add3A_714 = arith.addi %get3A_395, %add3A_713 : vector<16xi32>
        %gather3A_715 = tpu.vector_load_idx %arg5[%add3A_714] : memref<32832xf32, #tpu.memory_space<vmem>>[vector<16xi32>], vector<16xf32>,
        %add3A_716 = arith.constant 14364 : i32
        %add3A_717 = vector.broadcast %add3A_716 : i32 to vector<16xi32>
        %add3A_718 = arith.addi %get3A_401, %add3A_717 : vector<16xi32>
        %gather3A_719 = tpu.vector_load_idx %arg5[%add3A_718] : memref<32832xf32, #tpu.memory_space<vmem>>[vector<16xi32>], vector<16xf32>,
        %add3A_720 = arith.addf %gather3A_715, %gather3A_719 : vector<16xf32>
        %add3A_721 = arith.constant 22572 : i32
        %add3A_722 = vector.broadcast %add3A_721 : i32 to vector<16xi32>
        %add3A_723 = arith.addi %get3A_407, %add3A_722 : vector<16xi32>
        %gather3A_724 = tpu.vector_load_idx %arg5[%add3A_723] : memref<32832xf32, #tpu.memory_space<vmem>>[vector<16xi32>], vector<16xf32>,
        %add3A_725 = arith.addf %add3A_720, %gather3A_724 : vector<16xf32>
        %add3A_726 = arith.constant 30780 : i32
        %add3A_727 = vector.broadcast %add3A_726 : i32 to vector<16xi32>
        %add3A_728 = arith.addi %get3A_413, %add3A_727 : vector<16xi32>
        %gather3A_729 = tpu.vector_load_idx %arg5[%add3A_728] : memref<32832xf32, #tpu.memory_space<vmem>>[vector<16xi32>], vector<16xf32>,
        %add3A_730 = arith.addf %add3A_725, %gather3A_729 : vector<16xf32>
        %mul3A_731 = arith.constant 16 : i32
        %mul3A_732 = arith.muli %scan3A_390, %mul3A_731 : i32
        %add3A_733 = arith.constant 24576 : i32
        %add3A_734 = arith.addi %add3A_733, %mul3A_732 : i32
        %swap3A_735 = arith.index_cast %add3A_734 : i32 to index
        %swap3A_736 = tpu.vector_load %arg7[%swap3A_735] {strides = array<i32>} : memref<32768xf32, #tpu.memory_space<vmem>>, vector<16xf32>,
        tpu.vector_store %arg7[%swap3A_735], %add3A_730 {strides = array<i32>} : memref<32768xf32, #tpu.memory_space<vmem>>, vector<16xf32>,
        %add3A_737 = arith.constant 6669 : i32
        %add3A_738 = vector.broadcast %add3A_737 : i32 to vector<16xi32>
        %add3A_739 = arith.addi %get3A_395, %add3A_738 : vector<16xi32>
        %gather3A_740 = tpu.vector_load_idx %arg5[%add3A_739] : memref<32832xf32, #tpu.memory_space<vmem>>[vector<16xi32>], vector<16xf32>,
        %add3A_741 = arith.constant 14877 : i32
        %add3A_742 = vector.broadcast %add3A_741 : i32 to vector<16xi32>
        %add3A_743 = arith.addi %get3A_401, %add3A_742 : vector<16xi32>
        %gather3A_744 = tpu.vector_load_idx %arg5[%add3A_743] : memref<32832xf32, #tpu.memory_space<vmem>>[vector<16xi32>], vector<16xf32>,
        %add3A_745 = arith.addf %gather3A_740, %gather3A_744 : vector<16xf32>
        %add3A_746 = arith.constant 23085 : i32
        %add3A_747 = vector.broadcast %add3A_746 : i32 to vector<16xi32>
        %add3A_748 = arith.addi %get3A_407, %add3A_747 : vector<16xi32>
        %gather3A_749 = tpu.vector_load_idx %arg5[%add3A_748] : memref<32832xf32, #tpu.memory_space<vmem>>[vector<16xi32>], vector<16xf32>,
        %add3A_750 = arith.addf %add3A_745, %gather3A_749 : vector<16xf32>
        %add3A_751 = arith.constant 31293 : i32
        %add3A_752 = vector.broadcast %add3A_751 : i32 to vector<16xi32>
        %add3A_753 = arith.addi %get3A_413, %add3A_752 : vector<16xi32>
        %gather3A_754 = tpu.vector_load_idx %arg5[%add3A_753] : memref<32832xf32, #tpu.memory_space<vmem>>[vector<16xi32>], vector<16xf32>,
        %add3A_755 = arith.addf %add3A_750, %gather3A_754 : vector<16xf32>
        %mul3A_756 = arith.constant 16 : i32
        %mul3A_757 = arith.muli %scan3A_390, %mul3A_756 : i32
        %add3A_758 = arith.constant 26624 : i32
        %add3A_759 = arith.addi %add3A_758, %mul3A_757 : i32
        %swap3A_760 = arith.index_cast %add3A_759 : i32 to index
        %swap3A_761 = tpu.vector_load %arg7[%swap3A_760] {strides = array<i32>} : memref<32768xf32, #tpu.memory_space<vmem>>, vector<16xf32>,
        tpu.vector_store %arg7[%swap3A_760], %add3A_755 {strides = array<i32>} : memref<32768xf32, #tpu.memory_space<vmem>>, vector<16xf32>,
        %add3A_762 = arith.constant 7182 : i32
        %add3A_763 = vector.broadcast %add3A_762 : i32 to vector<16xi32>
        %add3A_764 = arith.addi %get3A_395, %add3A_763 : vector<16xi32>
        %gather3A_765 = tpu.vector_load_idx %arg5[%add3A_764] : memref<32832xf32, #tpu.memory_space<vmem>>[vector<16xi32>], vector<16xf32>,
        %add3A_766 = arith.constant 15390 : i32
        %add3A_767 = vector.broadcast %add3A_766 : i32 to vector<16xi32>
        %add3A_768 = arith.addi %get3A_401, %add3A_767 : vector<16xi32>
        %gather3A_769 = tpu.vector_load_idx %arg5[%add3A_768] : memref<32832xf32, #tpu.memory_space<vmem>>[vector<16xi32>], vector<16xf32>,
        %add3A_770 = arith.addf %gather3A_765, %gather3A_769 : vector<16xf32>
        %add3A_771 = arith.constant 23598 : i32
        %add3A_772 = vector.broadcast %add3A_771 : i32 to vector<16xi32>
        %add3A_773 = arith.addi %get3A_407, %add3A_772 : vector<16xi32>
        %gather3A_774 = tpu.vector_load_idx %arg5[%add3A_773] : memref<32832xf32, #tpu.memory_space<vmem>>[vector<16xi32>], vector<16xf32>,
        %add3A_775 = arith.addf %add3A_770, %gather3A_774 : vector<16xf32>
        %add3A_776 = arith.constant 31806 : i32
        %add3A_777 = vector.broadcast %add3A_776 : i32 to vector<16xi32>
        %add3A_778 = arith.addi %get3A_413, %add3A_777 : vector<16xi32>
        %gather3A_779 = tpu.vector_load_idx %arg5[%add3A_778] : memref<32832xf32, #tpu.memory_space<vmem>>[vector<16xi32>], vector<16xf32>,
        %add3A_780 = arith.addf %add3A_775, %gather3A_779 : vector<16xf32>
        %mul3A_781 = arith.constant 16 : i32
        %mul3A_782 = arith.muli %scan3A_390, %mul3A_781 : i32
        %add3A_783 = arith.constant 28672 : i32
        %add3A_784 = arith.addi %add3A_783, %mul3A_782 : i32
        %swap3A_785 = arith.index_cast %add3A_784 : i32 to index
        %swap3A_786 = tpu.vector_load %arg7[%swap3A_785] {strides = array<i32>} : memref<32768xf32, #tpu.memory_space<vmem>>, vector<16xf32>,
        tpu.vector_store %arg7[%swap3A_785], %add3A_780 {strides = array<i32>} : memref<32768xf32, #tpu.memory_space<vmem>>, vector<16xf32>,
        %add3A_787 = arith.constant 7695 : i32
        %add3A_788 = vector.broadcast %add3A_787 : i32 to vector<16xi32>
        %add3A_789 = arith.addi %get3A_395, %add3A_788 : vector<16xi32>
        %gather3A_790 = tpu.vector_load_idx %arg5[%add3A_789] : memref<32832xf32, #tpu.memory_space<vmem>>[vector<16xi32>], vector<16xf32>,
        %add3A_791 = arith.constant 15903 : i32
        %add3A_792 = vector.broadcast %add3A_791 : i32 to vector<16xi32>
        %add3A_793 = arith.addi %get3A_401, %add3A_792 : vector<16xi32>
        %gather3A_794 = tpu.vector_load_idx %arg5[%add3A_793] : memref<32832xf32, #tpu.memory_space<vmem>>[vector<16xi32>], vector<16xf32>,
        %add3A_795 = arith.addf %gather3A_790, %gather3A_794 : vector<16xf32>
        %add3A_796 = arith.constant 24111 : i32
        %add3A_797 = vector.broadcast %add3A_796 : i32 to vector<16xi32>
        %add3A_798 = arith.addi %get3A_407, %add3A_797 : vector<16xi32>
        %gather3A_799 = tpu.vector_load_idx %arg5[%add3A_798] : memref<32832xf32, #tpu.memory_space<vmem>>[vector<16xi32>], vector<16xf32>,
        %add3A_800 = arith.addf %add3A_795, %gather3A_799 : vector<16xf32>
        %add3A_801 = arith.constant 32319 : i32
        %add3A_802 = vector.broadcast %add3A_801 : i32 to vector<16xi32>
        %add3A_803 = arith.addi %get3A_413, %add3A_802 : vector<16xi32>
        %gather3A_804 = tpu.vector_load_idx %arg5[%add3A_803] : memref<32832xf32, #tpu.memory_space<vmem>>[vector<16xi32>], vector<16xf32>,
        %add3A_805 = arith.addf %add3A_800, %gather3A_804 : vector<16xf32>
        %mul3A_806 = arith.constant 16 : i32
        %mul3A_807 = arith.muli %scan3A_390, %mul3A_806 : i32
        %add3A_808 = arith.constant 30720 : i32
        %add3A_809 = arith.addi %add3A_808, %mul3A_807 : i32
        %swap3A_810 = arith.index_cast %add3A_809 : i32 to index
        %swap3A_811 = tpu.vector_load %arg7[%swap3A_810] {strides = array<i32>} : memref<32768xf32, #tpu.memory_space<vmem>>, vector<16xf32>,
        tpu.vector_store %arg7[%swap3A_810], %add3A_805 {strides = array<i32>} : memref<32768xf32, #tpu.memory_space<vmem>>, vector<16xf32>,
        %mul3A_812 = arith.constant 16 : i32
        %mul3A_813 = arith.muli %scan3A_390, %mul3A_812 : i32
        %add3A_814 = arith.constant 512 : i32
        %add3A_815 = arith.addi %add3A_814, %mul3A_813 : i32
        %get3A_816 = arith.index_cast %add3A_815 : i32 to index
        %get3A_817 = tpu.vector_load %arg6[%get3A_816] {strides = array<i32>} : memref<8192xi32, #tpu.memory_space<vmem>>, vector<16xi32>,
        %mul3A_818 = arith.constant 16 : i32
        %mul3A_819 = arith.muli %scan3A_390, %mul3A_818 : i32
        %add3A_820 = arith.constant 2560 : i32
        %add3A_821 = arith.addi %add3A_820, %mul3A_819 : i32
        %get3A_822 = arith.index_cast %add3A_821 : i32 to index
        %get3A_823 = tpu.vector_load %arg6[%get3A_822] {strides = array<i32>} : memref<8192xi32, #tpu.memory_space<vmem>>, vector<16xi32>,
        %mul3A_824 = arith.constant 16 : i32
        %mul3A_825 = arith.muli %scan3A_390, %mul3A_824 : i32
        %add3A_826 = arith.constant 4608 : i32
        %add3A_827 = arith.addi %add3A_826, %mul3A_825 : i32
        %get3A_828 = arith.index_cast %add3A_827 : i32 to index
        %get3A_829 = tpu.vector_load %arg6[%get3A_828] {strides = array<i32>} : memref<8192xi32, #tpu.memory_space<vmem>>, vector<16xi32>,
        %mul3A_830 = arith.constant 16 : i32
        %mul3A_831 = arith.muli %scan3A_390, %mul3A_830 : i32
        %add3A_832 = arith.constant 6656 : i32
        %add3A_833 = arith.addi %add3A_832, %mul3A_831 : i32
        %get3A_834 = arith.index_cast %add3A_833 : i32 to index
        %get3A_835 = tpu.vector_load %arg6[%get3A_834] {strides = array<i32>} : memref<8192xi32, #tpu.memory_space<vmem>>, vector<16xi32>,
        %add3A_836 = arith.constant 0 : i32
        %add3A_837 = vector.broadcast %add3A_836 : i32 to vector<16xi32>
        %add3A_838 = arith.addi %get3A_817, %add3A_837 : vector<16xi32>
        %gather3A_839 = tpu.vector_load_idx %arg5[%add3A_838] : memref<32832xf32, #tpu.memory_space<vmem>>[vector<16xi32>], vector<16xf32>,
        %add3A_840 = arith.constant 8208 : i32
        %add3A_841 = vector.broadcast %add3A_840 : i32 to vector<16xi32>
        %add3A_842 = arith.addi %get3A_823, %add3A_841 : vector<16xi32>
        %gather3A_843 = tpu.vector_load_idx %arg5[%add3A_842] : memref<32832xf32, #tpu.memory_space<vmem>>[vector<16xi32>], vector<16xf32>,
        %add3A_844 = arith.addf %gather3A_839, %gather3A_843 : vector<16xf32>
        %add3A_845 = arith.constant 16416 : i32
        %add3A_846 = vector.broadcast %add3A_845 : i32 to vector<16xi32>
        %add3A_847 = arith.addi %get3A_829, %add3A_846 : vector<16xi32>
        %gather3A_848 = tpu.vector_load_idx %arg5[%add3A_847] : memref<32832xf32, #tpu.memory_space<vmem>>[vector<16xi32>], vector<16xf32>,
        %add3A_849 = arith.addf %add3A_844, %gather3A_848 : vector<16xf32>
        %add3A_850 = arith.constant 24624 : i32
        %add3A_851 = vector.broadcast %add3A_850 : i32 to vector<16xi32>
        %add3A_852 = arith.addi %get3A_835, %add3A_851 : vector<16xi32>
        %gather3A_853 = tpu.vector_load_idx %arg5[%add3A_852] : memref<32832xf32, #tpu.memory_space<vmem>>[vector<16xi32>], vector<16xf32>,
        %add3A_854 = arith.addf %add3A_849, %gather3A_853 : vector<16xf32>
        %mul3A_855 = arith.constant 16 : i32
        %mul3A_856 = arith.muli %scan3A_390, %mul3A_855 : i32
        %add3A_857 = arith.constant 512 : i32
        %add3A_858 = arith.addi %add3A_857, %mul3A_856 : i32
        %swap3A_859 = arith.index_cast %add3A_858 : i32 to index
        %swap3A_860 = tpu.vector_load %arg7[%swap3A_859] {strides = array<i32>} : memref<32768xf32, #tpu.memory_space<vmem>>, vector<16xf32>,
        tpu.vector_store %arg7[%swap3A_859], %add3A_854 {strides = array<i32>} : memref<32768xf32, #tpu.memory_space<vmem>>, vector<16xf32>,
        %add3A_861 = arith.constant 513 : i32
        %add3A_862 = vector.broadcast %add3A_861 : i32 to vector<16xi32>
        %add3A_863 = arith.addi %get3A_817, %add3A_862 : vector<16xi32>
        %gather3A_864 = tpu.vector_load_idx %arg5[%add3A_863] : memref<32832xf32, #tpu.memory_space<vmem>>[vector<16xi32>], vector<16xf32>,
        %add3A_865 = arith.constant 8721 : i32
        %add3A_866 = vector.broadcast %add3A_865 : i32 to vector<16xi32>
        %add3A_867 = arith.addi %get3A_823, %add3A_866 : vector<16xi32>
        %gather3A_868 = tpu.vector_load_idx %arg5[%add3A_867] : memref<32832xf32, #tpu.memory_space<vmem>>[vector<16xi32>], vector<16xf32>,
        %add3A_869 = arith.addf %gather3A_864, %gather3A_868 : vector<16xf32>
        %add3A_870 = arith.constant 16929 : i32
        %add3A_871 = vector.broadcast %add3A_870 : i32 to vector<16xi32>
        %add3A_872 = arith.addi %get3A_829, %add3A_871 : vector<16xi32>
        %gather3A_873 = tpu.vector_load_idx %arg5[%add3A_872] : memref<32832xf32, #tpu.memory_space<vmem>>[vector<16xi32>], vector<16xf32>,
        %add3A_874 = arith.addf %add3A_869, %gather3A_873 : vector<16xf32>
        %add3A_875 = arith.constant 25137 : i32
        %add3A_876 = vector.broadcast %add3A_875 : i32 to vector<16xi32>
        %add3A_877 = arith.addi %get3A_835, %add3A_876 : vector<16xi32>
        %gather3A_878 = tpu.vector_load_idx %arg5[%add3A_877] : memref<32832xf32, #tpu.memory_space<vmem>>[vector<16xi32>], vector<16xf32>,
        %add3A_879 = arith.addf %add3A_874, %gather3A_878 : vector<16xf32>
        %mul3A_880 = arith.constant 16 : i32
        %mul3A_881 = arith.muli %scan3A_390, %mul3A_880 : i32
        %add3A_882 = arith.constant 2560 : i32
        %add3A_883 = arith.addi %add3A_882, %mul3A_881 : i32
        %swap3A_884 = arith.index_cast %add3A_883 : i32 to index
        %swap3A_885 = tpu.vector_load %arg7[%swap3A_884] {strides = array<i32>} : memref<32768xf32, #tpu.memory_space<vmem>>, vector<16xf32>,
        tpu.vector_store %arg7[%swap3A_884], %add3A_879 {strides = array<i32>} : memref<32768xf32, #tpu.memory_space<vmem>>, vector<16xf32>,
        %add3A_886 = arith.constant 1026 : i32
        %add3A_887 = vector.broadcast %add3A_886 : i32 to vector<16xi32>
        %add3A_888 = arith.addi %get3A_817, %add3A_887 : vector<16xi32>
        %gather3A_889 = tpu.vector_load_idx %arg5[%add3A_888] : memref<32832xf32, #tpu.memory_space<vmem>>[vector<16xi32>], vector<16xf32>,
        %add3A_890 = arith.constant 9234 : i32
        %add3A_891 = vector.broadcast %add3A_890 : i32 to vector<16xi32>
        %add3A_892 = arith.addi %get3A_823, %add3A_891 : vector<16xi32>
        %gather3A_893 = tpu.vector_load_idx %arg5[%add3A_892] : memref<32832xf32, #tpu.memory_space<vmem>>[vector<16xi32>], vector<16xf32>,
        %add3A_894 = arith.addf %gather3A_889, %gather3A_893 : vector<16xf32>
        %add3A_895 = arith.constant 17442 : i32
        %add3A_896 = vector.broadcast %add3A_895 : i32 to vector<16xi32>
        %add3A_897 = arith.addi %get3A_829, %add3A_896 : vector<16xi32>
        %gather3A_898 = tpu.vector_load_idx %arg5[%add3A_897] : memref<32832xf32, #tpu.memory_space<vmem>>[vector<16xi32>], vector<16xf32>,
        %add3A_899 = arith.addf %add3A_894, %gather3A_898 : vector<16xf32>
        %add3A_900 = arith.constant 25650 : i32
        %add3A_901 = vector.broadcast %add3A_900 : i32 to vector<16xi32>
        %add3A_902 = arith.addi %get3A_835, %add3A_901 : vector<16xi32>
        %gather3A_903 = tpu.vector_load_idx %arg5[%add3A_902] : memref<32832xf32, #tpu.memory_space<vmem>>[vector<16xi32>], vector<16xf32>,
        %add3A_904 = arith.addf %add3A_899, %gather3A_903 : vector<16xf32>
        %mul3A_905 = arith.constant 16 : i32
        %mul3A_906 = arith.muli %scan3A_390, %mul3A_905 : i32
        %add3A_907 = arith.constant 4608 : i32
        %add3A_908 = arith.addi %add3A_907, %mul3A_906 : i32
        %swap3A_909 = arith.index_cast %add3A_908 : i32 to index
        %swap3A_910 = tpu.vector_load %arg7[%swap3A_909] {strides = array<i32>} : memref<32768xf32, #tpu.memory_space<vmem>>, vector<16xf32>,
        tpu.vector_store %arg7[%swap3A_909], %add3A_904 {strides = array<i32>} : memref<32768xf32, #tpu.memory_space<vmem>>, vector<16xf32>,
        %add3A_911 = arith.constant 1539 : i32
        %add3A_912 = vector.broadcast %add3A_911 : i32 to vector<16xi32>
        %add3A_913 = arith.addi %get3A_817, %add3A_912 : vector<16xi32>
        %gather3A_914 = tpu.vector_load_idx %arg5[%add3A_913] : memref<32832xf32, #tpu.memory_space<vmem>>[vector<16xi32>], vector<16xf32>,
        %add3A_915 = arith.constant 9747 : i32
        %add3A_916 = vector.broadcast %add3A_915 : i32 to vector<16xi32>
        %add3A_917 = arith.addi %get3A_823, %add3A_916 : vector<16xi32>
        %gather3A_918 = tpu.vector_load_idx %arg5[%add3A_917] : memref<32832xf32, #tpu.memory_space<vmem>>[vector<16xi32>], vector<16xf32>,
        %add3A_919 = arith.addf %gather3A_914, %gather3A_918 : vector<16xf32>
        %add3A_920 = arith.constant 17955 : i32
        %add3A_921 = vector.broadcast %add3A_920 : i32 to vector<16xi32>
        %add3A_922 = arith.addi %get3A_829, %add3A_921 : vector<16xi32>
        %gather3A_923 = tpu.vector_load_idx %arg5[%add3A_922] : memref<32832xf32, #tpu.memory_space<vmem>>[vector<16xi32>], vector<16xf32>,
        %add3A_924 = arith.addf %add3A_919, %gather3A_923 : vector<16xf32>
        %add3A_925 = arith.constant 26163 : i32
        %add3A_926 = vector.broadcast %add3A_925 : i32 to vector<16xi32>
        %add3A_927 = arith.addi %get3A_835, %add3A_926 : vector<16xi32>
        %gather3A_928 = tpu.vector_load_idx %arg5[%add3A_927] : memref<32832xf32, #tpu.memory_space<vmem>>[vector<16xi32>], vector<16xf32>,
        %add3A_929 = arith.addf %add3A_924, %gather3A_928 : vector<16xf32>
        %mul3A_930 = arith.constant 16 : i32
        %mul3A_931 = arith.muli %scan3A_390, %mul3A_930 : i32
        %add3A_932 = arith.constant 6656 : i32
        %add3A_933 = arith.addi %add3A_932, %mul3A_931 : i32
        %swap3A_934 = arith.index_cast %add3A_933 : i32 to index
        %swap3A_935 = tpu.vector_load %arg7[%swap3A_934] {strides = array<i32>} : memref<32768xf32, #tpu.memory_space<vmem>>, vector<16xf32>,
        tpu.vector_store %arg7[%swap3A_934], %add3A_929 {strides = array<i32>} : memref<32768xf32, #tpu.memory_space<vmem>>, vector<16xf32>,
        %add3A_936 = arith.constant 2052 : i32
        %add3A_937 = vector.broadcast %add3A_936 : i32 to vector<16xi32>
        %add3A_938 = arith.addi %get3A_817, %add3A_937 : vector<16xi32>
        %gather3A_939 = tpu.vector_load_idx %arg5[%add3A_938] : memref<32832xf32, #tpu.memory_space<vmem>>[vector<16xi32>], vector<16xf32>,
        %add3A_940 = arith.constant 10260 : i32
        %add3A_941 = vector.broadcast %add3A_940 : i32 to vector<16xi32>
        %add3A_942 = arith.addi %get3A_823, %add3A_941 : vector<16xi32>
        %gather3A_943 = tpu.vector_load_idx %arg5[%add3A_942] : memref<32832xf32, #tpu.memory_space<vmem>>[vector<16xi32>], vector<16xf32>,
        %add3A_944 = arith.addf %gather3A_939, %gather3A_943 : vector<16xf32>
        %add3A_945 = arith.constant 18468 : i32
        %add3A_946 = vector.broadcast %add3A_945 : i32 to vector<16xi32>
        %add3A_947 = arith.addi %get3A_829, %add3A_946 : vector<16xi32>
        %gather3A_948 = tpu.vector_load_idx %arg5[%add3A_947] : memref<32832xf32, #tpu.memory_space<vmem>>[vector<16xi32>], vector<16xf32>,
        %add3A_949 = arith.addf %add3A_944, %gather3A_948 : vector<16xf32>
        %add3A_950 = arith.constant 26676 : i32
        %add3A_951 = vector.broadcast %add3A_950 : i32 to vector<16xi32>
        %add3A_952 = arith.addi %get3A_835, %add3A_951 : vector<16xi32>
        %gather3A_953 = tpu.vector_load_idx %arg5[%add3A_952] : memref<32832xf32, #tpu.memory_space<vmem>>[vector<16xi32>], vector<16xf32>,
        %add3A_954 = arith.addf %add3A_949, %gather3A_953 : vector<16xf32>
        %mul3A_955 = arith.constant 16 : i32
        %mul3A_956 = arith.muli %scan3A_390, %mul3A_955 : i32
        %add3A_957 = arith.constant 8704 : i32
        %add3A_958 = arith.addi %add3A_957, %mul3A_956 : i32
        %swap3A_959 = arith.index_cast %add3A_958 : i32 to index
        %swap3A_960 = tpu.vector_load %arg7[%swap3A_959] {strides = array<i32>} : memref<32768xf32, #tpu.memory_space<vmem>>, vector<16xf32>,
        tpu.vector_store %arg7[%swap3A_959], %add3A_954 {strides = array<i32>} : memref<32768xf32, #tpu.memory_space<vmem>>, vector<16xf32>,
        %add3A_961 = arith.constant 2565 : i32
        %add3A_962 = vector.broadcast %add3A_961 : i32 to vector<16xi32>
        %add3A_963 = arith.addi %get3A_817, %add3A_962 : vector<16xi32>
        %gather3A_964 = tpu.vector_load_idx %arg5[%add3A_963] : memref<32832xf32, #tpu.memory_space<vmem>>[vector<16xi32>], vector<16xf32>,
        %add3A_965 = arith.constant 10773 : i32
        %add3A_966 = vector.broadcast %add3A_965 : i32 to vector<16xi32>
        %add3A_967 = arith.addi %get3A_823, %add3A_966 : vector<16xi32>
        %gather3A_968 = tpu.vector_load_idx %arg5[%add3A_967] : memref<32832xf32, #tpu.memory_space<vmem>>[vector<16xi32>], vector<16xf32>,
        %add3A_969 = arith.addf %gather3A_964, %gather3A_968 : vector<16xf32>
        %add3A_970 = arith.constant 18981 : i32
        %add3A_971 = vector.broadcast %add3A_970 : i32 to vector<16xi32>
        %add3A_972 = arith.addi %get3A_829, %add3A_971 : vector<16xi32>
        %gather3A_973 = tpu.vector_load_idx %arg5[%add3A_972] : memref<32832xf32, #tpu.memory_space<vmem>>[vector<16xi32>], vector<16xf32>,
        %add3A_974 = arith.addf %add3A_969, %gather3A_973 : vector<16xf32>
        %add3A_975 = arith.constant 27189 : i32
        %add3A_976 = vector.broadcast %add3A_975 : i32 to vector<16xi32>
        %add3A_977 = arith.addi %get3A_835, %add3A_976 : vector<16xi32>
        %gather3A_978 = tpu.vector_load_idx %arg5[%add3A_977] : memref<32832xf32, #tpu.memory_space<vmem>>[vector<16xi32>], vector<16xf32>,
        %add3A_979 = arith.addf %add3A_974, %gather3A_978 : vector<16xf32>
        %mul3A_980 = arith.constant 16 : i32
        %mul3A_981 = arith.muli %scan3A_390, %mul3A_980 : i32
        %add3A_982 = arith.constant 10752 : i32
        %add3A_983 = arith.addi %add3A_982, %mul3A_981 : i32
        %swap3A_984 = arith.index_cast %add3A_983 : i32 to index
        %swap3A_985 = tpu.vector_load %arg7[%swap3A_984] {strides = array<i32>} : memref<32768xf32, #tpu.memory_space<vmem>>, vector<16xf32>,
        tpu.vector_store %arg7[%swap3A_984], %add3A_979 {strides = array<i32>} : memref<32768xf32, #tpu.memory_space<vmem>>, vector<16xf32>,
        %add3A_986 = arith.constant 3078 : i32
        %add3A_987 = vector.broadcast %add3A_986 : i32 to vector<16xi32>
        %add3A_988 = arith.addi %get3A_817, %add3A_987 : vector<16xi32>
        %gather3A_989 = tpu.vector_load_idx %arg5[%add3A_988] : memref<32832xf32, #tpu.memory_space<vmem>>[vector<16xi32>], vector<16xf32>,
        %add3A_990 = arith.constant 11286 : i32
        %add3A_991 = vector.broadcast %add3A_990 : i32 to vector<16xi32>
        %add3A_992 = arith.addi %get3A_823, %add3A_991 : vector<16xi32>
        %gather3A_993 = tpu.vector_load_idx %arg5[%add3A_992] : memref<32832xf32, #tpu.memory_space<vmem>>[vector<16xi32>], vector<16xf32>,
        %add3A_994 = arith.addf %gather3A_989, %gather3A_993 : vector<16xf32>
        %add3A_995 = arith.constant 19494 : i32
        %add3A_996 = vector.broadcast %add3A_995 : i32 to vector<16xi32>
        %add3A_997 = arith.addi %get3A_829, %add3A_996 : vector<16xi32>
        %gather3A_998 = tpu.vector_load_idx %arg5[%add3A_997] : memref<32832xf32, #tpu.memory_space<vmem>>[vector<16xi32>], vector<16xf32>,
        %add3A_999 = arith.addf %add3A_994, %gather3A_998 : vector<16xf32>
        %add3A_1000 = arith.constant 27702 : i32
        %add3A_1001 = vector.broadcast %add3A_1000 : i32 to vector<16xi32>
        %add3A_1002 = arith.addi %get3A_835, %add3A_1001 : vector<16xi32>
        %gather3A_1003 = tpu.vector_load_idx %arg5[%add3A_1002] : memref<32832xf32, #tpu.memory_space<vmem>>[vector<16xi32>], vector<16xf32>,
        %add3A_1004 = arith.addf %add3A_999, %gather3A_1003 : vector<16xf32>
        %mul3A_1005 = arith.constant 16 : i32
        %mul3A_1006 = arith.muli %scan3A_390, %mul3A_1005 : i32
        %add3A_1007 = arith.constant 12800 : i32
        %add3A_1008 = arith.addi %add3A_1007, %mul3A_1006 : i32
        %swap3A_1009 = arith.index_cast %add3A_1008 : i32 to index
        %swap3A_1010 = tpu.vector_load %arg7[%swap3A_1009] {strides = array<i32>} : memref<32768xf32, #tpu.memory_space<vmem>>, vector<16xf32>,
        tpu.vector_store %arg7[%swap3A_1009], %add3A_1004 {strides = array<i32>} : memref<32768xf32, #tpu.memory_space<vmem>>, vector<16xf32>,
        %add3A_1011 = arith.constant 3591 : i32
        %add3A_1012 = vector.broadcast %add3A_1011 : i32 to vector<16xi32>
        %add3A_1013 = arith.addi %get3A_817, %add3A_1012 : vector<16xi32>
        %gather3A_1014 = tpu.vector_load_idx %arg5[%add3A_1013] : memref<32832xf32, #tpu.memory_space<vmem>>[vector<16xi32>], vector<16xf32>,
        %add3A_1015 = arith.constant 11799 : i32
        %add3A_1016 = vector.broadcast %add3A_1015 : i32 to vector<16xi32>
        %add3A_1017 = arith.addi %get3A_823, %add3A_1016 : vector<16xi32>
        %gather3A_1018 = tpu.vector_load_idx %arg5[%add3A_1017] : memref<32832xf32, #tpu.memory_space<vmem>>[vector<16xi32>], vector<16xf32>,
        %add3A_1019 = arith.addf %gather3A_1014, %gather3A_1018 : vector<16xf32>
        %add3A_1020 = arith.constant 20007 : i32
        %add3A_1021 = vector.broadcast %add3A_1020 : i32 to vector<16xi32>
        %add3A_1022 = arith.addi %get3A_829, %add3A_1021 : vector<16xi32>
        %gather3A_1023 = tpu.vector_load_idx %arg5[%add3A_1022] : memref<32832xf32, #tpu.memory_space<vmem>>[vector<16xi32>], vector<16xf32>,
        %add3A_1024 = arith.addf %add3A_1019, %gather3A_1023 : vector<16xf32>
        %add3A_1025 = arith.constant 28215 : i32
        %add3A_1026 = vector.broadcast %add3A_1025 : i32 to vector<16xi32>
        %add3A_1027 = arith.addi %get3A_835, %add3A_1026 : vector<16xi32>
        %gather3A_1028 = tpu.vector_load_idx %arg5[%add3A_1027] : memref<32832xf32, #tpu.memory_space<vmem>>[vector<16xi32>], vector<16xf32>,
        %add3A_1029 = arith.addf %add3A_1024, %gather3A_1028 : vector<16xf32>
        %mul3A_1030 = arith.constant 16 : i32
        %mul3A_1031 = arith.muli %scan3A_390, %mul3A_1030 : i32
        %add3A_1032 = arith.constant 14848 : i32
        %add3A_1033 = arith.addi %add3A_1032, %mul3A_1031 : i32
        %swap3A_1034 = arith.index_cast %add3A_1033 : i32 to index
        %swap3A_1035 = tpu.vector_load %arg7[%swap3A_1034] {strides = array<i32>} : memref<32768xf32, #tpu.memory_space<vmem>>, vector<16xf32>,
        tpu.vector_store %arg7[%swap3A_1034], %add3A_1029 {strides = array<i32>} : memref<32768xf32, #tpu.memory_space<vmem>>, vector<16xf32>,
        %add3A_1036 = arith.constant 4104 : i32
        %add3A_1037 = vector.broadcast %add3A_1036 : i32 to vector<16xi32>
        %add3A_1038 = arith.addi %get3A_817, %add3A_1037 : vector<16xi32>
        %gather3A_1039 = tpu.vector_load_idx %arg5[%add3A_1038] : memref<32832xf32, #tpu.memory_space<vmem>>[vector<16xi32>], vector<16xf32>,
        %add3A_1040 = arith.constant 12312 : i32
        %add3A_1041 = vector.broadcast %add3A_1040 : i32 to vector<16xi32>
        %add3A_1042 = arith.addi %get3A_823, %add3A_1041 : vector<16xi32>
        %gather3A_1043 = tpu.vector_load_idx %arg5[%add3A_1042] : memref<32832xf32, #tpu.memory_space<vmem>>[vector<16xi32>], vector<16xf32>,
        %add3A_1044 = arith.addf %gather3A_1039, %gather3A_1043 : vector<16xf32>
        %add3A_1045 = arith.constant 20520 : i32
        %add3A_1046 = vector.broadcast %add3A_1045 : i32 to vector<16xi32>
        %add3A_1047 = arith.addi %get3A_829, %add3A_1046 : vector<16xi32>
        %gather3A_1048 = tpu.vector_load_idx %arg5[%add3A_1047] : memref<32832xf32, #tpu.memory_space<vmem>>[vector<16xi32>], vector<16xf32>,
        %add3A_1049 = arith.addf %add3A_1044, %gather3A_1048 : vector<16xf32>
        %add3A_1050 = arith.constant 28728 : i32
        %add3A_1051 = vector.broadcast %add3A_1050 : i32 to vector<16xi32>
        %add3A_1052 = arith.addi %get3A_835, %add3A_1051 : vector<16xi32>
        %gather3A_1053 = tpu.vector_load_idx %arg5[%add3A_1052] : memref<32832xf32, #tpu.memory_space<vmem>>[vector<16xi32>], vector<16xf32>,
        %add3A_1054 = arith.addf %add3A_1049, %gather3A_1053 : vector<16xf32>
        %mul3A_1055 = arith.constant 16 : i32
        %mul3A_1056 = arith.muli %scan3A_390, %mul3A_1055 : i32
        %add3A_1057 = arith.constant 16896 : i32
        %add3A_1058 = arith.addi %add3A_1057, %mul3A_1056 : i32
        %swap3A_1059 = arith.index_cast %add3A_1058 : i32 to index
        %swap3A_1060 = tpu.vector_load %arg7[%swap3A_1059] {strides = array<i32>} : memref<32768xf32, #tpu.memory_space<vmem>>, vector<16xf32>,
        tpu.vector_store %arg7[%swap3A_1059], %add3A_1054 {strides = array<i32>} : memref<32768xf32, #tpu.memory_space<vmem>>, vector<16xf32>,
        %add3A_1061 = arith.constant 4617 : i32
        %add3A_1062 = vector.broadcast %add3A_1061 : i32 to vector<16xi32>
        %add3A_1063 = arith.addi %get3A_817, %add3A_1062 : vector<16xi32>
        %gather3A_1064 = tpu.vector_load_idx %arg5[%add3A_1063] : memref<32832xf32, #tpu.memory_space<vmem>>[vector<16xi32>], vector<16xf32>,
        %add3A_1065 = arith.constant 12825 : i32
        %add3A_1066 = vector.broadcast %add3A_1065 : i32 to vector<16xi32>
        %add3A_1067 = arith.addi %get3A_823, %add3A_1066 : vector<16xi32>
        %gather3A_1068 = tpu.vector_load_idx %arg5[%add3A_1067] : memref<32832xf32, #tpu.memory_space<vmem>>[vector<16xi32>], vector<16xf32>,
        %add3A_1069 = arith.addf %gather3A_1064, %gather3A_1068 : vector<16xf32>
        %add3A_1070 = arith.constant 21033 : i32
        %add3A_1071 = vector.broadcast %add3A_1070 : i32 to vector<16xi32>
        %add3A_1072 = arith.addi %get3A_829, %add3A_1071 : vector<16xi32>
        %gather3A_1073 = tpu.vector_load_idx %arg5[%add3A_1072] : memref<32832xf32, #tpu.memory_space<vmem>>[vector<16xi32>], vector<16xf32>,
        %add3A_1074 = arith.addf %add3A_1069, %gather3A_1073 : vector<16xf32>
        %add3A_1075 = arith.constant 29241 : i32
        %add3A_1076 = vector.broadcast %add3A_1075 : i32 to vector<16xi32>
        %add3A_1077 = arith.addi %get3A_835, %add3A_1076 : vector<16xi32>
        %gather3A_1078 = tpu.vector_load_idx %arg5[%add3A_1077] : memref<32832xf32, #tpu.memory_space<vmem>>[vector<16xi32>], vector<16xf32>,
        %add3A_1079 = arith.addf %add3A_1074, %gather3A_1078 : vector<16xf32>
        %mul3A_1080 = arith.constant 16 : i32
        %mul3A_1081 = arith.muli %scan3A_390, %mul3A_1080 : i32
        %add3A_1082 = arith.constant 18944 : i32
        %add3A_1083 = arith.addi %add3A_1082, %mul3A_1081 : i32
        %swap3A_1084 = arith.index_cast %add3A_1083 : i32 to index
        %swap3A_1085 = tpu.vector_load %arg7[%swap3A_1084] {strides = array<i32>} : memref<32768xf32, #tpu.memory_space<vmem>>, vector<16xf32>,
        tpu.vector_store %arg7[%swap3A_1084], %add3A_1079 {strides = array<i32>} : memref<32768xf32, #tpu.memory_space<vmem>>, vector<16xf32>,
        %add3A_1086 = arith.constant 5130 : i32
        %add3A_1087 = vector.broadcast %add3A_1086 : i32 to vector<16xi32>
        %add3A_1088 = arith.addi %get3A_817, %add3A_1087 : vector<16xi32>
        %gather3A_1089 = tpu.vector_load_idx %arg5[%add3A_1088] : memref<32832xf32, #tpu.memory_space<vmem>>[vector<16xi32>], vector<16xf32>,
        %add3A_1090 = arith.constant 13338 : i32
        %add3A_1091 = vector.broadcast %add3A_1090 : i32 to vector<16xi32>
        %add3A_1092 = arith.addi %get3A_823, %add3A_1091 : vector<16xi32>
        %gather3A_1093 = tpu.vector_load_idx %arg5[%add3A_1092] : memref<32832xf32, #tpu.memory_space<vmem>>[vector<16xi32>], vector<16xf32>,
        %add3A_1094 = arith.addf %gather3A_1089, %gather3A_1093 : vector<16xf32>
        %add3A_1095 = arith.constant 21546 : i32
        %add3A_1096 = vector.broadcast %add3A_1095 : i32 to vector<16xi32>
        %add3A_1097 = arith.addi %get3A_829, %add3A_1096 : vector<16xi32>
        %gather3A_1098 = tpu.vector_load_idx %arg5[%add3A_1097] : memref<32832xf32, #tpu.memory_space<vmem>>[vector<16xi32>], vector<16xf32>,
        %add3A_1099 = arith.addf %add3A_1094, %gather3A_1098 : vector<16xf32>
        %add3A_1100 = arith.constant 29754 : i32
        %add3A_1101 = vector.broadcast %add3A_1100 : i32 to vector<16xi32>
        %add3A_1102 = arith.addi %get3A_835, %add3A_1101 : vector<16xi32>
        %gather3A_1103 = tpu.vector_load_idx %arg5[%add3A_1102] : memref<32832xf32, #tpu.memory_space<vmem>>[vector<16xi32>], vector<16xf32>,
        %add3A_1104 = arith.addf %add3A_1099, %gather3A_1103 : vector<16xf32>
        %mul3A_1105 = arith.constant 16 : i32
        %mul3A_1106 = arith.muli %scan3A_390, %mul3A_1105 : i32
        %add3A_1107 = arith.constant 20992 : i32
        %add3A_1108 = arith.addi %add3A_1107, %mul3A_1106 : i32
        %swap3A_1109 = arith.index_cast %add3A_1108 : i32 to index
        %swap3A_1110 = tpu.vector_load %arg7[%swap3A_1109] {strides = array<i32>} : memref<32768xf32, #tpu.memory_space<vmem>>, vector<16xf32>,
        tpu.vector_store %arg7[%swap3A_1109], %add3A_1104 {strides = array<i32>} : memref<32768xf32, #tpu.memory_space<vmem>>, vector<16xf32>,
        %add3A_1111 = arith.constant 5643 : i32
        %add3A_1112 = vector.broadcast %add3A_1111 : i32 to vector<16xi32>
        %add3A_1113 = arith.addi %get3A_817, %add3A_1112 : vector<16xi32>
        %gather3A_1114 = tpu.vector_load_idx %arg5[%add3A_1113] : memref<32832xf32, #tpu.memory_space<vmem>>[vector<16xi32>], vector<16xf32>,
        %add3A_1115 = arith.constant 13851 : i32
        %add3A_1116 = vector.broadcast %add3A_1115 : i32 to vector<16xi32>
        %add3A_1117 = arith.addi %get3A_823, %add3A_1116 : vector<16xi32>
        %gather3A_1118 = tpu.vector_load_idx %arg5[%add3A_1117] : memref<32832xf32, #tpu.memory_space<vmem>>[vector<16xi32>], vector<16xf32>,
        %add3A_1119 = arith.addf %gather3A_1114, %gather3A_1118 : vector<16xf32>
        %add3A_1120 = arith.constant 22059 : i32
        %add3A_1121 = vector.broadcast %add3A_1120 : i32 to vector<16xi32>
        %add3A_1122 = arith.addi %get3A_829, %add3A_1121 : vector<16xi32>
        %gather3A_1123 = tpu.vector_load_idx %arg5[%add3A_1122] : memref<32832xf32, #tpu.memory_space<vmem>>[vector<16xi32>], vector<16xf32>,
        %add3A_1124 = arith.addf %add3A_1119, %gather3A_1123 : vector<16xf32>
        %add3A_1125 = arith.constant 30267 : i32
        %add3A_1126 = vector.broadcast %add3A_1125 : i32 to vector<16xi32>
        %add3A_1127 = arith.addi %get3A_835, %add3A_1126 : vector<16xi32>
        %gather3A_1128 = tpu.vector_load_idx %arg5[%add3A_1127] : memref<32832xf32, #tpu.memory_space<vmem>>[vector<16xi32>], vector<16xf32>,
        %add3A_1129 = arith.addf %add3A_1124, %gather3A_1128 : vector<16xf32>
        %mul3A_1130 = arith.constant 16 : i32
        %mul3A_1131 = arith.muli %scan3A_390, %mul3A_1130 : i32
        %add3A_1132 = arith.constant 23040 : i32
        %add3A_1133 = arith.addi %add3A_1132, %mul3A_1131 : i32
        %swap3A_1134 = arith.index_cast %add3A_1133 : i32 to index
        %swap3A_1135 = tpu.vector_load %arg7[%swap3A_1134] {strides = array<i32>} : memref<32768xf32, #tpu.memory_space<vmem>>, vector<16xf32>,
        tpu.vector_store %arg7[%swap3A_1134], %add3A_1129 {strides = array<i32>} : memref<32768xf32, #tpu.memory_space<vmem>>, vector<16xf32>,
        %add3A_1136 = arith.constant 6156 : i32
        %add3A_1137 = vector.broadcast %add3A_1136 : i32 to vector<16xi32>
        %add3A_1138 = arith.addi %get3A_817, %add3A_1137 : vector<16xi32>
        %gather3A_1139 = tpu.vector_load_idx %arg5[%add3A_1138] : memref<32832xf32, #tpu.memory_space<vmem>>[vector<16xi32>], vector<16xf32>,
        %add3A_1140 = arith.constant 14364 : i32
        %add3A_1141 = vector.broadcast %add3A_1140 : i32 to vector<16xi32>
        %add3A_1142 = arith.addi %get3A_823, %add3A_1141 : vector<16xi32>
        %gather3A_1143 = tpu.vector_load_idx %arg5[%add3A_1142] : memref<32832xf32, #tpu.memory_space<vmem>>[vector<16xi32>], vector<16xf32>,
        %add3A_1144 = arith.addf %gather3A_1139, %gather3A_1143 : vector<16xf32>
        %add3A_1145 = arith.constant 22572 : i32
        %add3A_1146 = vector.broadcast %add3A_1145 : i32 to vector<16xi32>
        %add3A_1147 = arith.addi %get3A_829, %add3A_1146 : vector<16xi32>
        %gather3A_1148 = tpu.vector_load_idx %arg5[%add3A_1147] : memref<32832xf32, #tpu.memory_space<vmem>>[vector<16xi32>], vector<16xf32>,
        %add3A_1149 = arith.addf %add3A_1144, %gather3A_1148 : vector<16xf32>
        %add3A_1150 = arith.constant 30780 : i32
        %add3A_1151 = vector.broadcast %add3A_1150 : i32 to vector<16xi32>
        %add3A_1152 = arith.addi %get3A_835, %add3A_1151 : vector<16xi32>
        %gather3A_1153 = tpu.vector_load_idx %arg5[%add3A_1152] : memref<32832xf32, #tpu.memory_space<vmem>>[vector<16xi32>], vector<16xf32>,
        %add3A_1154 = arith.addf %add3A_1149, %gather3A_1153 : vector<16xf32>
        %mul3A_1155 = arith.constant 16 : i32
        %mul3A_1156 = arith.muli %scan3A_390, %mul3A_1155 : i32
        %add3A_1157 = arith.constant 25088 : i32
        %add3A_1158 = arith.addi %add3A_1157, %mul3A_1156 : i32
        %swap3A_1159 = arith.index_cast %add3A_1158 : i32 to index
        %swap3A_1160 = tpu.vector_load %arg7[%swap3A_1159] {strides = array<i32>} : memref<32768xf32, #tpu.memory_space<vmem>>, vector<16xf32>,
        tpu.vector_store %arg7[%swap3A_1159], %add3A_1154 {strides = array<i32>} : memref<32768xf32, #tpu.memory_space<vmem>>, vector<16xf32>,
        %add3A_1161 = arith.constant 6669 : i32
        %add3A_1162 = vector.broadcast %add3A_1161 : i32 to vector<16xi32>
        %add3A_1163 = arith.addi %get3A_817, %add3A_1162 : vector<16xi32>
        %gather3A_1164 = tpu.vector_load_idx %arg5[%add3A_1163] : memref<32832xf32, #tpu.memory_space<vmem>>[vector<16xi32>], vector<16xf32>,
        %add3A_1165 = arith.constant 14877 : i32
        %add3A_1166 = vector.broadcast %add3A_1165 : i32 to vector<16xi32>
        %add3A_1167 = arith.addi %get3A_823, %add3A_1166 : vector<16xi32>
        %gather3A_1168 = tpu.vector_load_idx %arg5[%add3A_1167] : memref<32832xf32, #tpu.memory_space<vmem>>[vector<16xi32>], vector<16xf32>,
        %add3A_1169 = arith.addf %gather3A_1164, %gather3A_1168 : vector<16xf32>
        %add3A_1170 = arith.constant 23085 : i32
        %add3A_1171 = vector.broadcast %add3A_1170 : i32 to vector<16xi32>
        %add3A_1172 = arith.addi %get3A_829, %add3A_1171 : vector<16xi32>
        %gather3A_1173 = tpu.vector_load_idx %arg5[%add3A_1172] : memref<32832xf32, #tpu.memory_space<vmem>>[vector<16xi32>], vector<16xf32>,
        %add3A_1174 = arith.addf %add3A_1169, %gather3A_1173 : vector<16xf32>
        %add3A_1175 = arith.constant 31293 : i32
        %add3A_1176 = vector.broadcast %add3A_1175 : i32 to vector<16xi32>
        %add3A_1177 = arith.addi %get3A_835, %add3A_1176 : vector<16xi32>
        %gather3A_1178 = tpu.vector_load_idx %arg5[%add3A_1177] : memref<32832xf32, #tpu.memory_space<vmem>>[vector<16xi32>], vector<16xf32>,
        %add3A_1179 = arith.addf %add3A_1174, %gather3A_1178 : vector<16xf32>
        %mul3A_1180 = arith.constant 16 : i32
        %mul3A_1181 = arith.muli %scan3A_390, %mul3A_1180 : i32
        %add3A_1182 = arith.constant 27136 : i32
        %add3A_1183 = arith.addi %add3A_1182, %mul3A_1181 : i32
        %swap3A_1184 = arith.index_cast %add3A_1183 : i32 to index
        %swap3A_1185 = tpu.vector_load %arg7[%swap3A_1184] {strides = array<i32>} : memref<32768xf32, #tpu.memory_space<vmem>>, vector<16xf32>,
        tpu.vector_store %arg7[%swap3A_1184], %add3A_1179 {strides = array<i32>} : memref<32768xf32, #tpu.memory_space<vmem>>, vector<16xf32>,
        %add3A_1186 = arith.constant 7182 : i32
        %add3A_1187 = vector.broadcast %add3A_1186 : i32 to vector<16xi32>
        %add3A_1188 = arith.addi %get3A_817, %add3A_1187 : vector<16xi32>
        %gather3A_1189 = tpu.vector_load_idx %arg5[%add3A_1188] : memref<32832xf32, #tpu.memory_space<vmem>>[vector<16xi32>], vector<16xf32>,
        %add3A_1190 = arith.constant 15390 : i32
        %add3A_1191 = vector.broadcast %add3A_1190 : i32 to vector<16xi32>
        %add3A_1192 = arith.addi %get3A_823, %add3A_1191 : vector<16xi32>
        %gather3A_1193 = tpu.vector_load_idx %arg5[%add3A_1192] : memref<32832xf32, #tpu.memory_space<vmem>>[vector<16xi32>], vector<16xf32>,
        %add3A_1194 = arith.addf %gather3A_1189, %gather3A_1193 : vector<16xf32>
        %add3A_1195 = arith.constant 23598 : i32
        %add3A_1196 = vector.broadcast %add3A_1195 : i32 to vector<16xi32>
        %add3A_1197 = arith.addi %get3A_829, %add3A_1196 : vector<16xi32>
        %gather3A_1198 = tpu.vector_load_idx %arg5[%add3A_1197] : memref<32832xf32, #tpu.memory_space<vmem>>[vector<16xi32>], vector<16xf32>,
        %add3A_1199 = arith.addf %add3A_1194, %gather3A_1198 : vector<16xf32>
        %add3A_1200 = arith.constant 31806 : i32
        %add3A_1201 = vector.broadcast %add3A_1200 : i32 to vector<16xi32>
        %add3A_1202 = arith.addi %get3A_835, %add3A_1201 : vector<16xi32>
        %gather3A_1203 = tpu.vector_load_idx %arg5[%add3A_1202] : memref<32832xf32, #tpu.memory_space<vmem>>[vector<16xi32>], vector<16xf32>,
        %add3A_1204 = arith.addf %add3A_1199, %gather3A_1203 : vector<16xf32>
        %mul3A_1205 = arith.constant 16 : i32
        %mul3A_1206 = arith.muli %scan3A_390, %mul3A_1205 : i32
        %add3A_1207 = arith.constant 29184 : i32
        %add3A_1208 = arith.addi %add3A_1207, %mul3A_1206 : i32
        %swap3A_1209 = arith.index_cast %add3A_1208 : i32 to index
        %swap3A_1210 = tpu.vector_load %arg7[%swap3A_1209] {strides = array<i32>} : memref<32768xf32, #tpu.memory_space<vmem>>, vector<16xf32>,
        tpu.vector_store %arg7[%swap3A_1209], %add3A_1204 {strides = array<i32>} : memref<32768xf32, #tpu.memory_space<vmem>>, vector<16xf32>,
        %add3A_1211 = arith.constant 7695 : i32
        %add3A_1212 = vector.broadcast %add3A_1211 : i32 to vector<16xi32>
        %add3A_1213 = arith.addi %get3A_817, %add3A_1212 : vector<16xi32>
        %gather3A_1214 = tpu.vector_load_idx %arg5[%add3A_1213] : memref<32832xf32, #tpu.memory_space<vmem>>[vector<16xi32>], vector<16xf32>,
        %add3A_1215 = arith.constant 15903 : i32
        %add3A_1216 = vector.broadcast %add3A_1215 : i32 to vector<16xi32>
        %add3A_1217 = arith.addi %get3A_823, %add3A_1216 : vector<16xi32>
        %gather3A_1218 = tpu.vector_load_idx %arg5[%add3A_1217] : memref<32832xf32, #tpu.memory_space<vmem>>[vector<16xi32>], vector<16xf32>,
        %add3A_1219 = arith.addf %gather3A_1214, %gather3A_1218 : vector<16xf32>
        %add3A_1220 = arith.constant 24111 : i32
        %add3A_1221 = vector.broadcast %add3A_1220 : i32 to vector<16xi32>
        %add3A_1222 = arith.addi %get3A_829, %add3A_1221 : vector<16xi32>
        %gather3A_1223 = tpu.vector_load_idx %arg5[%add3A_1222] : memref<32832xf32, #tpu.memory_space<vmem>>[vector<16xi32>], vector<16xf32>,
        %add3A_1224 = arith.addf %add3A_1219, %gather3A_1223 : vector<16xf32>
        %add3A_1225 = arith.constant 32319 : i32
        %add3A_1226 = vector.broadcast %add3A_1225 : i32 to vector<16xi32>
        %add3A_1227 = arith.addi %get3A_835, %add3A_1226 : vector<16xi32>
        %gather3A_1228 = tpu.vector_load_idx %arg5[%add3A_1227] : memref<32832xf32, #tpu.memory_space<vmem>>[vector<16xi32>], vector<16xf32>,
        %add3A_1229 = arith.addf %add3A_1224, %gather3A_1228 : vector<16xf32>
        %mul3A_1230 = arith.constant 16 : i32
        %mul3A_1231 = arith.muli %scan3A_390, %mul3A_1230 : i32
        %add3A_1232 = arith.constant 31232 : i32
        %add3A_1233 = arith.addi %add3A_1232, %mul3A_1231 : i32
        %swap3A_1234 = arith.index_cast %add3A_1233 : i32 to index
        %swap3A_1235 = tpu.vector_load %arg7[%swap3A_1234] {strides = array<i32>} : memref<32768xf32, #tpu.memory_space<vmem>>, vector<16xf32>,
        tpu.vector_store %arg7[%swap3A_1234], %add3A_1229 {strides = array<i32>} : memref<32768xf32, #tpu.memory_space<vmem>>, vector<16xf32>,
        %mul3A_1236 = arith.constant 16 : i32
        %mul3A_1237 = arith.muli %scan3A_390, %mul3A_1236 : i32
        %add3A_1238 = arith.constant 1024 : i32
        %add3A_1239 = arith.addi %add3A_1238, %mul3A_1237 : i32
        %get3A_1240 = arith.index_cast %add3A_1239 : i32 to index
        %get3A_1241 = tpu.vector_load %arg6[%get3A_1240] {strides = array<i32>} : memref<8192xi32, #tpu.memory_space<vmem>>, vector<16xi32>,
        %mul3A_1242 = arith.constant 16 : i32
        %mul3A_1243 = arith.muli %scan3A_390, %mul3A_1242 : i32
        %add3A_1244 = arith.constant 3072 : i32
        %add3A_1245 = arith.addi %add3A_1244, %mul3A_1243 : i32
        %get3A_1246 = arith.index_cast %add3A_1245 : i32 to index
        %get3A_1247 = tpu.vector_load %arg6[%get3A_1246] {strides = array<i32>} : memref<8192xi32, #tpu.memory_space<vmem>>, vector<16xi32>,
        %mul3A_1248 = arith.constant 16 : i32
        %mul3A_1249 = arith.muli %scan3A_390, %mul3A_1248 : i32
        %add3A_1250 = arith.constant 5120 : i32
        %add3A_1251 = arith.addi %add3A_1250, %mul3A_1249 : i32
        %get3A_1252 = arith.index_cast %add3A_1251 : i32 to index
        %get3A_1253 = tpu.vector_load %arg6[%get3A_1252] {strides = array<i32>} : memref<8192xi32, #tpu.memory_space<vmem>>, vector<16xi32>,
        %mul3A_1254 = arith.constant 16 : i32
        %mul3A_1255 = arith.muli %scan3A_390, %mul3A_1254 : i32
        %add3A_1256 = arith.constant 7168 : i32
        %add3A_1257 = arith.addi %add3A_1256, %mul3A_1255 : i32
        %get3A_1258 = arith.index_cast %add3A_1257 : i32 to index
        %get3A_1259 = tpu.vector_load %arg6[%get3A_1258] {strides = array<i32>} : memref<8192xi32, #tpu.memory_space<vmem>>, vector<16xi32>,
        %add3A_1260 = arith.constant 0 : i32
        %add3A_1261 = vector.broadcast %add3A_1260 : i32 to vector<16xi32>
        %add3A_1262 = arith.addi %get3A_1241, %add3A_1261 : vector<16xi32>
        %gather3A_1263 = tpu.vector_load_idx %arg5[%add3A_1262] : memref<32832xf32, #tpu.memory_space<vmem>>[vector<16xi32>], vector<16xf32>,
        %add3A_1264 = arith.constant 8208 : i32
        %add3A_1265 = vector.broadcast %add3A_1264 : i32 to vector<16xi32>
        %add3A_1266 = arith.addi %get3A_1247, %add3A_1265 : vector<16xi32>
        %gather3A_1267 = tpu.vector_load_idx %arg5[%add3A_1266] : memref<32832xf32, #tpu.memory_space<vmem>>[vector<16xi32>], vector<16xf32>,
        %add3A_1268 = arith.addf %gather3A_1263, %gather3A_1267 : vector<16xf32>
        %add3A_1269 = arith.constant 16416 : i32
        %add3A_1270 = vector.broadcast %add3A_1269 : i32 to vector<16xi32>
        %add3A_1271 = arith.addi %get3A_1253, %add3A_1270 : vector<16xi32>
        %gather3A_1272 = tpu.vector_load_idx %arg5[%add3A_1271] : memref<32832xf32, #tpu.memory_space<vmem>>[vector<16xi32>], vector<16xf32>,
        %add3A_1273 = arith.addf %add3A_1268, %gather3A_1272 : vector<16xf32>
        %add3A_1274 = arith.constant 24624 : i32
        %add3A_1275 = vector.broadcast %add3A_1274 : i32 to vector<16xi32>
        %add3A_1276 = arith.addi %get3A_1259, %add3A_1275 : vector<16xi32>
        %gather3A_1277 = tpu.vector_load_idx %arg5[%add3A_1276] : memref<32832xf32, #tpu.memory_space<vmem>>[vector<16xi32>], vector<16xf32>,
        %add3A_1278 = arith.addf %add3A_1273, %gather3A_1277 : vector<16xf32>
        %mul3A_1279 = arith.constant 16 : i32
        %mul3A_1280 = arith.muli %scan3A_390, %mul3A_1279 : i32
        %add3A_1281 = arith.constant 1024 : i32
        %add3A_1282 = arith.addi %add3A_1281, %mul3A_1280 : i32
        %swap3A_1283 = arith.index_cast %add3A_1282 : i32 to index
        %swap3A_1284 = tpu.vector_load %arg7[%swap3A_1283] {strides = array<i32>} : memref<32768xf32, #tpu.memory_space<vmem>>, vector<16xf32>,
        tpu.vector_store %arg7[%swap3A_1283], %add3A_1278 {strides = array<i32>} : memref<32768xf32, #tpu.memory_space<vmem>>, vector<16xf32>,
        %add3A_1285 = arith.constant 513 : i32
        %add3A_1286 = vector.broadcast %add3A_1285 : i32 to vector<16xi32>
        %add3A_1287 = arith.addi %get3A_1241, %add3A_1286 : vector<16xi32>
        %gather3A_1288 = tpu.vector_load_idx %arg5[%add3A_1287] : memref<32832xf32, #tpu.memory_space<vmem>>[vector<16xi32>], vector<16xf32>,
        %add3A_1289 = arith.constant 8721 : i32
        %add3A_1290 = vector.broadcast %add3A_1289 : i32 to vector<16xi32>
        %add3A_1291 = arith.addi %get3A_1247, %add3A_1290 : vector<16xi32>
        %gather3A_1292 = tpu.vector_load_idx %arg5[%add3A_1291] : memref<32832xf32, #tpu.memory_space<vmem>>[vector<16xi32>], vector<16xf32>,
        %add3A_1293 = arith.addf %gather3A_1288, %gather3A_1292 : vector<16xf32>
        %add3A_1294 = arith.constant 16929 : i32
        %add3A_1295 = vector.broadcast %add3A_1294 : i32 to vector<16xi32>
        %add3A_1296 = arith.addi %get3A_1253, %add3A_1295 : vector<16xi32>
        %gather3A_1297 = tpu.vector_load_idx %arg5[%add3A_1296] : memref<32832xf32, #tpu.memory_space<vmem>>[vector<16xi32>], vector<16xf32>,
        %add3A_1298 = arith.addf %add3A_1293, %gather3A_1297 : vector<16xf32>
        %add3A_1299 = arith.constant 25137 : i32
        %add3A_1300 = vector.broadcast %add3A_1299 : i32 to vector<16xi32>
        %add3A_1301 = arith.addi %get3A_1259, %add3A_1300 : vector<16xi32>
        %gather3A_1302 = tpu.vector_load_idx %arg5[%add3A_1301] : memref<32832xf32, #tpu.memory_space<vmem>>[vector<16xi32>], vector<16xf32>,
        %add3A_1303 = arith.addf %add3A_1298, %gather3A_1302 : vector<16xf32>
        %mul3A_1304 = arith.constant 16 : i32
        %mul3A_1305 = arith.muli %scan3A_390, %mul3A_1304 : i32
        %add3A_1306 = arith.constant 3072 : i32
        %add3A_1307 = arith.addi %add3A_1306, %mul3A_1305 : i32
        %swap3A_1308 = arith.index_cast %add3A_1307 : i32 to index
        %swap3A_1309 = tpu.vector_load %arg7[%swap3A_1308] {strides = array<i32>} : memref<32768xf32, #tpu.memory_space<vmem>>, vector<16xf32>,
        tpu.vector_store %arg7[%swap3A_1308], %add3A_1303 {strides = array<i32>} : memref<32768xf32, #tpu.memory_space<vmem>>, vector<16xf32>,
        %add3A_1310 = arith.constant 1026 : i32
        %add3A_1311 = vector.broadcast %add3A_1310 : i32 to vector<16xi32>
        %add3A_1312 = arith.addi %get3A_1241, %add3A_1311 : vector<16xi32>
        %gather3A_1313 = tpu.vector_load_idx %arg5[%add3A_1312] : memref<32832xf32, #tpu.memory_space<vmem>>[vector<16xi32>], vector<16xf32>,
        %add3A_1314 = arith.constant 9234 : i32
        %add3A_1315 = vector.broadcast %add3A_1314 : i32 to vector<16xi32>
        %add3A_1316 = arith.addi %get3A_1247, %add3A_1315 : vector<16xi32>
        %gather3A_1317 = tpu.vector_load_idx %arg5[%add3A_1316] : memref<32832xf32, #tpu.memory_space<vmem>>[vector<16xi32>], vector<16xf32>,
        %add3A_1318 = arith.addf %gather3A_1313, %gather3A_1317 : vector<16xf32>
        %add3A_1319 = arith.constant 17442 : i32
        %add3A_1320 = vector.broadcast %add3A_1319 : i32 to vector<16xi32>
        %add3A_1321 = arith.addi %get3A_1253, %add3A_1320 : vector<16xi32>
        %gather3A_1322 = tpu.vector_load_idx %arg5[%add3A_1321] : memref<32832xf32, #tpu.memory_space<vmem>>[vector<16xi32>], vector<16xf32>,
        %add3A_1323 = arith.addf %add3A_1318, %gather3A_1322 : vector<16xf32>
        %add3A_1324 = arith.constant 25650 : i32
        %add3A_1325 = vector.broadcast %add3A_1324 : i32 to vector<16xi32>
        %add3A_1326 = arith.addi %get3A_1259, %add3A_1325 : vector<16xi32>
        %gather3A_1327 = tpu.vector_load_idx %arg5[%add3A_1326] : memref<32832xf32, #tpu.memory_space<vmem>>[vector<16xi32>], vector<16xf32>,
        %add3A_1328 = arith.addf %add3A_1323, %gather3A_1327 : vector<16xf32>
        %mul3A_1329 = arith.constant 16 : i32
        %mul3A_1330 = arith.muli %scan3A_390, %mul3A_1329 : i32
        %add3A_1331 = arith.constant 5120 : i32
        %add3A_1332 = arith.addi %add3A_1331, %mul3A_1330 : i32
        %swap3A_1333 = arith.index_cast %add3A_1332 : i32 to index
        %swap3A_1334 = tpu.vector_load %arg7[%swap3A_1333] {strides = array<i32>} : memref<32768xf32, #tpu.memory_space<vmem>>, vector<16xf32>,
        tpu.vector_store %arg7[%swap3A_1333], %add3A_1328 {strides = array<i32>} : memref<32768xf32, #tpu.memory_space<vmem>>, vector<16xf32>,
        %add3A_1335 = arith.constant 1539 : i32
        %add3A_1336 = vector.broadcast %add3A_1335 : i32 to vector<16xi32>
        %add3A_1337 = arith.addi %get3A_1241, %add3A_1336 : vector<16xi32>
        %gather3A_1338 = tpu.vector_load_idx %arg5[%add3A_1337] : memref<32832xf32, #tpu.memory_space<vmem>>[vector<16xi32>], vector<16xf32>,
        %add3A_1339 = arith.constant 9747 : i32
        %add3A_1340 = vector.broadcast %add3A_1339 : i32 to vector<16xi32>
        %add3A_1341 = arith.addi %get3A_1247, %add3A_1340 : vector<16xi32>
        %gather3A_1342 = tpu.vector_load_idx %arg5[%add3A_1341] : memref<32832xf32, #tpu.memory_space<vmem>>[vector<16xi32>], vector<16xf32>,
        %add3A_1343 = arith.addf %gather3A_1338, %gather3A_1342 : vector<16xf32>
        %add3A_1344 = arith.constant 17955 : i32
        %add3A_1345 = vector.broadcast %add3A_1344 : i32 to vector<16xi32>
        %add3A_1346 = arith.addi %get3A_1253, %add3A_1345 : vector<16xi32>
        %gather3A_1347 = tpu.vector_load_idx %arg5[%add3A_1346] : memref<32832xf32, #tpu.memory_space<vmem>>[vector<16xi32>], vector<16xf32>,
        %add3A_1348 = arith.addf %add3A_1343, %gather3A_1347 : vector<16xf32>
        %add3A_1349 = arith.constant 26163 : i32
        %add3A_1350 = vector.broadcast %add3A_1349 : i32 to vector<16xi32>
        %add3A_1351 = arith.addi %get3A_1259, %add3A_1350 : vector<16xi32>
        %gather3A_1352 = tpu.vector_load_idx %arg5[%add3A_1351] : memref<32832xf32, #tpu.memory_space<vmem>>[vector<16xi32>], vector<16xf32>,
        %add3A_1353 = arith.addf %add3A_1348, %gather3A_1352 : vector<16xf32>
        %mul3A_1354 = arith.constant 16 : i32
        %mul3A_1355 = arith.muli %scan3A_390, %mul3A_1354 : i32
        %add3A_1356 = arith.constant 7168 : i32
        %add3A_1357 = arith.addi %add3A_1356, %mul3A_1355 : i32
        %swap3A_1358 = arith.index_cast %add3A_1357 : i32 to index
        %swap3A_1359 = tpu.vector_load %arg7[%swap3A_1358] {strides = array<i32>} : memref<32768xf32, #tpu.memory_space<vmem>>, vector<16xf32>,
        tpu.vector_store %arg7[%swap3A_1358], %add3A_1353 {strides = array<i32>} : memref<32768xf32, #tpu.memory_space<vmem>>, vector<16xf32>,
        %add3A_1360 = arith.constant 2052 : i32
        %add3A_1361 = vector.broadcast %add3A_1360 : i32 to vector<16xi32>
        %add3A_1362 = arith.addi %get3A_1241, %add3A_1361 : vector<16xi32>
        %gather3A_1363 = tpu.vector_load_idx %arg5[%add3A_1362] : memref<32832xf32, #tpu.memory_space<vmem>>[vector<16xi32>], vector<16xf32>,
        %add3A_1364 = arith.constant 10260 : i32
        %add3A_1365 = vector.broadcast %add3A_1364 : i32 to vector<16xi32>
        %add3A_1366 = arith.addi %get3A_1247, %add3A_1365 : vector<16xi32>
        %gather3A_1367 = tpu.vector_load_idx %arg5[%add3A_1366] : memref<32832xf32, #tpu.memory_space<vmem>>[vector<16xi32>], vector<16xf32>,
        %add3A_1368 = arith.addf %gather3A_1363, %gather3A_1367 : vector<16xf32>
        %add3A_1369 = arith.constant 18468 : i32
        %add3A_1370 = vector.broadcast %add3A_1369 : i32 to vector<16xi32>
        %add3A_1371 = arith.addi %get3A_1253, %add3A_1370 : vector<16xi32>
        %gather3A_1372 = tpu.vector_load_idx %arg5[%add3A_1371] : memref<32832xf32, #tpu.memory_space<vmem>>[vector<16xi32>], vector<16xf32>,
        %add3A_1373 = arith.addf %add3A_1368, %gather3A_1372 : vector<16xf32>
        %add3A_1374 = arith.constant 26676 : i32
        %add3A_1375 = vector.broadcast %add3A_1374 : i32 to vector<16xi32>
        %add3A_1376 = arith.addi %get3A_1259, %add3A_1375 : vector<16xi32>
        %gather3A_1377 = tpu.vector_load_idx %arg5[%add3A_1376] : memref<32832xf32, #tpu.memory_space<vmem>>[vector<16xi32>], vector<16xf32>,
        %add3A_1378 = arith.addf %add3A_1373, %gather3A_1377 : vector<16xf32>
        %mul3A_1379 = arith.constant 16 : i32
        %mul3A_1380 = arith.muli %scan3A_390, %mul3A_1379 : i32
        %add3A_1381 = arith.constant 9216 : i32
        %add3A_1382 = arith.addi %add3A_1381, %mul3A_1380 : i32
        %swap3A_1383 = arith.index_cast %add3A_1382 : i32 to index
        %swap3A_1384 = tpu.vector_load %arg7[%swap3A_1383] {strides = array<i32>} : memref<32768xf32, #tpu.memory_space<vmem>>, vector<16xf32>,
        tpu.vector_store %arg7[%swap3A_1383], %add3A_1378 {strides = array<i32>} : memref<32768xf32, #tpu.memory_space<vmem>>, vector<16xf32>,
        %add3A_1385 = arith.constant 2565 : i32
        %add3A_1386 = vector.broadcast %add3A_1385 : i32 to vector<16xi32>
        %add3A_1387 = arith.addi %get3A_1241, %add3A_1386 : vector<16xi32>
        %gather3A_1388 = tpu.vector_load_idx %arg5[%add3A_1387] : memref<32832xf32, #tpu.memory_space<vmem>>[vector<16xi32>], vector<16xf32>,
        %add3A_1389 = arith.constant 10773 : i32
        %add3A_1390 = vector.broadcast %add3A_1389 : i32 to vector<16xi32>
        %add3A_1391 = arith.addi %get3A_1247, %add3A_1390 : vector<16xi32>
        %gather3A_1392 = tpu.vector_load_idx %arg5[%add3A_1391] : memref<32832xf32, #tpu.memory_space<vmem>>[vector<16xi32>], vector<16xf32>,
        %add3A_1393 = arith.addf %gather3A_1388, %gather3A_1392 : vector<16xf32>
        %add3A_1394 = arith.constant 18981 : i32
        %add3A_1395 = vector.broadcast %add3A_1394 : i32 to vector<16xi32>
        %add3A_1396 = arith.addi %get3A_1253, %add3A_1395 : vector<16xi32>
        %gather3A_1397 = tpu.vector_load_idx %arg5[%add3A_1396] : memref<32832xf32, #tpu.memory_space<vmem>>[vector<16xi32>], vector<16xf32>,
        %add3A_1398 = arith.addf %add3A_1393, %gather3A_1397 : vector<16xf32>
        %add3A_1399 = arith.constant 27189 : i32
        %add3A_1400 = vector.broadcast %add3A_1399 : i32 to vector<16xi32>
        %add3A_1401 = arith.addi %get3A_1259, %add3A_1400 : vector<16xi32>
        %gather3A_1402 = tpu.vector_load_idx %arg5[%add3A_1401] : memref<32832xf32, #tpu.memory_space<vmem>>[vector<16xi32>], vector<16xf32>,
        %add3A_1403 = arith.addf %add3A_1398, %gather3A_1402 : vector<16xf32>
        %mul3A_1404 = arith.constant 16 : i32
        %mul3A_1405 = arith.muli %scan3A_390, %mul3A_1404 : i32
        %add3A_1406 = arith.constant 11264 : i32
        %add3A_1407 = arith.addi %add3A_1406, %mul3A_1405 : i32
        %swap3A_1408 = arith.index_cast %add3A_1407 : i32 to index
        %swap3A_1409 = tpu.vector_load %arg7[%swap3A_1408] {strides = array<i32>} : memref<32768xf32, #tpu.memory_space<vmem>>, vector<16xf32>,
        tpu.vector_store %arg7[%swap3A_1408], %add3A_1403 {strides = array<i32>} : memref<32768xf32, #tpu.memory_space<vmem>>, vector<16xf32>,
        %add3A_1410 = arith.constant 3078 : i32
        %add3A_1411 = vector.broadcast %add3A_1410 : i32 to vector<16xi32>
        %add3A_1412 = arith.addi %get3A_1241, %add3A_1411 : vector<16xi32>
        %gather3A_1413 = tpu.vector_load_idx %arg5[%add3A_1412] : memref<32832xf32, #tpu.memory_space<vmem>>[vector<16xi32>], vector<16xf32>,
        %add3A_1414 = arith.constant 11286 : i32
        %add3A_1415 = vector.broadcast %add3A_1414 : i32 to vector<16xi32>
        %add3A_1416 = arith.addi %get3A_1247, %add3A_1415 : vector<16xi32>
        %gather3A_1417 = tpu.vector_load_idx %arg5[%add3A_1416] : memref<32832xf32, #tpu.memory_space<vmem>>[vector<16xi32>], vector<16xf32>,
        %add3A_1418 = arith.addf %gather3A_1413, %gather3A_1417 : vector<16xf32>
        %add3A_1419 = arith.constant 19494 : i32
        %add3A_1420 = vector.broadcast %add3A_1419 : i32 to vector<16xi32>
        %add3A_1421 = arith.addi %get3A_1253, %add3A_1420 : vector<16xi32>
        %gather3A_1422 = tpu.vector_load_idx %arg5[%add3A_1421] : memref<32832xf32, #tpu.memory_space<vmem>>[vector<16xi32>], vector<16xf32>,
        %add3A_1423 = arith.addf %add3A_1418, %gather3A_1422 : vector<16xf32>
        %add3A_1424 = arith.constant 27702 : i32
        %add3A_1425 = vector.broadcast %add3A_1424 : i32 to vector<16xi32>
        %add3A_1426 = arith.addi %get3A_1259, %add3A_1425 : vector<16xi32>
        %gather3A_1427 = tpu.vector_load_idx %arg5[%add3A_1426] : memref<32832xf32, #tpu.memory_space<vmem>>[vector<16xi32>], vector<16xf32>,
        %add3A_1428 = arith.addf %add3A_1423, %gather3A_1427 : vector<16xf32>
        %mul3A_1429 = arith.constant 16 : i32
        %mul3A_1430 = arith.muli %scan3A_390, %mul3A_1429 : i32
        %add3A_1431 = arith.constant 13312 : i32
        %add3A_1432 = arith.addi %add3A_1431, %mul3A_1430 : i32
        %swap3A_1433 = arith.index_cast %add3A_1432 : i32 to index
        %swap3A_1434 = tpu.vector_load %arg7[%swap3A_1433] {strides = array<i32>} : memref<32768xf32, #tpu.memory_space<vmem>>, vector<16xf32>,
        tpu.vector_store %arg7[%swap3A_1433], %add3A_1428 {strides = array<i32>} : memref<32768xf32, #tpu.memory_space<vmem>>, vector<16xf32>,
        %add3A_1435 = arith.constant 3591 : i32
        %add3A_1436 = vector.broadcast %add3A_1435 : i32 to vector<16xi32>
        %add3A_1437 = arith.addi %get3A_1241, %add3A_1436 : vector<16xi32>
        %gather3A_1438 = tpu.vector_load_idx %arg5[%add3A_1437] : memref<32832xf32, #tpu.memory_space<vmem>>[vector<16xi32>], vector<16xf32>,
        %add3A_1439 = arith.constant 11799 : i32
        %add3A_1440 = vector.broadcast %add3A_1439 : i32 to vector<16xi32>
        %add3A_1441 = arith.addi %get3A_1247, %add3A_1440 : vector<16xi32>
        %gather3A_1442 = tpu.vector_load_idx %arg5[%add3A_1441] : memref<32832xf32, #tpu.memory_space<vmem>>[vector<16xi32>], vector<16xf32>,
        %add3A_1443 = arith.addf %gather3A_1438, %gather3A_1442 : vector<16xf32>
        %add3A_1444 = arith.constant 20007 : i32
        %add3A_1445 = vector.broadcast %add3A_1444 : i32 to vector<16xi32>
        %add3A_1446 = arith.addi %get3A_1253, %add3A_1445 : vector<16xi32>
        %gather3A_1447 = tpu.vector_load_idx %arg5[%add3A_1446] : memref<32832xf32, #tpu.memory_space<vmem>>[vector<16xi32>], vector<16xf32>,
        %add3A_1448 = arith.addf %add3A_1443, %gather3A_1447 : vector<16xf32>
        %add3A_1449 = arith.constant 28215 : i32
        %add3A_1450 = vector.broadcast %add3A_1449 : i32 to vector<16xi32>
        %add3A_1451 = arith.addi %get3A_1259, %add3A_1450 : vector<16xi32>
        %gather3A_1452 = tpu.vector_load_idx %arg5[%add3A_1451] : memref<32832xf32, #tpu.memory_space<vmem>>[vector<16xi32>], vector<16xf32>,
        %add3A_1453 = arith.addf %add3A_1448, %gather3A_1452 : vector<16xf32>
        %mul3A_1454 = arith.constant 16 : i32
        %mul3A_1455 = arith.muli %scan3A_390, %mul3A_1454 : i32
        %add3A_1456 = arith.constant 15360 : i32
        %add3A_1457 = arith.addi %add3A_1456, %mul3A_1455 : i32
        %swap3A_1458 = arith.index_cast %add3A_1457 : i32 to index
        %swap3A_1459 = tpu.vector_load %arg7[%swap3A_1458] {strides = array<i32>} : memref<32768xf32, #tpu.memory_space<vmem>>, vector<16xf32>,
        tpu.vector_store %arg7[%swap3A_1458], %add3A_1453 {strides = array<i32>} : memref<32768xf32, #tpu.memory_space<vmem>>, vector<16xf32>,
        %add3A_1460 = arith.constant 4104 : i32
        %add3A_1461 = vector.broadcast %add3A_1460 : i32 to vector<16xi32>
        %add3A_1462 = arith.addi %get3A_1241, %add3A_1461 : vector<16xi32>
        %gather3A_1463 = tpu.vector_load_idx %arg5[%add3A_1462] : memref<32832xf32, #tpu.memory_space<vmem>>[vector<16xi32>], vector<16xf32>,
        %add3A_1464 = arith.constant 12312 : i32
        %add3A_1465 = vector.broadcast %add3A_1464 : i32 to vector<16xi32>
        %add3A_1466 = arith.addi %get3A_1247, %add3A_1465 : vector<16xi32>
        %gather3A_1467 = tpu.vector_load_idx %arg5[%add3A_1466] : memref<32832xf32, #tpu.memory_space<vmem>>[vector<16xi32>], vector<16xf32>,
        %add3A_1468 = arith.addf %gather3A_1463, %gather3A_1467 : vector<16xf32>
        %add3A_1469 = arith.constant 20520 : i32
        %add3A_1470 = vector.broadcast %add3A_1469 : i32 to vector<16xi32>
        %add3A_1471 = arith.addi %get3A_1253, %add3A_1470 : vector<16xi32>
        %gather3A_1472 = tpu.vector_load_idx %arg5[%add3A_1471] : memref<32832xf32, #tpu.memory_space<vmem>>[vector<16xi32>], vector<16xf32>,
        %add3A_1473 = arith.addf %add3A_1468, %gather3A_1472 : vector<16xf32>
        %add3A_1474 = arith.constant 28728 : i32
        %add3A_1475 = vector.broadcast %add3A_1474 : i32 to vector<16xi32>
        %add3A_1476 = arith.addi %get3A_1259, %add3A_1475 : vector<16xi32>
        %gather3A_1477 = tpu.vector_load_idx %arg5[%add3A_1476] : memref<32832xf32, #tpu.memory_space<vmem>>[vector<16xi32>], vector<16xf32>,
        %add3A_1478 = arith.addf %add3A_1473, %gather3A_1477 : vector<16xf32>
        %mul3A_1479 = arith.constant 16 : i32
        %mul3A_1480 = arith.muli %scan3A_390, %mul3A_1479 : i32
        %add3A_1481 = arith.constant 17408 : i32
        %add3A_1482 = arith.addi %add3A_1481, %mul3A_1480 : i32
        %swap3A_1483 = arith.index_cast %add3A_1482 : i32 to index
        %swap3A_1484 = tpu.vector_load %arg7[%swap3A_1483] {strides = array<i32>} : memref<32768xf32, #tpu.memory_space<vmem>>, vector<16xf32>,
        tpu.vector_store %arg7[%swap3A_1483], %add3A_1478 {strides = array<i32>} : memref<32768xf32, #tpu.memory_space<vmem>>, vector<16xf32>,
        %add3A_1485 = arith.constant 4617 : i32
        %add3A_1486 = vector.broadcast %add3A_1485 : i32 to vector<16xi32>
        %add3A_1487 = arith.addi %get3A_1241, %add3A_1486 : vector<16xi32>
        %gather3A_1488 = tpu.vector_load_idx %arg5[%add3A_1487] : memref<32832xf32, #tpu.memory_space<vmem>>[vector<16xi32>], vector<16xf32>,
        %add3A_1489 = arith.constant 12825 : i32
        %add3A_1490 = vector.broadcast %add3A_1489 : i32 to vector<16xi32>
        %add3A_1491 = arith.addi %get3A_1247, %add3A_1490 : vector<16xi32>
        %gather3A_1492 = tpu.vector_load_idx %arg5[%add3A_1491] : memref<32832xf32, #tpu.memory_space<vmem>>[vector<16xi32>], vector<16xf32>,
        %add3A_1493 = arith.addf %gather3A_1488, %gather3A_1492 : vector<16xf32>
        %add3A_1494 = arith.constant 21033 : i32
        %add3A_1495 = vector.broadcast %add3A_1494 : i32 to vector<16xi32>
        %add3A_1496 = arith.addi %get3A_1253, %add3A_1495 : vector<16xi32>
        %gather3A_1497 = tpu.vector_load_idx %arg5[%add3A_1496] : memref<32832xf32, #tpu.memory_space<vmem>>[vector<16xi32>], vector<16xf32>,
        %add3A_1498 = arith.addf %add3A_1493, %gather3A_1497 : vector<16xf32>
        %add3A_1499 = arith.constant 29241 : i32
        %add3A_1500 = vector.broadcast %add3A_1499 : i32 to vector<16xi32>
        %add3A_1501 = arith.addi %get3A_1259, %add3A_1500 : vector<16xi32>
        %gather3A_1502 = tpu.vector_load_idx %arg5[%add3A_1501] : memref<32832xf32, #tpu.memory_space<vmem>>[vector<16xi32>], vector<16xf32>,
        %add3A_1503 = arith.addf %add3A_1498, %gather3A_1502 : vector<16xf32>
        %mul3A_1504 = arith.constant 16 : i32
        %mul3A_1505 = arith.muli %scan3A_390, %mul3A_1504 : i32
        %add3A_1506 = arith.constant 19456 : i32
        %add3A_1507 = arith.addi %add3A_1506, %mul3A_1505 : i32
        %swap3A_1508 = arith.index_cast %add3A_1507 : i32 to index
        %swap3A_1509 = tpu.vector_load %arg7[%swap3A_1508] {strides = array<i32>} : memref<32768xf32, #tpu.memory_space<vmem>>, vector<16xf32>,
        tpu.vector_store %arg7[%swap3A_1508], %add3A_1503 {strides = array<i32>} : memref<32768xf32, #tpu.memory_space<vmem>>, vector<16xf32>,
        %add3A_1510 = arith.constant 5130 : i32
        %add3A_1511 = vector.broadcast %add3A_1510 : i32 to vector<16xi32>
        %add3A_1512 = arith.addi %get3A_1241, %add3A_1511 : vector<16xi32>
        %gather3A_1513 = tpu.vector_load_idx %arg5[%add3A_1512] : memref<32832xf32, #tpu.memory_space<vmem>>[vector<16xi32>], vector<16xf32>,
        %add3A_1514 = arith.constant 13338 : i32
        %add3A_1515 = vector.broadcast %add3A_1514 : i32 to vector<16xi32>
        %add3A_1516 = arith.addi %get3A_1247, %add3A_1515 : vector<16xi32>
        %gather3A_1517 = tpu.vector_load_idx %arg5[%add3A_1516] : memref<32832xf32, #tpu.memory_space<vmem>>[vector<16xi32>], vector<16xf32>,
        %add3A_1518 = arith.addf %gather3A_1513, %gather3A_1517 : vector<16xf32>
        %add3A_1519 = arith.constant 21546 : i32
        %add3A_1520 = vector.broadcast %add3A_1519 : i32 to vector<16xi32>
        %add3A_1521 = arith.addi %get3A_1253, %add3A_1520 : vector<16xi32>
        %gather3A_1522 = tpu.vector_load_idx %arg5[%add3A_1521] : memref<32832xf32, #tpu.memory_space<vmem>>[vector<16xi32>], vector<16xf32>,
        %add3A_1523 = arith.addf %add3A_1518, %gather3A_1522 : vector<16xf32>
        %add3A_1524 = arith.constant 29754 : i32
        %add3A_1525 = vector.broadcast %add3A_1524 : i32 to vector<16xi32>
        %add3A_1526 = arith.addi %get3A_1259, %add3A_1525 : vector<16xi32>
        %gather3A_1527 = tpu.vector_load_idx %arg5[%add3A_1526] : memref<32832xf32, #tpu.memory_space<vmem>>[vector<16xi32>], vector<16xf32>,
        %add3A_1528 = arith.addf %add3A_1523, %gather3A_1527 : vector<16xf32>
        %mul3A_1529 = arith.constant 16 : i32
        %mul3A_1530 = arith.muli %scan3A_390, %mul3A_1529 : i32
        %add3A_1531 = arith.constant 21504 : i32
        %add3A_1532 = arith.addi %add3A_1531, %mul3A_1530 : i32
        %swap3A_1533 = arith.index_cast %add3A_1532 : i32 to index
        %swap3A_1534 = tpu.vector_load %arg7[%swap3A_1533] {strides = array<i32>} : memref<32768xf32, #tpu.memory_space<vmem>>, vector<16xf32>,
        tpu.vector_store %arg7[%swap3A_1533], %add3A_1528 {strides = array<i32>} : memref<32768xf32, #tpu.memory_space<vmem>>, vector<16xf32>,
        %add3A_1535 = arith.constant 5643 : i32
        %add3A_1536 = vector.broadcast %add3A_1535 : i32 to vector<16xi32>
        %add3A_1537 = arith.addi %get3A_1241, %add3A_1536 : vector<16xi32>
        %gather3A_1538 = tpu.vector_load_idx %arg5[%add3A_1537] : memref<32832xf32, #tpu.memory_space<vmem>>[vector<16xi32>], vector<16xf32>,
        %add3A_1539 = arith.constant 13851 : i32
        %add3A_1540 = vector.broadcast %add3A_1539 : i32 to vector<16xi32>
        %add3A_1541 = arith.addi %get3A_1247, %add3A_1540 : vector<16xi32>
        %gather3A_1542 = tpu.vector_load_idx %arg5[%add3A_1541] : memref<32832xf32, #tpu.memory_space<vmem>>[vector<16xi32>], vector<16xf32>,
        %add3A_1543 = arith.addf %gather3A_1538, %gather3A_1542 : vector<16xf32>
        %add3A_1544 = arith.constant 22059 : i32
        %add3A_1545 = vector.broadcast %add3A_1544 : i32 to vector<16xi32>
        %add3A_1546 = arith.addi %get3A_1253, %add3A_1545 : vector<16xi32>
        %gather3A_1547 = tpu.vector_load_idx %arg5[%add3A_1546] : memref<32832xf32, #tpu.memory_space<vmem>>[vector<16xi32>], vector<16xf32>,
        %add3A_1548 = arith.addf %add3A_1543, %gather3A_1547 : vector<16xf32>
        %add3A_1549 = arith.constant 30267 : i32
        %add3A_1550 = vector.broadcast %add3A_1549 : i32 to vector<16xi32>
        %add3A_1551 = arith.addi %get3A_1259, %add3A_1550 : vector<16xi32>
        %gather3A_1552 = tpu.vector_load_idx %arg5[%add3A_1551] : memref<32832xf32, #tpu.memory_space<vmem>>[vector<16xi32>], vector<16xf32>,
        %add3A_1553 = arith.addf %add3A_1548, %gather3A_1552 : vector<16xf32>
        %mul3A_1554 = arith.constant 16 : i32
        %mul3A_1555 = arith.muli %scan3A_390, %mul3A_1554 : i32
        %add3A_1556 = arith.constant 23552 : i32
        %add3A_1557 = arith.addi %add3A_1556, %mul3A_1555 : i32
        %swap3A_1558 = arith.index_cast %add3A_1557 : i32 to index
        %swap3A_1559 = tpu.vector_load %arg7[%swap3A_1558] {strides = array<i32>} : memref<32768xf32, #tpu.memory_space<vmem>>, vector<16xf32>,
        tpu.vector_store %arg7[%swap3A_1558], %add3A_1553 {strides = array<i32>} : memref<32768xf32, #tpu.memory_space<vmem>>, vector<16xf32>,
        %add3A_1560 = arith.constant 6156 : i32
        %add3A_1561 = vector.broadcast %add3A_1560 : i32 to vector<16xi32>
        %add3A_1562 = arith.addi %get3A_1241, %add3A_1561 : vector<16xi32>
        %gather3A_1563 = tpu.vector_load_idx %arg5[%add3A_1562] : memref<32832xf32, #tpu.memory_space<vmem>>[vector<16xi32>], vector<16xf32>,
        %add3A_1564 = arith.constant 14364 : i32
        %add3A_1565 = vector.broadcast %add3A_1564 : i32 to vector<16xi32>
        %add3A_1566 = arith.addi %get3A_1247, %add3A_1565 : vector<16xi32>
        %gather3A_1567 = tpu.vector_load_idx %arg5[%add3A_1566] : memref<32832xf32, #tpu.memory_space<vmem>>[vector<16xi32>], vector<16xf32>,
        %add3A_1568 = arith.addf %gather3A_1563, %gather3A_1567 : vector<16xf32>
        %add3A_1569 = arith.constant 22572 : i32
        %add3A_1570 = vector.broadcast %add3A_1569 : i32 to vector<16xi32>
        %add3A_1571 = arith.addi %get3A_1253, %add3A_1570 : vector<16xi32>
        %gather3A_1572 = tpu.vector_load_idx %arg5[%add3A_1571] : memref<32832xf32, #tpu.memory_space<vmem>>[vector<16xi32>], vector<16xf32>,
        %add3A_1573 = arith.addf %add3A_1568, %gather3A_1572 : vector<16xf32>
        %add3A_1574 = arith.constant 30780 : i32
        %add3A_1575 = vector.broadcast %add3A_1574 : i32 to vector<16xi32>
        %add3A_1576 = arith.addi %get3A_1259, %add3A_1575 : vector<16xi32>
        %gather3A_1577 = tpu.vector_load_idx %arg5[%add3A_1576] : memref<32832xf32, #tpu.memory_space<vmem>>[vector<16xi32>], vector<16xf32>,
        %add3A_1578 = arith.addf %add3A_1573, %gather3A_1577 : vector<16xf32>
        %mul3A_1579 = arith.constant 16 : i32
        %mul3A_1580 = arith.muli %scan3A_390, %mul3A_1579 : i32
        %add3A_1581 = arith.constant 25600 : i32
        %add3A_1582 = arith.addi %add3A_1581, %mul3A_1580 : i32
        %swap3A_1583 = arith.index_cast %add3A_1582 : i32 to index
        %swap3A_1584 = tpu.vector_load %arg7[%swap3A_1583] {strides = array<i32>} : memref<32768xf32, #tpu.memory_space<vmem>>, vector<16xf32>,
        tpu.vector_store %arg7[%swap3A_1583], %add3A_1578 {strides = array<i32>} : memref<32768xf32, #tpu.memory_space<vmem>>, vector<16xf32>,
        %add3A_1585 = arith.constant 6669 : i32
        %add3A_1586 = vector.broadcast %add3A_1585 : i32 to vector<16xi32>
        %add3A_1587 = arith.addi %get3A_1241, %add3A_1586 : vector<16xi32>
        %gather3A_1588 = tpu.vector_load_idx %arg5[%add3A_1587] : memref<32832xf32, #tpu.memory_space<vmem>>[vector<16xi32>], vector<16xf32>,
        %add3A_1589 = arith.constant 14877 : i32
        %add3A_1590 = vector.broadcast %add3A_1589 : i32 to vector<16xi32>
        %add3A_1591 = arith.addi %get3A_1247, %add3A_1590 : vector<16xi32>
        %gather3A_1592 = tpu.vector_load_idx %arg5[%add3A_1591] : memref<32832xf32, #tpu.memory_space<vmem>>[vector<16xi32>], vector<16xf32>,
        %add3A_1593 = arith.addf %gather3A_1588, %gather3A_1592 : vector<16xf32>
        %add3A_1594 = arith.constant 23085 : i32
        %add3A_1595 = vector.broadcast %add3A_1594 : i32 to vector<16xi32>
        %add3A_1596 = arith.addi %get3A_1253, %add3A_1595 : vector<16xi32>
        %gather3A_1597 = tpu.vector_load_idx %arg5[%add3A_1596] : memref<32832xf32, #tpu.memory_space<vmem>>[vector<16xi32>], vector<16xf32>,
        %add3A_1598 = arith.addf %add3A_1593, %gather3A_1597 : vector<16xf32>
        %add3A_1599 = arith.constant 31293 : i32
        %add3A_1600 = vector.broadcast %add3A_1599 : i32 to vector<16xi32>
        %add3A_1601 = arith.addi %get3A_1259, %add3A_1600 : vector<16xi32>
        %gather3A_1602 = tpu.vector_load_idx %arg5[%add3A_1601] : memref<32832xf32, #tpu.memory_space<vmem>>[vector<16xi32>], vector<16xf32>,
        %add3A_1603 = arith.addf %add3A_1598, %gather3A_1602 : vector<16xf32>
        %mul3A_1604 = arith.constant 16 : i32
        %mul3A_1605 = arith.muli %scan3A_390, %mul3A_1604 : i32
        %add3A_1606 = arith.constant 27648 : i32
        %add3A_1607 = arith.addi %add3A_1606, %mul3A_1605 : i32
        %swap3A_1608 = arith.index_cast %add3A_1607 : i32 to index
        %swap3A_1609 = tpu.vector_load %arg7[%swap3A_1608] {strides = array<i32>} : memref<32768xf32, #tpu.memory_space<vmem>>, vector<16xf32>,
        tpu.vector_store %arg7[%swap3A_1608], %add3A_1603 {strides = array<i32>} : memref<32768xf32, #tpu.memory_space<vmem>>, vector<16xf32>,
        %add3A_1610 = arith.constant 7182 : i32
        %add3A_1611 = vector.broadcast %add3A_1610 : i32 to vector<16xi32>
        %add3A_1612 = arith.addi %get3A_1241, %add3A_1611 : vector<16xi32>
        %gather3A_1613 = tpu.vector_load_idx %arg5[%add3A_1612] : memref<32832xf32, #tpu.memory_space<vmem>>[vector<16xi32>], vector<16xf32>,
        %add3A_1614 = arith.constant 15390 : i32
        %add3A_1615 = vector.broadcast %add3A_1614 : i32 to vector<16xi32>
        %add3A_1616 = arith.addi %get3A_1247, %add3A_1615 : vector<16xi32>
        %gather3A_1617 = tpu.vector_load_idx %arg5[%add3A_1616] : memref<32832xf32, #tpu.memory_space<vmem>>[vector<16xi32>], vector<16xf32>,
        %add3A_1618 = arith.addf %gather3A_1613, %gather3A_1617 : vector<16xf32>
        %add3A_1619 = arith.constant 23598 : i32
        %add3A_1620 = vector.broadcast %add3A_1619 : i32 to vector<16xi32>
        %add3A_1621 = arith.addi %get3A_1253, %add3A_1620 : vector<16xi32>
        %gather3A_1622 = tpu.vector_load_idx %arg5[%add3A_1621] : memref<32832xf32, #tpu.memory_space<vmem>>[vector<16xi32>], vector<16xf32>,
        %add3A_1623 = arith.addf %add3A_1618, %gather3A_1622 : vector<16xf32>
        %add3A_1624 = arith.constant 31806 : i32
        %add3A_1625 = vector.broadcast %add3A_1624 : i32 to vector<16xi32>
        %add3A_1626 = arith.addi %get3A_1259, %add3A_1625 : vector<16xi32>
        %gather3A_1627 = tpu.vector_load_idx %arg5[%add3A_1626] : memref<32832xf32, #tpu.memory_space<vmem>>[vector<16xi32>], vector<16xf32>,
        %add3A_1628 = arith.addf %add3A_1623, %gather3A_1627 : vector<16xf32>
        %mul3A_1629 = arith.constant 16 : i32
        %mul3A_1630 = arith.muli %scan3A_390, %mul3A_1629 : i32
        %add3A_1631 = arith.constant 29696 : i32
        %add3A_1632 = arith.addi %add3A_1631, %mul3A_1630 : i32
        %swap3A_1633 = arith.index_cast %add3A_1632 : i32 to index
        %swap3A_1634 = tpu.vector_load %arg7[%swap3A_1633] {strides = array<i32>} : memref<32768xf32, #tpu.memory_space<vmem>>, vector<16xf32>,
        tpu.vector_store %arg7[%swap3A_1633], %add3A_1628 {strides = array<i32>} : memref<32768xf32, #tpu.memory_space<vmem>>, vector<16xf32>,
        %add3A_1635 = arith.constant 7695 : i32
        %add3A_1636 = vector.broadcast %add3A_1635 : i32 to vector<16xi32>
        %add3A_1637 = arith.addi %get3A_1241, %add3A_1636 : vector<16xi32>
        %gather3A_1638 = tpu.vector_load_idx %arg5[%add3A_1637] : memref<32832xf32, #tpu.memory_space<vmem>>[vector<16xi32>], vector<16xf32>,
        %add3A_1639 = arith.constant 15903 : i32
        %add3A_1640 = vector.broadcast %add3A_1639 : i32 to vector<16xi32>
        %add3A_1641 = arith.addi %get3A_1247, %add3A_1640 : vector<16xi32>
        %gather3A_1642 = tpu.vector_load_idx %arg5[%add3A_1641] : memref<32832xf32, #tpu.memory_space<vmem>>[vector<16xi32>], vector<16xf32>,
        %add3A_1643 = arith.addf %gather3A_1638, %gather3A_1642 : vector<16xf32>
        %add3A_1644 = arith.constant 24111 : i32
        %add3A_1645 = vector.broadcast %add3A_1644 : i32 to vector<16xi32>
        %add3A_1646 = arith.addi %get3A_1253, %add3A_1645 : vector<16xi32>
        %gather3A_1647 = tpu.vector_load_idx %arg5[%add3A_1646] : memref<32832xf32, #tpu.memory_space<vmem>>[vector<16xi32>], vector<16xf32>,
        %add3A_1648 = arith.addf %add3A_1643, %gather3A_1647 : vector<16xf32>
        %add3A_1649 = arith.constant 32319 : i32
        %add3A_1650 = vector.broadcast %add3A_1649 : i32 to vector<16xi32>
        %add3A_1651 = arith.addi %get3A_1259, %add3A_1650 : vector<16xi32>
        %gather3A_1652 = tpu.vector_load_idx %arg5[%add3A_1651] : memref<32832xf32, #tpu.memory_space<vmem>>[vector<16xi32>], vector<16xf32>,
        %add3A_1653 = arith.addf %add3A_1648, %gather3A_1652 : vector<16xf32>
        %mul3A_1654 = arith.constant 16 : i32
        %mul3A_1655 = arith.muli %scan3A_390, %mul3A_1654 : i32
        %add3A_1656 = arith.constant 31744 : i32
        %add3A_1657 = arith.addi %add3A_1656, %mul3A_1655 : i32
        %swap3A_1658 = arith.index_cast %add3A_1657 : i32 to index
        %swap3A_1659 = tpu.vector_load %arg7[%swap3A_1658] {strides = array<i32>} : memref<32768xf32, #tpu.memory_space<vmem>>, vector<16xf32>,
        tpu.vector_store %arg7[%swap3A_1658], %add3A_1653 {strides = array<i32>} : memref<32768xf32, #tpu.memory_space<vmem>>, vector<16xf32>,
        %mul3A_1660 = arith.constant 16 : i32
        %mul3A_1661 = arith.muli %scan3A_390, %mul3A_1660 : i32
        %add3A_1662 = arith.constant 1536 : i32
        %add3A_1663 = arith.addi %add3A_1662, %mul3A_1661 : i32
        %get3A_1664 = arith.index_cast %add3A_1663 : i32 to index
        %get3A_1665 = tpu.vector_load %arg6[%get3A_1664] {strides = array<i32>} : memref<8192xi32, #tpu.memory_space<vmem>>, vector<16xi32>,
        %mul3A_1666 = arith.constant 16 : i32
        %mul3A_1667 = arith.muli %scan3A_390, %mul3A_1666 : i32
        %add3A_1668 = arith.constant 3584 : i32
        %add3A_1669 = arith.addi %add3A_1668, %mul3A_1667 : i32
        %get3A_1670 = arith.index_cast %add3A_1669 : i32 to index
        %get3A_1671 = tpu.vector_load %arg6[%get3A_1670] {strides = array<i32>} : memref<8192xi32, #tpu.memory_space<vmem>>, vector<16xi32>,
        %mul3A_1672 = arith.constant 16 : i32
        %mul3A_1673 = arith.muli %scan3A_390, %mul3A_1672 : i32
        %add3A_1674 = arith.constant 5632 : i32
        %add3A_1675 = arith.addi %add3A_1674, %mul3A_1673 : i32
        %get3A_1676 = arith.index_cast %add3A_1675 : i32 to index
        %get3A_1677 = tpu.vector_load %arg6[%get3A_1676] {strides = array<i32>} : memref<8192xi32, #tpu.memory_space<vmem>>, vector<16xi32>,
        %mul3A_1678 = arith.constant 16 : i32
        %mul3A_1679 = arith.muli %scan3A_390, %mul3A_1678 : i32
        %add3A_1680 = arith.constant 7680 : i32
        %add3A_1681 = arith.addi %add3A_1680, %mul3A_1679 : i32
        %get3A_1682 = arith.index_cast %add3A_1681 : i32 to index
        %get3A_1683 = tpu.vector_load %arg6[%get3A_1682] {strides = array<i32>} : memref<8192xi32, #tpu.memory_space<vmem>>, vector<16xi32>,
        %add3A_1684 = arith.constant 0 : i32
        %add3A_1685 = vector.broadcast %add3A_1684 : i32 to vector<16xi32>
        %add3A_1686 = arith.addi %get3A_1665, %add3A_1685 : vector<16xi32>
        %gather3A_1687 = tpu.vector_load_idx %arg5[%add3A_1686] : memref<32832xf32, #tpu.memory_space<vmem>>[vector<16xi32>], vector<16xf32>,
        %add3A_1688 = arith.constant 8208 : i32
        %add3A_1689 = vector.broadcast %add3A_1688 : i32 to vector<16xi32>
        %add3A_1690 = arith.addi %get3A_1671, %add3A_1689 : vector<16xi32>
        %gather3A_1691 = tpu.vector_load_idx %arg5[%add3A_1690] : memref<32832xf32, #tpu.memory_space<vmem>>[vector<16xi32>], vector<16xf32>,
        %add3A_1692 = arith.addf %gather3A_1687, %gather3A_1691 : vector<16xf32>
        %add3A_1693 = arith.constant 16416 : i32
        %add3A_1694 = vector.broadcast %add3A_1693 : i32 to vector<16xi32>
        %add3A_1695 = arith.addi %get3A_1677, %add3A_1694 : vector<16xi32>
        %gather3A_1696 = tpu.vector_load_idx %arg5[%add3A_1695] : memref<32832xf32, #tpu.memory_space<vmem>>[vector<16xi32>], vector<16xf32>,
        %add3A_1697 = arith.addf %add3A_1692, %gather3A_1696 : vector<16xf32>
        %add3A_1698 = arith.constant 24624 : i32
        %add3A_1699 = vector.broadcast %add3A_1698 : i32 to vector<16xi32>
        %add3A_1700 = arith.addi %get3A_1683, %add3A_1699 : vector<16xi32>
        %gather3A_1701 = tpu.vector_load_idx %arg5[%add3A_1700] : memref<32832xf32, #tpu.memory_space<vmem>>[vector<16xi32>], vector<16xf32>,
        %add3A_1702 = arith.addf %add3A_1697, %gather3A_1701 : vector<16xf32>
        %mul3A_1703 = arith.constant 16 : i32
        %mul3A_1704 = arith.muli %scan3A_390, %mul3A_1703 : i32
        %add3A_1705 = arith.constant 1536 : i32
        %add3A_1706 = arith.addi %add3A_1705, %mul3A_1704 : i32
        %swap3A_1707 = arith.index_cast %add3A_1706 : i32 to index
        %swap3A_1708 = tpu.vector_load %arg7[%swap3A_1707] {strides = array<i32>} : memref<32768xf32, #tpu.memory_space<vmem>>, vector<16xf32>,
        tpu.vector_store %arg7[%swap3A_1707], %add3A_1702 {strides = array<i32>} : memref<32768xf32, #tpu.memory_space<vmem>>, vector<16xf32>,
        %add3A_1709 = arith.constant 513 : i32
        %add3A_1710 = vector.broadcast %add3A_1709 : i32 to vector<16xi32>
        %add3A_1711 = arith.addi %get3A_1665, %add3A_1710 : vector<16xi32>
        %gather3A_1712 = tpu.vector_load_idx %arg5[%add3A_1711] : memref<32832xf32, #tpu.memory_space<vmem>>[vector<16xi32>], vector<16xf32>,
        %add3A_1713 = arith.constant 8721 : i32
        %add3A_1714 = vector.broadcast %add3A_1713 : i32 to vector<16xi32>
        %add3A_1715 = arith.addi %get3A_1671, %add3A_1714 : vector<16xi32>
        %gather3A_1716 = tpu.vector_load_idx %arg5[%add3A_1715] : memref<32832xf32, #tpu.memory_space<vmem>>[vector<16xi32>], vector<16xf32>,
        %add3A_1717 = arith.addf %gather3A_1712, %gather3A_1716 : vector<16xf32>
        %add3A_1718 = arith.constant 16929 : i32
        %add3A_1719 = vector.broadcast %add3A_1718 : i32 to vector<16xi32>
        %add3A_1720 = arith.addi %get3A_1677, %add3A_1719 : vector<16xi32>
        %gather3A_1721 = tpu.vector_load_idx %arg5[%add3A_1720] : memref<32832xf32, #tpu.memory_space<vmem>>[vector<16xi32>], vector<16xf32>,
        %add3A_1722 = arith.addf %add3A_1717, %gather3A_1721 : vector<16xf32>
        %add3A_1723 = arith.constant 25137 : i32
        %add3A_1724 = vector.broadcast %add3A_1723 : i32 to vector<16xi32>
        %add3A_1725 = arith.addi %get3A_1683, %add3A_1724 : vector<16xi32>
        %gather3A_1726 = tpu.vector_load_idx %arg5[%add3A_1725] : memref<32832xf32, #tpu.memory_space<vmem>>[vector<16xi32>], vector<16xf32>,
        %add3A_1727 = arith.addf %add3A_1722, %gather3A_1726 : vector<16xf32>
        %mul3A_1728 = arith.constant 16 : i32
        %mul3A_1729 = arith.muli %scan3A_390, %mul3A_1728 : i32
        %add3A_1730 = arith.constant 3584 : i32
        %add3A_1731 = arith.addi %add3A_1730, %mul3A_1729 : i32
        %swap3A_1732 = arith.index_cast %add3A_1731 : i32 to index
        %swap3A_1733 = tpu.vector_load %arg7[%swap3A_1732] {strides = array<i32>} : memref<32768xf32, #tpu.memory_space<vmem>>, vector<16xf32>,
        tpu.vector_store %arg7[%swap3A_1732], %add3A_1727 {strides = array<i32>} : memref<32768xf32, #tpu.memory_space<vmem>>, vector<16xf32>,
        %add3A_1734 = arith.constant 1026 : i32
        %add3A_1735 = vector.broadcast %add3A_1734 : i32 to vector<16xi32>
        %add3A_1736 = arith.addi %get3A_1665, %add3A_1735 : vector<16xi32>
        %gather3A_1737 = tpu.vector_load_idx %arg5[%add3A_1736] : memref<32832xf32, #tpu.memory_space<vmem>>[vector<16xi32>], vector<16xf32>,
        %add3A_1738 = arith.constant 9234 : i32
        %add3A_1739 = vector.broadcast %add3A_1738 : i32 to vector<16xi32>
        %add3A_1740 = arith.addi %get3A_1671, %add3A_1739 : vector<16xi32>
        %gather3A_1741 = tpu.vector_load_idx %arg5[%add3A_1740] : memref<32832xf32, #tpu.memory_space<vmem>>[vector<16xi32>], vector<16xf32>,
        %add3A_1742 = arith.addf %gather3A_1737, %gather3A_1741 : vector<16xf32>
        %add3A_1743 = arith.constant 17442 : i32
        %add3A_1744 = vector.broadcast %add3A_1743 : i32 to vector<16xi32>
        %add3A_1745 = arith.addi %get3A_1677, %add3A_1744 : vector<16xi32>
        %gather3A_1746 = tpu.vector_load_idx %arg5[%add3A_1745] : memref<32832xf32, #tpu.memory_space<vmem>>[vector<16xi32>], vector<16xf32>,
        %add3A_1747 = arith.addf %add3A_1742, %gather3A_1746 : vector<16xf32>
        %add3A_1748 = arith.constant 25650 : i32
        %add3A_1749 = vector.broadcast %add3A_1748 : i32 to vector<16xi32>
        %add3A_1750 = arith.addi %get3A_1683, %add3A_1749 : vector<16xi32>
        %gather3A_1751 = tpu.vector_load_idx %arg5[%add3A_1750] : memref<32832xf32, #tpu.memory_space<vmem>>[vector<16xi32>], vector<16xf32>,
        %add3A_1752 = arith.addf %add3A_1747, %gather3A_1751 : vector<16xf32>
        %mul3A_1753 = arith.constant 16 : i32
        %mul3A_1754 = arith.muli %scan3A_390, %mul3A_1753 : i32
        %add3A_1755 = arith.constant 5632 : i32
        %add3A_1756 = arith.addi %add3A_1755, %mul3A_1754 : i32
        %swap3A_1757 = arith.index_cast %add3A_1756 : i32 to index
        %swap3A_1758 = tpu.vector_load %arg7[%swap3A_1757] {strides = array<i32>} : memref<32768xf32, #tpu.memory_space<vmem>>, vector<16xf32>,
        tpu.vector_store %arg7[%swap3A_1757], %add3A_1752 {strides = array<i32>} : memref<32768xf32, #tpu.memory_space<vmem>>, vector<16xf32>,
        %add3A_1759 = arith.constant 1539 : i32
        %add3A_1760 = vector.broadcast %add3A_1759 : i32 to vector<16xi32>
        %add3A_1761 = arith.addi %get3A_1665, %add3A_1760 : vector<16xi32>
        %gather3A_1762 = tpu.vector_load_idx %arg5[%add3A_1761] : memref<32832xf32, #tpu.memory_space<vmem>>[vector<16xi32>], vector<16xf32>,
        %add3A_1763 = arith.constant 9747 : i32
        %add3A_1764 = vector.broadcast %add3A_1763 : i32 to vector<16xi32>
        %add3A_1765 = arith.addi %get3A_1671, %add3A_1764 : vector<16xi32>
        %gather3A_1766 = tpu.vector_load_idx %arg5[%add3A_1765] : memref<32832xf32, #tpu.memory_space<vmem>>[vector<16xi32>], vector<16xf32>,
        %add3A_1767 = arith.addf %gather3A_1762, %gather3A_1766 : vector<16xf32>
        %add3A_1768 = arith.constant 17955 : i32
        %add3A_1769 = vector.broadcast %add3A_1768 : i32 to vector<16xi32>
        %add3A_1770 = arith.addi %get3A_1677, %add3A_1769 : vector<16xi32>
        %gather3A_1771 = tpu.vector_load_idx %arg5[%add3A_1770] : memref<32832xf32, #tpu.memory_space<vmem>>[vector<16xi32>], vector<16xf32>,
        %add3A_1772 = arith.addf %add3A_1767, %gather3A_1771 : vector<16xf32>
        %add3A_1773 = arith.constant 26163 : i32
        %add3A_1774 = vector.broadcast %add3A_1773 : i32 to vector<16xi32>
        %add3A_1775 = arith.addi %get3A_1683, %add3A_1774 : vector<16xi32>
        %gather3A_1776 = tpu.vector_load_idx %arg5[%add3A_1775] : memref<32832xf32, #tpu.memory_space<vmem>>[vector<16xi32>], vector<16xf32>,
        %add3A_1777 = arith.addf %add3A_1772, %gather3A_1776 : vector<16xf32>
        %mul3A_1778 = arith.constant 16 : i32
        %mul3A_1779 = arith.muli %scan3A_390, %mul3A_1778 : i32
        %add3A_1780 = arith.constant 7680 : i32
        %add3A_1781 = arith.addi %add3A_1780, %mul3A_1779 : i32
        %swap3A_1782 = arith.index_cast %add3A_1781 : i32 to index
        %swap3A_1783 = tpu.vector_load %arg7[%swap3A_1782] {strides = array<i32>} : memref<32768xf32, #tpu.memory_space<vmem>>, vector<16xf32>,
        tpu.vector_store %arg7[%swap3A_1782], %add3A_1777 {strides = array<i32>} : memref<32768xf32, #tpu.memory_space<vmem>>, vector<16xf32>,
        %add3A_1784 = arith.constant 2052 : i32
        %add3A_1785 = vector.broadcast %add3A_1784 : i32 to vector<16xi32>
        %add3A_1786 = arith.addi %get3A_1665, %add3A_1785 : vector<16xi32>
        %gather3A_1787 = tpu.vector_load_idx %arg5[%add3A_1786] : memref<32832xf32, #tpu.memory_space<vmem>>[vector<16xi32>], vector<16xf32>,
        %add3A_1788 = arith.constant 10260 : i32
        %add3A_1789 = vector.broadcast %add3A_1788 : i32 to vector<16xi32>
        %add3A_1790 = arith.addi %get3A_1671, %add3A_1789 : vector<16xi32>
        %gather3A_1791 = tpu.vector_load_idx %arg5[%add3A_1790] : memref<32832xf32, #tpu.memory_space<vmem>>[vector<16xi32>], vector<16xf32>,
        %add3A_1792 = arith.addf %gather3A_1787, %gather3A_1791 : vector<16xf32>
        %add3A_1793 = arith.constant 18468 : i32
        %add3A_1794 = vector.broadcast %add3A_1793 : i32 to vector<16xi32>
        %add3A_1795 = arith.addi %get3A_1677, %add3A_1794 : vector<16xi32>
        %gather3A_1796 = tpu.vector_load_idx %arg5[%add3A_1795] : memref<32832xf32, #tpu.memory_space<vmem>>[vector<16xi32>], vector<16xf32>,
        %add3A_1797 = arith.addf %add3A_1792, %gather3A_1796 : vector<16xf32>
        %add3A_1798 = arith.constant 26676 : i32
        %add3A_1799 = vector.broadcast %add3A_1798 : i32 to vector<16xi32>
        %add3A_1800 = arith.addi %get3A_1683, %add3A_1799 : vector<16xi32>
        %gather3A_1801 = tpu.vector_load_idx %arg5[%add3A_1800] : memref<32832xf32, #tpu.memory_space<vmem>>[vector<16xi32>], vector<16xf32>,
        %add3A_1802 = arith.addf %add3A_1797, %gather3A_1801 : vector<16xf32>
        %mul3A_1803 = arith.constant 16 : i32
        %mul3A_1804 = arith.muli %scan3A_390, %mul3A_1803 : i32
        %add3A_1805 = arith.constant 9728 : i32
        %add3A_1806 = arith.addi %add3A_1805, %mul3A_1804 : i32
        %swap3A_1807 = arith.index_cast %add3A_1806 : i32 to index
        %swap3A_1808 = tpu.vector_load %arg7[%swap3A_1807] {strides = array<i32>} : memref<32768xf32, #tpu.memory_space<vmem>>, vector<16xf32>,
        tpu.vector_store %arg7[%swap3A_1807], %add3A_1802 {strides = array<i32>} : memref<32768xf32, #tpu.memory_space<vmem>>, vector<16xf32>,
        %add3A_1809 = arith.constant 2565 : i32
        %add3A_1810 = vector.broadcast %add3A_1809 : i32 to vector<16xi32>
        %add3A_1811 = arith.addi %get3A_1665, %add3A_1810 : vector<16xi32>
        %gather3A_1812 = tpu.vector_load_idx %arg5[%add3A_1811] : memref<32832xf32, #tpu.memory_space<vmem>>[vector<16xi32>], vector<16xf32>,
        %add3A_1813 = arith.constant 10773 : i32
        %add3A_1814 = vector.broadcast %add3A_1813 : i32 to vector<16xi32>
        %add3A_1815 = arith.addi %get3A_1671, %add3A_1814 : vector<16xi32>
        %gather3A_1816 = tpu.vector_load_idx %arg5[%add3A_1815] : memref<32832xf32, #tpu.memory_space<vmem>>[vector<16xi32>], vector<16xf32>,
        %add3A_1817 = arith.addf %gather3A_1812, %gather3A_1816 : vector<16xf32>
        %add3A_1818 = arith.constant 18981 : i32
        %add3A_1819 = vector.broadcast %add3A_1818 : i32 to vector<16xi32>
        %add3A_1820 = arith.addi %get3A_1677, %add3A_1819 : vector<16xi32>
        %gather3A_1821 = tpu.vector_load_idx %arg5[%add3A_1820] : memref<32832xf32, #tpu.memory_space<vmem>>[vector<16xi32>], vector<16xf32>,
        %add3A_1822 = arith.addf %add3A_1817, %gather3A_1821 : vector<16xf32>
        %add3A_1823 = arith.constant 27189 : i32
        %add3A_1824 = vector.broadcast %add3A_1823 : i32 to vector<16xi32>
        %add3A_1825 = arith.addi %get3A_1683, %add3A_1824 : vector<16xi32>
        %gather3A_1826 = tpu.vector_load_idx %arg5[%add3A_1825] : memref<32832xf32, #tpu.memory_space<vmem>>[vector<16xi32>], vector<16xf32>,
        %add3A_1827 = arith.addf %add3A_1822, %gather3A_1826 : vector<16xf32>
        %mul3A_1828 = arith.constant 16 : i32
        %mul3A_1829 = arith.muli %scan3A_390, %mul3A_1828 : i32
        %add3A_1830 = arith.constant 11776 : i32
        %add3A_1831 = arith.addi %add3A_1830, %mul3A_1829 : i32
        %swap3A_1832 = arith.index_cast %add3A_1831 : i32 to index
        %swap3A_1833 = tpu.vector_load %arg7[%swap3A_1832] {strides = array<i32>} : memref<32768xf32, #tpu.memory_space<vmem>>, vector<16xf32>,
        tpu.vector_store %arg7[%swap3A_1832], %add3A_1827 {strides = array<i32>} : memref<32768xf32, #tpu.memory_space<vmem>>, vector<16xf32>,
        %add3A_1834 = arith.constant 3078 : i32
        %add3A_1835 = vector.broadcast %add3A_1834 : i32 to vector<16xi32>
        %add3A_1836 = arith.addi %get3A_1665, %add3A_1835 : vector<16xi32>
        %gather3A_1837 = tpu.vector_load_idx %arg5[%add3A_1836] : memref<32832xf32, #tpu.memory_space<vmem>>[vector<16xi32>], vector<16xf32>,
        %add3A_1838 = arith.constant 11286 : i32
        %add3A_1839 = vector.broadcast %add3A_1838 : i32 to vector<16xi32>
        %add3A_1840 = arith.addi %get3A_1671, %add3A_1839 : vector<16xi32>
        %gather3A_1841 = tpu.vector_load_idx %arg5[%add3A_1840] : memref<32832xf32, #tpu.memory_space<vmem>>[vector<16xi32>], vector<16xf32>,
        %add3A_1842 = arith.addf %gather3A_1837, %gather3A_1841 : vector<16xf32>
        %add3A_1843 = arith.constant 19494 : i32
        %add3A_1844 = vector.broadcast %add3A_1843 : i32 to vector<16xi32>
        %add3A_1845 = arith.addi %get3A_1677, %add3A_1844 : vector<16xi32>
        %gather3A_1846 = tpu.vector_load_idx %arg5[%add3A_1845] : memref<32832xf32, #tpu.memory_space<vmem>>[vector<16xi32>], vector<16xf32>,
        %add3A_1847 = arith.addf %add3A_1842, %gather3A_1846 : vector<16xf32>
        %add3A_1848 = arith.constant 27702 : i32
        %add3A_1849 = vector.broadcast %add3A_1848 : i32 to vector<16xi32>
        %add3A_1850 = arith.addi %get3A_1683, %add3A_1849 : vector<16xi32>
        %gather3A_1851 = tpu.vector_load_idx %arg5[%add3A_1850] : memref<32832xf32, #tpu.memory_space<vmem>>[vector<16xi32>], vector<16xf32>,
        %add3A_1852 = arith.addf %add3A_1847, %gather3A_1851 : vector<16xf32>
        %mul3A_1853 = arith.constant 16 : i32
        %mul3A_1854 = arith.muli %scan3A_390, %mul3A_1853 : i32
        %add3A_1855 = arith.constant 13824 : i32
        %add3A_1856 = arith.addi %add3A_1855, %mul3A_1854 : i32
        %swap3A_1857 = arith.index_cast %add3A_1856 : i32 to index
        %swap3A_1858 = tpu.vector_load %arg7[%swap3A_1857] {strides = array<i32>} : memref<32768xf32, #tpu.memory_space<vmem>>, vector<16xf32>,
        tpu.vector_store %arg7[%swap3A_1857], %add3A_1852 {strides = array<i32>} : memref<32768xf32, #tpu.memory_space<vmem>>, vector<16xf32>,
        %add3A_1859 = arith.constant 3591 : i32
        %add3A_1860 = vector.broadcast %add3A_1859 : i32 to vector<16xi32>
        %add3A_1861 = arith.addi %get3A_1665, %add3A_1860 : vector<16xi32>
        %gather3A_1862 = tpu.vector_load_idx %arg5[%add3A_1861] : memref<32832xf32, #tpu.memory_space<vmem>>[vector<16xi32>], vector<16xf32>,
        %add3A_1863 = arith.constant 11799 : i32
        %add3A_1864 = vector.broadcast %add3A_1863 : i32 to vector<16xi32>
        %add3A_1865 = arith.addi %get3A_1671, %add3A_1864 : vector<16xi32>
        %gather3A_1866 = tpu.vector_load_idx %arg5[%add3A_1865] : memref<32832xf32, #tpu.memory_space<vmem>>[vector<16xi32>], vector<16xf32>,
        %add3A_1867 = arith.addf %gather3A_1862, %gather3A_1866 : vector<16xf32>
        %add3A_1868 = arith.constant 20007 : i32
        %add3A_1869 = vector.broadcast %add3A_1868 : i32 to vector<16xi32>
        %add3A_1870 = arith.addi %get3A_1677, %add3A_1869 : vector<16xi32>
        %gather3A_1871 = tpu.vector_load_idx %arg5[%add3A_1870] : memref<32832xf32, #tpu.memory_space<vmem>>[vector<16xi32>], vector<16xf32>,
        %add3A_1872 = arith.addf %add3A_1867, %gather3A_1871 : vector<16xf32>
        %add3A_1873 = arith.constant 28215 : i32
        %add3A_1874 = vector.broadcast %add3A_1873 : i32 to vector<16xi32>
        %add3A_1875 = arith.addi %get3A_1683, %add3A_1874 : vector<16xi32>
        %gather3A_1876 = tpu.vector_load_idx %arg5[%add3A_1875] : memref<32832xf32, #tpu.memory_space<vmem>>[vector<16xi32>], vector<16xf32>,
        %add3A_1877 = arith.addf %add3A_1872, %gather3A_1876 : vector<16xf32>
        %mul3A_1878 = arith.constant 16 : i32
        %mul3A_1879 = arith.muli %scan3A_390, %mul3A_1878 : i32
        %add3A_1880 = arith.constant 15872 : i32
        %add3A_1881 = arith.addi %add3A_1880, %mul3A_1879 : i32
        %swap3A_1882 = arith.index_cast %add3A_1881 : i32 to index
        %swap3A_1883 = tpu.vector_load %arg7[%swap3A_1882] {strides = array<i32>} : memref<32768xf32, #tpu.memory_space<vmem>>, vector<16xf32>,
        tpu.vector_store %arg7[%swap3A_1882], %add3A_1877 {strides = array<i32>} : memref<32768xf32, #tpu.memory_space<vmem>>, vector<16xf32>,
        %add3A_1884 = arith.constant 4104 : i32
        %add3A_1885 = vector.broadcast %add3A_1884 : i32 to vector<16xi32>
        %add3A_1886 = arith.addi %get3A_1665, %add3A_1885 : vector<16xi32>
        %gather3A_1887 = tpu.vector_load_idx %arg5[%add3A_1886] : memref<32832xf32, #tpu.memory_space<vmem>>[vector<16xi32>], vector<16xf32>,
        %add3A_1888 = arith.constant 12312 : i32
        %add3A_1889 = vector.broadcast %add3A_1888 : i32 to vector<16xi32>
        %add3A_1890 = arith.addi %get3A_1671, %add3A_1889 : vector<16xi32>
        %gather3A_1891 = tpu.vector_load_idx %arg5[%add3A_1890] : memref<32832xf32, #tpu.memory_space<vmem>>[vector<16xi32>], vector<16xf32>,
        %add3A_1892 = arith.addf %gather3A_1887, %gather3A_1891 : vector<16xf32>
        %add3A_1893 = arith.constant 20520 : i32
        %add3A_1894 = vector.broadcast %add3A_1893 : i32 to vector<16xi32>
        %add3A_1895 = arith.addi %get3A_1677, %add3A_1894 : vector<16xi32>
        %gather3A_1896 = tpu.vector_load_idx %arg5[%add3A_1895] : memref<32832xf32, #tpu.memory_space<vmem>>[vector<16xi32>], vector<16xf32>,
        %add3A_1897 = arith.addf %add3A_1892, %gather3A_1896 : vector<16xf32>
        %add3A_1898 = arith.constant 28728 : i32
        %add3A_1899 = vector.broadcast %add3A_1898 : i32 to vector<16xi32>
        %add3A_1900 = arith.addi %get3A_1683, %add3A_1899 : vector<16xi32>
        %gather3A_1901 = tpu.vector_load_idx %arg5[%add3A_1900] : memref<32832xf32, #tpu.memory_space<vmem>>[vector<16xi32>], vector<16xf32>,
        %add3A_1902 = arith.addf %add3A_1897, %gather3A_1901 : vector<16xf32>
        %mul3A_1903 = arith.constant 16 : i32
        %mul3A_1904 = arith.muli %scan3A_390, %mul3A_1903 : i32
        %add3A_1905 = arith.constant 17920 : i32
        %add3A_1906 = arith.addi %add3A_1905, %mul3A_1904 : i32
        %swap3A_1907 = arith.index_cast %add3A_1906 : i32 to index
        %swap3A_1908 = tpu.vector_load %arg7[%swap3A_1907] {strides = array<i32>} : memref<32768xf32, #tpu.memory_space<vmem>>, vector<16xf32>,
        tpu.vector_store %arg7[%swap3A_1907], %add3A_1902 {strides = array<i32>} : memref<32768xf32, #tpu.memory_space<vmem>>, vector<16xf32>,
        %add3A_1909 = arith.constant 4617 : i32
        %add3A_1910 = vector.broadcast %add3A_1909 : i32 to vector<16xi32>
        %add3A_1911 = arith.addi %get3A_1665, %add3A_1910 : vector<16xi32>
        %gather3A_1912 = tpu.vector_load_idx %arg5[%add3A_1911] : memref<32832xf32, #tpu.memory_space<vmem>>[vector<16xi32>], vector<16xf32>,
        %add3A_1913 = arith.constant 12825 : i32
        %add3A_1914 = vector.broadcast %add3A_1913 : i32 to vector<16xi32>
        %add3A_1915 = arith.addi %get3A_1671, %add3A_1914 : vector<16xi32>
        %gather3A_1916 = tpu.vector_load_idx %arg5[%add3A_1915] : memref<32832xf32, #tpu.memory_space<vmem>>[vector<16xi32>], vector<16xf32>,
        %add3A_1917 = arith.addf %gather3A_1912, %gather3A_1916 : vector<16xf32>
        %add3A_1918 = arith.constant 21033 : i32
        %add3A_1919 = vector.broadcast %add3A_1918 : i32 to vector<16xi32>
        %add3A_1920 = arith.addi %get3A_1677, %add3A_1919 : vector<16xi32>
        %gather3A_1921 = tpu.vector_load_idx %arg5[%add3A_1920] : memref<32832xf32, #tpu.memory_space<vmem>>[vector<16xi32>], vector<16xf32>,
        %add3A_1922 = arith.addf %add3A_1917, %gather3A_1921 : vector<16xf32>
        %add3A_1923 = arith.constant 29241 : i32
        %add3A_1924 = vector.broadcast %add3A_1923 : i32 to vector<16xi32>
        %add3A_1925 = arith.addi %get3A_1683, %add3A_1924 : vector<16xi32>
        %gather3A_1926 = tpu.vector_load_idx %arg5[%add3A_1925] : memref<32832xf32, #tpu.memory_space<vmem>>[vector<16xi32>], vector<16xf32>,
        %add3A_1927 = arith.addf %add3A_1922, %gather3A_1926 : vector<16xf32>
        %mul3A_1928 = arith.constant 16 : i32
        %mul3A_1929 = arith.muli %scan3A_390, %mul3A_1928 : i32
        %add3A_1930 = arith.constant 19968 : i32
        %add3A_1931 = arith.addi %add3A_1930, %mul3A_1929 : i32
        %swap3A_1932 = arith.index_cast %add3A_1931 : i32 to index
        %swap3A_1933 = tpu.vector_load %arg7[%swap3A_1932] {strides = array<i32>} : memref<32768xf32, #tpu.memory_space<vmem>>, vector<16xf32>,
        tpu.vector_store %arg7[%swap3A_1932], %add3A_1927 {strides = array<i32>} : memref<32768xf32, #tpu.memory_space<vmem>>, vector<16xf32>,
        %add3A_1934 = arith.constant 5130 : i32
        %add3A_1935 = vector.broadcast %add3A_1934 : i32 to vector<16xi32>
        %add3A_1936 = arith.addi %get3A_1665, %add3A_1935 : vector<16xi32>
        %gather3A_1937 = tpu.vector_load_idx %arg5[%add3A_1936] : memref<32832xf32, #tpu.memory_space<vmem>>[vector<16xi32>], vector<16xf32>,
        %add3A_1938 = arith.constant 13338 : i32
        %add3A_1939 = vector.broadcast %add3A_1938 : i32 to vector<16xi32>
        %add3A_1940 = arith.addi %get3A_1671, %add3A_1939 : vector<16xi32>
        %gather3A_1941 = tpu.vector_load_idx %arg5[%add3A_1940] : memref<32832xf32, #tpu.memory_space<vmem>>[vector<16xi32>], vector<16xf32>,
        %add3A_1942 = arith.addf %gather3A_1937, %gather3A_1941 : vector<16xf32>
        %add3A_1943 = arith.constant 21546 : i32
        %add3A_1944 = vector.broadcast %add3A_1943 : i32 to vector<16xi32>
        %add3A_1945 = arith.addi %get3A_1677, %add3A_1944 : vector<16xi32>
        %gather3A_1946 = tpu.vector_load_idx %arg5[%add3A_1945] : memref<32832xf32, #tpu.memory_space<vmem>>[vector<16xi32>], vector<16xf32>,
        %add3A_1947 = arith.addf %add3A_1942, %gather3A_1946 : vector<16xf32>
        %add3A_1948 = arith.constant 29754 : i32
        %add3A_1949 = vector.broadcast %add3A_1948 : i32 to vector<16xi32>
        %add3A_1950 = arith.addi %get3A_1683, %add3A_1949 : vector<16xi32>
        %gather3A_1951 = tpu.vector_load_idx %arg5[%add3A_1950] : memref<32832xf32, #tpu.memory_space<vmem>>[vector<16xi32>], vector<16xf32>,
        %add3A_1952 = arith.addf %add3A_1947, %gather3A_1951 : vector<16xf32>
        %mul3A_1953 = arith.constant 16 : i32
        %mul3A_1954 = arith.muli %scan3A_390, %mul3A_1953 : i32
        %add3A_1955 = arith.constant 22016 : i32
        %add3A_1956 = arith.addi %add3A_1955, %mul3A_1954 : i32
        %swap3A_1957 = arith.index_cast %add3A_1956 : i32 to index
        %swap3A_1958 = tpu.vector_load %arg7[%swap3A_1957] {strides = array<i32>} : memref<32768xf32, #tpu.memory_space<vmem>>, vector<16xf32>,
        tpu.vector_store %arg7[%swap3A_1957], %add3A_1952 {strides = array<i32>} : memref<32768xf32, #tpu.memory_space<vmem>>, vector<16xf32>,
        %add3A_1959 = arith.constant 5643 : i32
        %add3A_1960 = vector.broadcast %add3A_1959 : i32 to vector<16xi32>
        %add3A_1961 = arith.addi %get3A_1665, %add3A_1960 : vector<16xi32>
        %gather3A_1962 = tpu.vector_load_idx %arg5[%add3A_1961] : memref<32832xf32, #tpu.memory_space<vmem>>[vector<16xi32>], vector<16xf32>,
        %add3A_1963 = arith.constant 13851 : i32
        %add3A_1964 = vector.broadcast %add3A_1963 : i32 to vector<16xi32>
        %add3A_1965 = arith.addi %get3A_1671, %add3A_1964 : vector<16xi32>
        %gather3A_1966 = tpu.vector_load_idx %arg5[%add3A_1965] : memref<32832xf32, #tpu.memory_space<vmem>>[vector<16xi32>], vector<16xf32>,
        %add3A_1967 = arith.addf %gather3A_1962, %gather3A_1966 : vector<16xf32>
        %add3A_1968 = arith.constant 22059 : i32
        %add3A_1969 = vector.broadcast %add3A_1968 : i32 to vector<16xi32>
        %add3A_1970 = arith.addi %get3A_1677, %add3A_1969 : vector<16xi32>
        %gather3A_1971 = tpu.vector_load_idx %arg5[%add3A_1970] : memref<32832xf32, #tpu.memory_space<vmem>>[vector<16xi32>], vector<16xf32>,
        %add3A_1972 = arith.addf %add3A_1967, %gather3A_1971 : vector<16xf32>
        %add3A_1973 = arith.constant 30267 : i32
        %add3A_1974 = vector.broadcast %add3A_1973 : i32 to vector<16xi32>
        %add3A_1975 = arith.addi %get3A_1683, %add3A_1974 : vector<16xi32>
        %gather3A_1976 = tpu.vector_load_idx %arg5[%add3A_1975] : memref<32832xf32, #tpu.memory_space<vmem>>[vector<16xi32>], vector<16xf32>,
        %add3A_1977 = arith.addf %add3A_1972, %gather3A_1976 : vector<16xf32>
        %mul3A_1978 = arith.constant 16 : i32
        %mul3A_1979 = arith.muli %scan3A_390, %mul3A_1978 : i32
        %add3A_1980 = arith.constant 24064 : i32
        %add3A_1981 = arith.addi %add3A_1980, %mul3A_1979 : i32
        %swap3A_1982 = arith.index_cast %add3A_1981 : i32 to index
        %swap3A_1983 = tpu.vector_load %arg7[%swap3A_1982] {strides = array<i32>} : memref<32768xf32, #tpu.memory_space<vmem>>, vector<16xf32>,
        tpu.vector_store %arg7[%swap3A_1982], %add3A_1977 {strides = array<i32>} : memref<32768xf32, #tpu.memory_space<vmem>>, vector<16xf32>,
        %add3A_1984 = arith.constant 6156 : i32
        %add3A_1985 = vector.broadcast %add3A_1984 : i32 to vector<16xi32>
        %add3A_1986 = arith.addi %get3A_1665, %add3A_1985 : vector<16xi32>
        %gather3A_1987 = tpu.vector_load_idx %arg5[%add3A_1986] : memref<32832xf32, #tpu.memory_space<vmem>>[vector<16xi32>], vector<16xf32>,
        %add3A_1988 = arith.constant 14364 : i32
        %add3A_1989 = vector.broadcast %add3A_1988 : i32 to vector<16xi32>
        %add3A_1990 = arith.addi %get3A_1671, %add3A_1989 : vector<16xi32>
        %gather3A_1991 = tpu.vector_load_idx %arg5[%add3A_1990] : memref<32832xf32, #tpu.memory_space<vmem>>[vector<16xi32>], vector<16xf32>,
        %add3A_1992 = arith.addf %gather3A_1987, %gather3A_1991 : vector<16xf32>
        %add3A_1993 = arith.constant 22572 : i32
        %add3A_1994 = vector.broadcast %add3A_1993 : i32 to vector<16xi32>
        %add3A_1995 = arith.addi %get3A_1677, %add3A_1994 : vector<16xi32>
        %gather3A_1996 = tpu.vector_load_idx %arg5[%add3A_1995] : memref<32832xf32, #tpu.memory_space<vmem>>[vector<16xi32>], vector<16xf32>,
        %add3A_1997 = arith.addf %add3A_1992, %gather3A_1996 : vector<16xf32>
        %add3A_1998 = arith.constant 30780 : i32
        %add3A_1999 = vector.broadcast %add3A_1998 : i32 to vector<16xi32>
        %add3A_2000 = arith.addi %get3A_1683, %add3A_1999 : vector<16xi32>
        %gather3A_2001 = tpu.vector_load_idx %arg5[%add3A_2000] : memref<32832xf32, #tpu.memory_space<vmem>>[vector<16xi32>], vector<16xf32>,
        %add3A_2002 = arith.addf %add3A_1997, %gather3A_2001 : vector<16xf32>
        %mul3A_2003 = arith.constant 16 : i32
        %mul3A_2004 = arith.muli %scan3A_390, %mul3A_2003 : i32
        %add3A_2005 = arith.constant 26112 : i32
        %add3A_2006 = arith.addi %add3A_2005, %mul3A_2004 : i32
        %swap3A_2007 = arith.index_cast %add3A_2006 : i32 to index
        %swap3A_2008 = tpu.vector_load %arg7[%swap3A_2007] {strides = array<i32>} : memref<32768xf32, #tpu.memory_space<vmem>>, vector<16xf32>,
        tpu.vector_store %arg7[%swap3A_2007], %add3A_2002 {strides = array<i32>} : memref<32768xf32, #tpu.memory_space<vmem>>, vector<16xf32>,
        %add3A_2009 = arith.constant 6669 : i32
        %add3A_2010 = vector.broadcast %add3A_2009 : i32 to vector<16xi32>
        %add3A_2011 = arith.addi %get3A_1665, %add3A_2010 : vector<16xi32>
        %gather3A_2012 = tpu.vector_load_idx %arg5[%add3A_2011] : memref<32832xf32, #tpu.memory_space<vmem>>[vector<16xi32>], vector<16xf32>,
        %add3A_2013 = arith.constant 14877 : i32
        %add3A_2014 = vector.broadcast %add3A_2013 : i32 to vector<16xi32>
        %add3A_2015 = arith.addi %get3A_1671, %add3A_2014 : vector<16xi32>
        %gather3A_2016 = tpu.vector_load_idx %arg5[%add3A_2015] : memref<32832xf32, #tpu.memory_space<vmem>>[vector<16xi32>], vector<16xf32>,
        %add3A_2017 = arith.addf %gather3A_2012, %gather3A_2016 : vector<16xf32>
        %add3A_2018 = arith.constant 23085 : i32
        %add3A_2019 = vector.broadcast %add3A_2018 : i32 to vector<16xi32>
        %add3A_2020 = arith.addi %get3A_1677, %add3A_2019 : vector<16xi32>
        %gather3A_2021 = tpu.vector_load_idx %arg5[%add3A_2020] : memref<32832xf32, #tpu.memory_space<vmem>>[vector<16xi32>], vector<16xf32>,
        %add3A_2022 = arith.addf %add3A_2017, %gather3A_2021 : vector<16xf32>
        %add3A_2023 = arith.constant 31293 : i32
        %add3A_2024 = vector.broadcast %add3A_2023 : i32 to vector<16xi32>
        %add3A_2025 = arith.addi %get3A_1683, %add3A_2024 : vector<16xi32>
        %gather3A_2026 = tpu.vector_load_idx %arg5[%add3A_2025] : memref<32832xf32, #tpu.memory_space<vmem>>[vector<16xi32>], vector<16xf32>,
        %add3A_2027 = arith.addf %add3A_2022, %gather3A_2026 : vector<16xf32>
        %mul3A_2028 = arith.constant 16 : i32
        %mul3A_2029 = arith.muli %scan3A_390, %mul3A_2028 : i32
        %add3A_2030 = arith.constant 28160 : i32
        %add3A_2031 = arith.addi %add3A_2030, %mul3A_2029 : i32
        %swap3A_2032 = arith.index_cast %add3A_2031 : i32 to index
        %swap3A_2033 = tpu.vector_load %arg7[%swap3A_2032] {strides = array<i32>} : memref<32768xf32, #tpu.memory_space<vmem>>, vector<16xf32>,
        tpu.vector_store %arg7[%swap3A_2032], %add3A_2027 {strides = array<i32>} : memref<32768xf32, #tpu.memory_space<vmem>>, vector<16xf32>,
        %add3A_2034 = arith.constant 7182 : i32
        %add3A_2035 = vector.broadcast %add3A_2034 : i32 to vector<16xi32>
        %add3A_2036 = arith.addi %get3A_1665, %add3A_2035 : vector<16xi32>
        %gather3A_2037 = tpu.vector_load_idx %arg5[%add3A_2036] : memref<32832xf32, #tpu.memory_space<vmem>>[vector<16xi32>], vector<16xf32>,
        %add3A_2038 = arith.constant 15390 : i32
        %add3A_2039 = vector.broadcast %add3A_2038 : i32 to vector<16xi32>
        %add3A_2040 = arith.addi %get3A_1671, %add3A_2039 : vector<16xi32>
        %gather3A_2041 = tpu.vector_load_idx %arg5[%add3A_2040] : memref<32832xf32, #tpu.memory_space<vmem>>[vector<16xi32>], vector<16xf32>,
        %add3A_2042 = arith.addf %gather3A_2037, %gather3A_2041 : vector<16xf32>
        %add3A_2043 = arith.constant 23598 : i32
        %add3A_2044 = vector.broadcast %add3A_2043 : i32 to vector<16xi32>
        %add3A_2045 = arith.addi %get3A_1677, %add3A_2044 : vector<16xi32>
        %gather3A_2046 = tpu.vector_load_idx %arg5[%add3A_2045] : memref<32832xf32, #tpu.memory_space<vmem>>[vector<16xi32>], vector<16xf32>,
        %add3A_2047 = arith.addf %add3A_2042, %gather3A_2046 : vector<16xf32>
        %add3A_2048 = arith.constant 31806 : i32
        %add3A_2049 = vector.broadcast %add3A_2048 : i32 to vector<16xi32>
        %add3A_2050 = arith.addi %get3A_1683, %add3A_2049 : vector<16xi32>
        %gather3A_2051 = tpu.vector_load_idx %arg5[%add3A_2050] : memref<32832xf32, #tpu.memory_space<vmem>>[vector<16xi32>], vector<16xf32>,
        %add3A_2052 = arith.addf %add3A_2047, %gather3A_2051 : vector<16xf32>
        %mul3A_2053 = arith.constant 16 : i32
        %mul3A_2054 = arith.muli %scan3A_390, %mul3A_2053 : i32
        %add3A_2055 = arith.constant 30208 : i32
        %add3A_2056 = arith.addi %add3A_2055, %mul3A_2054 : i32
        %swap3A_2057 = arith.index_cast %add3A_2056 : i32 to index
        %swap3A_2058 = tpu.vector_load %arg7[%swap3A_2057] {strides = array<i32>} : memref<32768xf32, #tpu.memory_space<vmem>>, vector<16xf32>,
        tpu.vector_store %arg7[%swap3A_2057], %add3A_2052 {strides = array<i32>} : memref<32768xf32, #tpu.memory_space<vmem>>, vector<16xf32>,
        %add3A_2059 = arith.constant 7695 : i32
        %add3A_2060 = vector.broadcast %add3A_2059 : i32 to vector<16xi32>
        %add3A_2061 = arith.addi %get3A_1665, %add3A_2060 : vector<16xi32>
        %gather3A_2062 = tpu.vector_load_idx %arg5[%add3A_2061] : memref<32832xf32, #tpu.memory_space<vmem>>[vector<16xi32>], vector<16xf32>,
        %add3A_2063 = arith.constant 15903 : i32
        %add3A_2064 = vector.broadcast %add3A_2063 : i32 to vector<16xi32>
        %add3A_2065 = arith.addi %get3A_1671, %add3A_2064 : vector<16xi32>
        %gather3A_2066 = tpu.vector_load_idx %arg5[%add3A_2065] : memref<32832xf32, #tpu.memory_space<vmem>>[vector<16xi32>], vector<16xf32>,
        %add3A_2067 = arith.addf %gather3A_2062, %gather3A_2066 : vector<16xf32>
        %add3A_2068 = arith.constant 24111 : i32
        %add3A_2069 = vector.broadcast %add3A_2068 : i32 to vector<16xi32>
        %add3A_2070 = arith.addi %get3A_1677, %add3A_2069 : vector<16xi32>
        %gather3A_2071 = tpu.vector_load_idx %arg5[%add3A_2070] : memref<32832xf32, #tpu.memory_space<vmem>>[vector<16xi32>], vector<16xf32>,
        %add3A_2072 = arith.addf %add3A_2067, %gather3A_2071 : vector<16xf32>
        %add3A_2073 = arith.constant 32319 : i32
        %add3A_2074 = vector.broadcast %add3A_2073 : i32 to vector<16xi32>
        %add3A_2075 = arith.addi %get3A_1683, %add3A_2074 : vector<16xi32>
        %gather3A_2076 = tpu.vector_load_idx %arg5[%add3A_2075] : memref<32832xf32, #tpu.memory_space<vmem>>[vector<16xi32>], vector<16xf32>,
        %add3A_2077 = arith.addf %add3A_2072, %gather3A_2076 : vector<16xf32>
        %mul3A_2078 = arith.constant 16 : i32
        %mul3A_2079 = arith.muli %scan3A_390, %mul3A_2078 : i32
        %add3A_2080 = arith.constant 32256 : i32
        %add3A_2081 = arith.addi %add3A_2080, %mul3A_2079 : i32
        %swap3A_2082 = arith.index_cast %add3A_2081 : i32 to index
        %swap3A_2083 = tpu.vector_load %arg7[%swap3A_2082] {strides = array<i32>} : memref<32768xf32, #tpu.memory_space<vmem>>, vector<16xf32>,
        tpu.vector_store %arg7[%swap3A_2082], %add3A_2077 {strides = array<i32>} : memref<32768xf32, #tpu.memory_space<vmem>>, vector<16xf32>,
      }
      %scan3A_55 = arith.constant 32 : i32
      %mul3A_56 = arith.constant 16 : i32
      %mul3A_57 = arith.muli %select_n3A, %mul3A_56 : i32
      %add3A_58 = arith.constant 0 : i32
      %add3A_59 = arith.addi %mul3A_57, %add3A_58 : i32
      %mul3A_60 = arith.constant 512 : i32
      %mul3A_61 = arith.muli %add3A_59, %mul3A_60 : i32
      %add3A_62 = arith.addi %mul3A_61, %add3A_41 : i32
      %mul3A_63 = arith.constant 512 : i32
      %mul3A_64 = arith.muli %add3A_62, %mul3A_63 : i32
      %dma_start3A = arith.constant 0 : i32
      %dma_start3A_65 = tpu.memref_slice %arg7[%dma_start3A] : memref<32768xf32, #tpu.memory_space<vmem>> -> memref<2048xf32, #tpu.memory_space<vmem>>
      %dma_start3A_66 = tpu.memref_slice %arg4[%mul3A_64] : memref<33554432xf32, #tpu.memory_space<hbm>> -> memref<2048xf32, #tpu.memory_space<hbm>>
      %dma_start3A_67 = tpu.memref_slice %arg4[%mul3A_64] : memref<33554432xf32, #tpu.memory_space<hbm>> -> memref<2048xf32, #tpu.memory_space<hbm>>
      %dma_start3A_68 = arith.constant 0 : i32
      %dma_start3A_69 = tpu.memref_slice %arg7[%dma_start3A_68] : memref<32768xf32, #tpu.memory_space<vmem>> -> memref<2048xf32, #tpu.memory_space<vmem>>
      tpu.enqueue_dma source(%dma_start3A_69 : memref<2048xf32, #tpu.memory_space<vmem>>) target(%dma_start3A_67 : memref<2048xf32, #tpu.memory_space<hbm>>) target_semaphore(%arg8 : memref<!tpu.dma_semaphore, #tpu.memory_space<semaphore_mem>>)
      %mul3A_70 = arith.constant 16 : i32
      %mul3A_71 = arith.muli %select_n3A, %mul3A_70 : i32
      %add3A_72 = arith.constant 1 : i32
      %add3A_73 = arith.addi %mul3A_71, %add3A_72 : i32
      %mul3A_74 = arith.constant 512 : i32
      %mul3A_75 = arith.muli %add3A_73, %mul3A_74 : i32
      %add3A_76 = arith.addi %mul3A_75, %add3A_41 : i32
      %mul3A_77 = arith.constant 512 : i32
      %mul3A_78 = arith.muli %add3A_76, %mul3A_77 : i32
      %dma_start3A_79 = arith.constant 2048 : i32
      %dma_start3A_80 = tpu.memref_slice %arg7[%dma_start3A_79] : memref<32768xf32, #tpu.memory_space<vmem>> -> memref<2048xf32, #tpu.memory_space<vmem>>
      %dma_start3A_81 = tpu.memref_slice %arg4[%mul3A_78] : memref<33554432xf32, #tpu.memory_space<hbm>> -> memref<2048xf32, #tpu.memory_space<hbm>>
      %dma_start3A_82 = tpu.memref_slice %arg4[%mul3A_78] : memref<33554432xf32, #tpu.memory_space<hbm>> -> memref<2048xf32, #tpu.memory_space<hbm>>
      %dma_start3A_83 = arith.constant 2048 : i32
      %dma_start3A_84 = tpu.memref_slice %arg7[%dma_start3A_83] : memref<32768xf32, #tpu.memory_space<vmem>> -> memref<2048xf32, #tpu.memory_space<vmem>>
      tpu.enqueue_dma source(%dma_start3A_84 : memref<2048xf32, #tpu.memory_space<vmem>>) target(%dma_start3A_82 : memref<2048xf32, #tpu.memory_space<hbm>>) target_semaphore(%arg8 : memref<!tpu.dma_semaphore, #tpu.memory_space<semaphore_mem>>)
      %mul3A_85 = arith.constant 16 : i32
      %mul3A_86 = arith.muli %select_n3A, %mul3A_85 : i32
      %add3A_87 = arith.constant 2 : i32
      %add3A_88 = arith.addi %mul3A_86, %add3A_87 : i32
      %mul3A_89 = arith.constant 512 : i32
      %mul3A_90 = arith.muli %add3A_88, %mul3A_89 : i32
      %add3A_91 = arith.addi %mul3A_90, %add3A_41 : i32
      %mul3A_92 = arith.constant 512 : i32
      %mul3A_93 = arith.muli %add3A_91, %mul3A_92 : i32
      %dma_start3A_94 = arith.constant 4096 : i32
      %dma_start3A_95 = tpu.memref_slice %arg7[%dma_start3A_94] : memref<32768xf32, #tpu.memory_space<vmem>> -> memref<2048xf32, #tpu.memory_space<vmem>>
      %dma_start3A_96 = tpu.memref_slice %arg4[%mul3A_93] : memref<33554432xf32, #tpu.memory_space<hbm>> -> memref<2048xf32, #tpu.memory_space<hbm>>
      %dma_start3A_97 = tpu.memref_slice %arg4[%mul3A_93] : memref<33554432xf32, #tpu.memory_space<hbm>> -> memref<2048xf32, #tpu.memory_space<hbm>>
      %dma_start3A_98 = arith.constant 4096 : i32
      %dma_start3A_99 = tpu.memref_slice %arg7[%dma_start3A_98] : memref<32768xf32, #tpu.memory_space<vmem>> -> memref<2048xf32, #tpu.memory_space<vmem>>
      tpu.enqueue_dma source(%dma_start3A_99 : memref<2048xf32, #tpu.memory_space<vmem>>) target(%dma_start3A_97 : memref<2048xf32, #tpu.memory_space<hbm>>) target_semaphore(%arg8 : memref<!tpu.dma_semaphore, #tpu.memory_space<semaphore_mem>>)
      %mul3A_100 = arith.constant 16 : i32
      %mul3A_101 = arith.muli %select_n3A, %mul3A_100 : i32
      %add3A_102 = arith.constant 3 : i32
      %add3A_103 = arith.addi %mul3A_101, %add3A_102 : i32
      %mul3A_104 = arith.constant 512 : i32
      %mul3A_105 = arith.muli %add3A_103, %mul3A_104 : i32
      %add3A_106 = arith.addi %mul3A_105, %add3A_41 : i32
      %mul3A_107 = arith.constant 512 : i32
      %mul3A_108 = arith.muli %add3A_106, %mul3A_107 : i32
      %dma_start3A_109 = arith.constant 6144 : i32
      %dma_start3A_110 = tpu.memref_slice %arg7[%dma_start3A_109] : memref<32768xf32, #tpu.memory_space<vmem>> -> memref<2048xf32, #tpu.memory_space<vmem>>
      %dma_start3A_111 = tpu.memref_slice %arg4[%mul3A_108] : memref<33554432xf32, #tpu.memory_space<hbm>> -> memref<2048xf32, #tpu.memory_space<hbm>>
      %dma_start3A_112 = tpu.memref_slice %arg4[%mul3A_108] : memref<33554432xf32, #tpu.memory_space<hbm>> -> memref<2048xf32, #tpu.memory_space<hbm>>
      %dma_start3A_113 = arith.constant 6144 : i32
      %dma_start3A_114 = tpu.memref_slice %arg7[%dma_start3A_113] : memref<32768xf32, #tpu.memory_space<vmem>> -> memref<2048xf32, #tpu.memory_space<vmem>>
      tpu.enqueue_dma source(%dma_start3A_114 : memref<2048xf32, #tpu.memory_space<vmem>>) target(%dma_start3A_112 : memref<2048xf32, #tpu.memory_space<hbm>>) target_semaphore(%arg8 : memref<!tpu.dma_semaphore, #tpu.memory_space<semaphore_mem>>)
      %mul3A_115 = arith.constant 16 : i32
      %mul3A_116 = arith.muli %select_n3A, %mul3A_115 : i32
      %add3A_117 = arith.constant 4 : i32
      %add3A_118 = arith.addi %mul3A_116, %add3A_117 : i32
      %mul3A_119 = arith.constant 512 : i32
      %mul3A_120 = arith.muli %add3A_118, %mul3A_119 : i32
      %add3A_121 = arith.addi %mul3A_120, %add3A_41 : i32
      %mul3A_122 = arith.constant 512 : i32
      %mul3A_123 = arith.muli %add3A_121, %mul3A_122 : i32
      %dma_start3A_124 = arith.constant 8192 : i32
      %dma_start3A_125 = tpu.memref_slice %arg7[%dma_start3A_124] : memref<32768xf32, #tpu.memory_space<vmem>> -> memref<2048xf32, #tpu.memory_space<vmem>>
      %dma_start3A_126 = tpu.memref_slice %arg4[%mul3A_123] : memref<33554432xf32, #tpu.memory_space<hbm>> -> memref<2048xf32, #tpu.memory_space<hbm>>
      %dma_start3A_127 = tpu.memref_slice %arg4[%mul3A_123] : memref<33554432xf32, #tpu.memory_space<hbm>> -> memref<2048xf32, #tpu.memory_space<hbm>>
      %dma_start3A_128 = arith.constant 8192 : i32
      %dma_start3A_129 = tpu.memref_slice %arg7[%dma_start3A_128] : memref<32768xf32, #tpu.memory_space<vmem>> -> memref<2048xf32, #tpu.memory_space<vmem>>
      tpu.enqueue_dma source(%dma_start3A_129 : memref<2048xf32, #tpu.memory_space<vmem>>) target(%dma_start3A_127 : memref<2048xf32, #tpu.memory_space<hbm>>) target_semaphore(%arg8 : memref<!tpu.dma_semaphore, #tpu.memory_space<semaphore_mem>>)
      %mul3A_130 = arith.constant 16 : i32
      %mul3A_131 = arith.muli %select_n3A, %mul3A_130 : i32
      %add3A_132 = arith.constant 5 : i32
      %add3A_133 = arith.addi %mul3A_131, %add3A_132 : i32
      %mul3A_134 = arith.constant 512 : i32
      %mul3A_135 = arith.muli %add3A_133, %mul3A_134 : i32
      %add3A_136 = arith.addi %mul3A_135, %add3A_41 : i32
      %mul3A_137 = arith.constant 512 : i32
      %mul3A_138 = arith.muli %add3A_136, %mul3A_137 : i32
      %dma_start3A_139 = arith.constant 10240 : i32
      %dma_start3A_140 = tpu.memref_slice %arg7[%dma_start3A_139] : memref<32768xf32, #tpu.memory_space<vmem>> -> memref<2048xf32, #tpu.memory_space<vmem>>
      %dma_start3A_141 = tpu.memref_slice %arg4[%mul3A_138] : memref<33554432xf32, #tpu.memory_space<hbm>> -> memref<2048xf32, #tpu.memory_space<hbm>>
      %dma_start3A_142 = tpu.memref_slice %arg4[%mul3A_138] : memref<33554432xf32, #tpu.memory_space<hbm>> -> memref<2048xf32, #tpu.memory_space<hbm>>
      %dma_start3A_143 = arith.constant 10240 : i32
      %dma_start3A_144 = tpu.memref_slice %arg7[%dma_start3A_143] : memref<32768xf32, #tpu.memory_space<vmem>> -> memref<2048xf32, #tpu.memory_space<vmem>>
      tpu.enqueue_dma source(%dma_start3A_144 : memref<2048xf32, #tpu.memory_space<vmem>>) target(%dma_start3A_142 : memref<2048xf32, #tpu.memory_space<hbm>>) target_semaphore(%arg8 : memref<!tpu.dma_semaphore, #tpu.memory_space<semaphore_mem>>)
      %mul3A_145 = arith.constant 16 : i32
      %mul3A_146 = arith.muli %select_n3A, %mul3A_145 : i32
      %add3A_147 = arith.constant 6 : i32
      %add3A_148 = arith.addi %mul3A_146, %add3A_147 : i32
      %mul3A_149 = arith.constant 512 : i32
      %mul3A_150 = arith.muli %add3A_148, %mul3A_149 : i32
      %add3A_151 = arith.addi %mul3A_150, %add3A_41 : i32
      %mul3A_152 = arith.constant 512 : i32
      %mul3A_153 = arith.muli %add3A_151, %mul3A_152 : i32
      %dma_start3A_154 = arith.constant 12288 : i32
      %dma_start3A_155 = tpu.memref_slice %arg7[%dma_start3A_154] : memref<32768xf32, #tpu.memory_space<vmem>> -> memref<2048xf32, #tpu.memory_space<vmem>>
      %dma_start3A_156 = tpu.memref_slice %arg4[%mul3A_153] : memref<33554432xf32, #tpu.memory_space<hbm>> -> memref<2048xf32, #tpu.memory_space<hbm>>
      %dma_start3A_157 = tpu.memref_slice %arg4[%mul3A_153] : memref<33554432xf32, #tpu.memory_space<hbm>> -> memref<2048xf32, #tpu.memory_space<hbm>>
      %dma_start3A_158 = arith.constant 12288 : i32
      %dma_start3A_159 = tpu.memref_slice %arg7[%dma_start3A_158] : memref<32768xf32, #tpu.memory_space<vmem>> -> memref<2048xf32, #tpu.memory_space<vmem>>
      tpu.enqueue_dma source(%dma_start3A_159 : memref<2048xf32, #tpu.memory_space<vmem>>) target(%dma_start3A_157 : memref<2048xf32, #tpu.memory_space<hbm>>) target_semaphore(%arg8 : memref<!tpu.dma_semaphore, #tpu.memory_space<semaphore_mem>>)
      %mul3A_160 = arith.constant 16 : i32
      %mul3A_161 = arith.muli %select_n3A, %mul3A_160 : i32
      %add3A_162 = arith.constant 7 : i32
      %add3A_163 = arith.addi %mul3A_161, %add3A_162 : i32
      %mul3A_164 = arith.constant 512 : i32
      %mul3A_165 = arith.muli %add3A_163, %mul3A_164 : i32
      %add3A_166 = arith.addi %mul3A_165, %add3A_41 : i32
      %mul3A_167 = arith.constant 512 : i32
      %mul3A_168 = arith.muli %add3A_166, %mul3A_167 : i32
      %dma_start3A_169 = arith.constant 14336 : i32
      %dma_start3A_170 = tpu.memref_slice %arg7[%dma_start3A_169] : memref<32768xf32, #tpu.memory_space<vmem>> -> memref<2048xf32, #tpu.memory_space<vmem>>
      %dma_start3A_171 = tpu.memref_slice %arg4[%mul3A_168] : memref<33554432xf32, #tpu.memory_space<hbm>> -> memref<2048xf32, #tpu.memory_space<hbm>>
      %dma_start3A_172 = tpu.memref_slice %arg4[%mul3A_168] : memref<33554432xf32, #tpu.memory_space<hbm>> -> memref<2048xf32, #tpu.memory_space<hbm>>
      %dma_start3A_173 = arith.constant 14336 : i32
      %dma_start3A_174 = tpu.memref_slice %arg7[%dma_start3A_173] : memref<32768xf32, #tpu.memory_space<vmem>> -> memref<2048xf32, #tpu.memory_space<vmem>>
      tpu.enqueue_dma source(%dma_start3A_174 : memref<2048xf32, #tpu.memory_space<vmem>>) target(%dma_start3A_172 : memref<2048xf32, #tpu.memory_space<hbm>>) target_semaphore(%arg8 : memref<!tpu.dma_semaphore, #tpu.memory_space<semaphore_mem>>)
      %mul3A_175 = arith.constant 16 : i32
      %mul3A_176 = arith.muli %select_n3A, %mul3A_175 : i32
      %add3A_177 = arith.constant 8 : i32
      %add3A_178 = arith.addi %mul3A_176, %add3A_177 : i32
      %mul3A_179 = arith.constant 512 : i32
      %mul3A_180 = arith.muli %add3A_178, %mul3A_179 : i32
      %add3A_181 = arith.addi %mul3A_180, %add3A_41 : i32
      %mul3A_182 = arith.constant 512 : i32
      %mul3A_183 = arith.muli %add3A_181, %mul3A_182 : i32
      %dma_start3A_184 = arith.constant 16384 : i32
      %dma_start3A_185 = tpu.memref_slice %arg7[%dma_start3A_184] : memref<32768xf32, #tpu.memory_space<vmem>> -> memref<2048xf32, #tpu.memory_space<vmem>>
      %dma_start3A_186 = tpu.memref_slice %arg4[%mul3A_183] : memref<33554432xf32, #tpu.memory_space<hbm>> -> memref<2048xf32, #tpu.memory_space<hbm>>
      %dma_start3A_187 = tpu.memref_slice %arg4[%mul3A_183] : memref<33554432xf32, #tpu.memory_space<hbm>> -> memref<2048xf32, #tpu.memory_space<hbm>>
      %dma_start3A_188 = arith.constant 16384 : i32
      %dma_start3A_189 = tpu.memref_slice %arg7[%dma_start3A_188] : memref<32768xf32, #tpu.memory_space<vmem>> -> memref<2048xf32, #tpu.memory_space<vmem>>
      tpu.enqueue_dma source(%dma_start3A_189 : memref<2048xf32, #tpu.memory_space<vmem>>) target(%dma_start3A_187 : memref<2048xf32, #tpu.memory_space<hbm>>) target_semaphore(%arg8 : memref<!tpu.dma_semaphore, #tpu.memory_space<semaphore_mem>>)
      %mul3A_190 = arith.constant 16 : i32
      %mul3A_191 = arith.muli %select_n3A, %mul3A_190 : i32
      %add3A_192 = arith.constant 9 : i32
      %add3A_193 = arith.addi %mul3A_191, %add3A_192 : i32
      %mul3A_194 = arith.constant 512 : i32
      %mul3A_195 = arith.muli %add3A_193, %mul3A_194 : i32
      %add3A_196 = arith.addi %mul3A_195, %add3A_41 : i32
      %mul3A_197 = arith.constant 512 : i32
      %mul3A_198 = arith.muli %add3A_196, %mul3A_197 : i32
      %dma_start3A_199 = arith.constant 18432 : i32
      %dma_start3A_200 = tpu.memref_slice %arg7[%dma_start3A_199] : memref<32768xf32, #tpu.memory_space<vmem>> -> memref<2048xf32, #tpu.memory_space<vmem>>
      %dma_start3A_201 = tpu.memref_slice %arg4[%mul3A_198] : memref<33554432xf32, #tpu.memory_space<hbm>> -> memref<2048xf32, #tpu.memory_space<hbm>>
      %dma_start3A_202 = tpu.memref_slice %arg4[%mul3A_198] : memref<33554432xf32, #tpu.memory_space<hbm>> -> memref<2048xf32, #tpu.memory_space<hbm>>
      %dma_start3A_203 = arith.constant 18432 : i32
      %dma_start3A_204 = tpu.memref_slice %arg7[%dma_start3A_203] : memref<32768xf32, #tpu.memory_space<vmem>> -> memref<2048xf32, #tpu.memory_space<vmem>>
      tpu.enqueue_dma source(%dma_start3A_204 : memref<2048xf32, #tpu.memory_space<vmem>>) target(%dma_start3A_202 : memref<2048xf32, #tpu.memory_space<hbm>>) target_semaphore(%arg8 : memref<!tpu.dma_semaphore, #tpu.memory_space<semaphore_mem>>)
      %mul3A_205 = arith.constant 16 : i32
      %mul3A_206 = arith.muli %select_n3A, %mul3A_205 : i32
      %add3A_207 = arith.constant 10 : i32
      %add3A_208 = arith.addi %mul3A_206, %add3A_207 : i32
      %mul3A_209 = arith.constant 512 : i32
      %mul3A_210 = arith.muli %add3A_208, %mul3A_209 : i32
      %add3A_211 = arith.addi %mul3A_210, %add3A_41 : i32
      %mul3A_212 = arith.constant 512 : i32
      %mul3A_213 = arith.muli %add3A_211, %mul3A_212 : i32
      %dma_start3A_214 = arith.constant 20480 : i32
      %dma_start3A_215 = tpu.memref_slice %arg7[%dma_start3A_214] : memref<32768xf32, #tpu.memory_space<vmem>> -> memref<2048xf32, #tpu.memory_space<vmem>>
      %dma_start3A_216 = tpu.memref_slice %arg4[%mul3A_213] : memref<33554432xf32, #tpu.memory_space<hbm>> -> memref<2048xf32, #tpu.memory_space<hbm>>
      %dma_start3A_217 = tpu.memref_slice %arg4[%mul3A_213] : memref<33554432xf32, #tpu.memory_space<hbm>> -> memref<2048xf32, #tpu.memory_space<hbm>>
      %dma_start3A_218 = arith.constant 20480 : i32
      %dma_start3A_219 = tpu.memref_slice %arg7[%dma_start3A_218] : memref<32768xf32, #tpu.memory_space<vmem>> -> memref<2048xf32, #tpu.memory_space<vmem>>
      tpu.enqueue_dma source(%dma_start3A_219 : memref<2048xf32, #tpu.memory_space<vmem>>) target(%dma_start3A_217 : memref<2048xf32, #tpu.memory_space<hbm>>) target_semaphore(%arg8 : memref<!tpu.dma_semaphore, #tpu.memory_space<semaphore_mem>>)
      %mul3A_220 = arith.constant 16 : i32
      %mul3A_221 = arith.muli %select_n3A, %mul3A_220 : i32
      %add3A_222 = arith.constant 11 : i32
      %add3A_223 = arith.addi %mul3A_221, %add3A_222 : i32
      %mul3A_224 = arith.constant 512 : i32
      %mul3A_225 = arith.muli %add3A_223, %mul3A_224 : i32
      %add3A_226 = arith.addi %mul3A_225, %add3A_41 : i32
      %mul3A_227 = arith.constant 512 : i32
      %mul3A_228 = arith.muli %add3A_226, %mul3A_227 : i32
      %dma_start3A_229 = arith.constant 22528 : i32
      %dma_start3A_230 = tpu.memref_slice %arg7[%dma_start3A_229] : memref<32768xf32, #tpu.memory_space<vmem>> -> memref<2048xf32, #tpu.memory_space<vmem>>
      %dma_start3A_231 = tpu.memref_slice %arg4[%mul3A_228] : memref<33554432xf32, #tpu.memory_space<hbm>> -> memref<2048xf32, #tpu.memory_space<hbm>>
      %dma_start3A_232 = tpu.memref_slice %arg4[%mul3A_228] : memref<33554432xf32, #tpu.memory_space<hbm>> -> memref<2048xf32, #tpu.memory_space<hbm>>
      %dma_start3A_233 = arith.constant 22528 : i32
      %dma_start3A_234 = tpu.memref_slice %arg7[%dma_start3A_233] : memref<32768xf32, #tpu.memory_space<vmem>> -> memref<2048xf32, #tpu.memory_space<vmem>>
      tpu.enqueue_dma source(%dma_start3A_234 : memref<2048xf32, #tpu.memory_space<vmem>>) target(%dma_start3A_232 : memref<2048xf32, #tpu.memory_space<hbm>>) target_semaphore(%arg8 : memref<!tpu.dma_semaphore, #tpu.memory_space<semaphore_mem>>)
      %mul3A_235 = arith.constant 16 : i32
      %mul3A_236 = arith.muli %select_n3A, %mul3A_235 : i32
      %add3A_237 = arith.constant 12 : i32
      %add3A_238 = arith.addi %mul3A_236, %add3A_237 : i32
      %mul3A_239 = arith.constant 512 : i32
      %mul3A_240 = arith.muli %add3A_238, %mul3A_239 : i32
      %add3A_241 = arith.addi %mul3A_240, %add3A_41 : i32
      %mul3A_242 = arith.constant 512 : i32
      %mul3A_243 = arith.muli %add3A_241, %mul3A_242 : i32
      %dma_start3A_244 = arith.constant 24576 : i32
      %dma_start3A_245 = tpu.memref_slice %arg7[%dma_start3A_244] : memref<32768xf32, #tpu.memory_space<vmem>> -> memref<2048xf32, #tpu.memory_space<vmem>>
      %dma_start3A_246 = tpu.memref_slice %arg4[%mul3A_243] : memref<33554432xf32, #tpu.memory_space<hbm>> -> memref<2048xf32, #tpu.memory_space<hbm>>
      %dma_start3A_247 = tpu.memref_slice %arg4[%mul3A_243] : memref<33554432xf32, #tpu.memory_space<hbm>> -> memref<2048xf32, #tpu.memory_space<hbm>>
      %dma_start3A_248 = arith.constant 24576 : i32
      %dma_start3A_249 = tpu.memref_slice %arg7[%dma_start3A_248] : memref<32768xf32, #tpu.memory_space<vmem>> -> memref<2048xf32, #tpu.memory_space<vmem>>
      tpu.enqueue_dma source(%dma_start3A_249 : memref<2048xf32, #tpu.memory_space<vmem>>) target(%dma_start3A_247 : memref<2048xf32, #tpu.memory_space<hbm>>) target_semaphore(%arg8 : memref<!tpu.dma_semaphore, #tpu.memory_space<semaphore_mem>>)
      %mul3A_250 = arith.constant 16 : i32
      %mul3A_251 = arith.muli %select_n3A, %mul3A_250 : i32
      %add3A_252 = arith.constant 13 : i32
      %add3A_253 = arith.addi %mul3A_251, %add3A_252 : i32
      %mul3A_254 = arith.constant 512 : i32
      %mul3A_255 = arith.muli %add3A_253, %mul3A_254 : i32
      %add3A_256 = arith.addi %mul3A_255, %add3A_41 : i32
      %mul3A_257 = arith.constant 512 : i32
      %mul3A_258 = arith.muli %add3A_256, %mul3A_257 : i32
      %dma_start3A_259 = arith.constant 26624 : i32
      %dma_start3A_260 = tpu.memref_slice %arg7[%dma_start3A_259] : memref<32768xf32, #tpu.memory_space<vmem>> -> memref<2048xf32, #tpu.memory_space<vmem>>
      %dma_start3A_261 = tpu.memref_slice %arg4[%mul3A_258] : memref<33554432xf32, #tpu.memory_space<hbm>> -> memref<2048xf32, #tpu.memory_space<hbm>>
      %dma_start3A_262 = tpu.memref_slice %arg4[%mul3A_258] : memref<33554432xf32, #tpu.memory_space<hbm>> -> memref<2048xf32, #tpu.memory_space<hbm>>
      %dma_start3A_263 = arith.constant 26624 : i32
      %dma_start3A_264 = tpu.memref_slice %arg7[%dma_start3A_263] : memref<32768xf32, #tpu.memory_space<vmem>> -> memref<2048xf32, #tpu.memory_space<vmem>>
      tpu.enqueue_dma source(%dma_start3A_264 : memref<2048xf32, #tpu.memory_space<vmem>>) target(%dma_start3A_262 : memref<2048xf32, #tpu.memory_space<hbm>>) target_semaphore(%arg8 : memref<!tpu.dma_semaphore, #tpu.memory_space<semaphore_mem>>)
      %mul3A_265 = arith.constant 16 : i32
      %mul3A_266 = arith.muli %select_n3A, %mul3A_265 : i32
      %add3A_267 = arith.constant 14 : i32
      %add3A_268 = arith.addi %mul3A_266, %add3A_267 : i32
      %mul3A_269 = arith.constant 512 : i32
      %mul3A_270 = arith.muli %add3A_268, %mul3A_269 : i32
      %add3A_271 = arith.addi %mul3A_270, %add3A_41 : i32
      %mul3A_272 = arith.constant 512 : i32
      %mul3A_273 = arith.muli %add3A_271, %mul3A_272 : i32
      %dma_start3A_274 = arith.constant 28672 : i32
      %dma_start3A_275 = tpu.memref_slice %arg7[%dma_start3A_274] : memref<32768xf32, #tpu.memory_space<vmem>> -> memref<2048xf32, #tpu.memory_space<vmem>>
      %dma_start3A_276 = tpu.memref_slice %arg4[%mul3A_273] : memref<33554432xf32, #tpu.memory_space<hbm>> -> memref<2048xf32, #tpu.memory_space<hbm>>
      %dma_start3A_277 = tpu.memref_slice %arg4[%mul3A_273] : memref<33554432xf32, #tpu.memory_space<hbm>> -> memref<2048xf32, #tpu.memory_space<hbm>>
      %dma_start3A_278 = arith.constant 28672 : i32
      %dma_start3A_279 = tpu.memref_slice %arg7[%dma_start3A_278] : memref<32768xf32, #tpu.memory_space<vmem>> -> memref<2048xf32, #tpu.memory_space<vmem>>
      tpu.enqueue_dma source(%dma_start3A_279 : memref<2048xf32, #tpu.memory_space<vmem>>) target(%dma_start3A_277 : memref<2048xf32, #tpu.memory_space<hbm>>) target_semaphore(%arg8 : memref<!tpu.dma_semaphore, #tpu.memory_space<semaphore_mem>>)
      %mul3A_280 = arith.constant 16 : i32
      %mul3A_281 = arith.muli %select_n3A, %mul3A_280 : i32
      %add3A_282 = arith.constant 15 : i32
      %add3A_283 = arith.addi %mul3A_281, %add3A_282 : i32
      %mul3A_284 = arith.constant 512 : i32
      %mul3A_285 = arith.muli %add3A_283, %mul3A_284 : i32
      %add3A_286 = arith.addi %mul3A_285, %add3A_41 : i32
      %mul3A_287 = arith.constant 512 : i32
      %mul3A_288 = arith.muli %add3A_286, %mul3A_287 : i32
      %dma_start3A_289 = arith.constant 30720 : i32
      %dma_start3A_290 = tpu.memref_slice %arg7[%dma_start3A_289] : memref<32768xf32, #tpu.memory_space<vmem>> -> memref<2048xf32, #tpu.memory_space<vmem>>
      %dma_start3A_291 = tpu.memref_slice %arg4[%mul3A_288] : memref<33554432xf32, #tpu.memory_space<hbm>> -> memref<2048xf32, #tpu.memory_space<hbm>>
      %dma_start3A_292 = tpu.memref_slice %arg4[%mul3A_288] : memref<33554432xf32, #tpu.memory_space<hbm>> -> memref<2048xf32, #tpu.memory_space<hbm>>
      %dma_start3A_293 = arith.constant 30720 : i32
      %dma_start3A_294 = tpu.memref_slice %arg7[%dma_start3A_293] : memref<32768xf32, #tpu.memory_space<vmem>> -> memref<2048xf32, #tpu.memory_space<vmem>>
      tpu.enqueue_dma source(%dma_start3A_294 : memref<2048xf32, #tpu.memory_space<vmem>>) target(%dma_start3A_292 : memref<2048xf32, #tpu.memory_space<hbm>>) target_semaphore(%arg8 : memref<!tpu.dma_semaphore, #tpu.memory_space<semaphore_mem>>)
      %dma_wait3A = arith.constant 0 : i32
      %dma_wait3A_295 = tpu.memref_slice %arg7[%dma_wait3A] : memref<32768xf32, #tpu.memory_space<vmem>> -> memref<2048xf32, #tpu.memory_space<vmem>>
      %dma_wait3A_296 = tpu.memref_slice %arg4[%mul3A_64] : memref<33554432xf32, #tpu.memory_space<hbm>> -> memref<2048xf32, #tpu.memory_space<hbm>>
      %dma_wait3A_297 = tpu.memref_slice %arg4[%mul3A_64] : memref<33554432xf32, #tpu.memory_space<hbm>> -> memref<2048xf32, #tpu.memory_space<hbm>>
      %dma_wait3A_298 = arith.constant 0 : i32
      %dma_wait3A_299 = tpu.memref_slice %arg7[%dma_wait3A_298] : memref<32768xf32, #tpu.memory_space<vmem>> -> memref<2048xf32, #tpu.memory_space<vmem>>
      tpu.wait_dma2 semaphore(%arg8 : memref<!tpu.dma_semaphore, #tpu.memory_space<semaphore_mem>>) src(%dma_wait3A_299 : memref<2048xf32, #tpu.memory_space<vmem>>) dst(%dma_wait3A_297 : memref<2048xf32, #tpu.memory_space<hbm>>)
      %dma_wait3A_300 = arith.constant 2048 : i32
      %dma_wait3A_301 = tpu.memref_slice %arg7[%dma_wait3A_300] : memref<32768xf32, #tpu.memory_space<vmem>> -> memref<2048xf32, #tpu.memory_space<vmem>>
      %dma_wait3A_302 = tpu.memref_slice %arg4[%mul3A_78] : memref<33554432xf32, #tpu.memory_space<hbm>> -> memref<2048xf32, #tpu.memory_space<hbm>>
      %dma_wait3A_303 = tpu.memref_slice %arg4[%mul3A_78] : memref<33554432xf32, #tpu.memory_space<hbm>> -> memref<2048xf32, #tpu.memory_space<hbm>>
      %dma_wait3A_304 = arith.constant 2048 : i32
      %dma_wait3A_305 = tpu.memref_slice %arg7[%dma_wait3A_304] : memref<32768xf32, #tpu.memory_space<vmem>> -> memref<2048xf32, #tpu.memory_space<vmem>>
      tpu.wait_dma2 semaphore(%arg8 : memref<!tpu.dma_semaphore, #tpu.memory_space<semaphore_mem>>) src(%dma_wait3A_305 : memref<2048xf32, #tpu.memory_space<vmem>>) dst(%dma_wait3A_303 : memref<2048xf32, #tpu.memory_space<hbm>>)
      %dma_wait3A_306 = arith.constant 4096 : i32
      %dma_wait3A_307 = tpu.memref_slice %arg7[%dma_wait3A_306] : memref<32768xf32, #tpu.memory_space<vmem>> -> memref<2048xf32, #tpu.memory_space<vmem>>
      %dma_wait3A_308 = tpu.memref_slice %arg4[%mul3A_93] : memref<33554432xf32, #tpu.memory_space<hbm>> -> memref<2048xf32, #tpu.memory_space<hbm>>
      %dma_wait3A_309 = tpu.memref_slice %arg4[%mul3A_93] : memref<33554432xf32, #tpu.memory_space<hbm>> -> memref<2048xf32, #tpu.memory_space<hbm>>
      %dma_wait3A_310 = arith.constant 4096 : i32
      %dma_wait3A_311 = tpu.memref_slice %arg7[%dma_wait3A_310] : memref<32768xf32, #tpu.memory_space<vmem>> -> memref<2048xf32, #tpu.memory_space<vmem>>
      tpu.wait_dma2 semaphore(%arg8 : memref<!tpu.dma_semaphore, #tpu.memory_space<semaphore_mem>>) src(%dma_wait3A_311 : memref<2048xf32, #tpu.memory_space<vmem>>) dst(%dma_wait3A_309 : memref<2048xf32, #tpu.memory_space<hbm>>)
      %dma_wait3A_312 = arith.constant 6144 : i32
      %dma_wait3A_313 = tpu.memref_slice %arg7[%dma_wait3A_312] : memref<32768xf32, #tpu.memory_space<vmem>> -> memref<2048xf32, #tpu.memory_space<vmem>>
      %dma_wait3A_314 = tpu.memref_slice %arg4[%mul3A_108] : memref<33554432xf32, #tpu.memory_space<hbm>> -> memref<2048xf32, #tpu.memory_space<hbm>>
      %dma_wait3A_315 = tpu.memref_slice %arg4[%mul3A_108] : memref<33554432xf32, #tpu.memory_space<hbm>> -> memref<2048xf32, #tpu.memory_space<hbm>>
      %dma_wait3A_316 = arith.constant 6144 : i32
      %dma_wait3A_317 = tpu.memref_slice %arg7[%dma_wait3A_316] : memref<32768xf32, #tpu.memory_space<vmem>> -> memref<2048xf32, #tpu.memory_space<vmem>>
      tpu.wait_dma2 semaphore(%arg8 : memref<!tpu.dma_semaphore, #tpu.memory_space<semaphore_mem>>) src(%dma_wait3A_317 : memref<2048xf32, #tpu.memory_space<vmem>>) dst(%dma_wait3A_315 : memref<2048xf32, #tpu.memory_space<hbm>>)
      %dma_wait3A_318 = arith.constant 8192 : i32
      %dma_wait3A_319 = tpu.memref_slice %arg7[%dma_wait3A_318] : memref<32768xf32, #tpu.memory_space<vmem>> -> memref<2048xf32, #tpu.memory_space<vmem>>
      %dma_wait3A_320 = tpu.memref_slice %arg4[%mul3A_123] : memref<33554432xf32, #tpu.memory_space<hbm>> -> memref<2048xf32, #tpu.memory_space<hbm>>
      %dma_wait3A_321 = tpu.memref_slice %arg4[%mul3A_123] : memref<33554432xf32, #tpu.memory_space<hbm>> -> memref<2048xf32, #tpu.memory_space<hbm>>
      %dma_wait3A_322 = arith.constant 8192 : i32
      %dma_wait3A_323 = tpu.memref_slice %arg7[%dma_wait3A_322] : memref<32768xf32, #tpu.memory_space<vmem>> -> memref<2048xf32, #tpu.memory_space<vmem>>
      tpu.wait_dma2 semaphore(%arg8 : memref<!tpu.dma_semaphore, #tpu.memory_space<semaphore_mem>>) src(%dma_wait3A_323 : memref<2048xf32, #tpu.memory_space<vmem>>) dst(%dma_wait3A_321 : memref<2048xf32, #tpu.memory_space<hbm>>)
      %dma_wait3A_324 = arith.constant 10240 : i32
      %dma_wait3A_325 = tpu.memref_slice %arg7[%dma_wait3A_324] : memref<32768xf32, #tpu.memory_space<vmem>> -> memref<2048xf32, #tpu.memory_space<vmem>>
      %dma_wait3A_326 = tpu.memref_slice %arg4[%mul3A_138] : memref<33554432xf32, #tpu.memory_space<hbm>> -> memref<2048xf32, #tpu.memory_space<hbm>>
      %dma_wait3A_327 = tpu.memref_slice %arg4[%mul3A_138] : memref<33554432xf32, #tpu.memory_space<hbm>> -> memref<2048xf32, #tpu.memory_space<hbm>>
      %dma_wait3A_328 = arith.constant 10240 : i32
      %dma_wait3A_329 = tpu.memref_slice %arg7[%dma_wait3A_328] : memref<32768xf32, #tpu.memory_space<vmem>> -> memref<2048xf32, #tpu.memory_space<vmem>>
      tpu.wait_dma2 semaphore(%arg8 : memref<!tpu.dma_semaphore, #tpu.memory_space<semaphore_mem>>) src(%dma_wait3A_329 : memref<2048xf32, #tpu.memory_space<vmem>>) dst(%dma_wait3A_327 : memref<2048xf32, #tpu.memory_space<hbm>>)
      %dma_wait3A_330 = arith.constant 12288 : i32
      %dma_wait3A_331 = tpu.memref_slice %arg7[%dma_wait3A_330] : memref<32768xf32, #tpu.memory_space<vmem>> -> memref<2048xf32, #tpu.memory_space<vmem>>
      %dma_wait3A_332 = tpu.memref_slice %arg4[%mul3A_153] : memref<33554432xf32, #tpu.memory_space<hbm>> -> memref<2048xf32, #tpu.memory_space<hbm>>
      %dma_wait3A_333 = tpu.memref_slice %arg4[%mul3A_153] : memref<33554432xf32, #tpu.memory_space<hbm>> -> memref<2048xf32, #tpu.memory_space<hbm>>
      %dma_wait3A_334 = arith.constant 12288 : i32
      %dma_wait3A_335 = tpu.memref_slice %arg7[%dma_wait3A_334] : memref<32768xf32, #tpu.memory_space<vmem>> -> memref<2048xf32, #tpu.memory_space<vmem>>
      tpu.wait_dma2 semaphore(%arg8 : memref<!tpu.dma_semaphore, #tpu.memory_space<semaphore_mem>>) src(%dma_wait3A_335 : memref<2048xf32, #tpu.memory_space<vmem>>) dst(%dma_wait3A_333 : memref<2048xf32, #tpu.memory_space<hbm>>)
      %dma_wait3A_336 = arith.constant 14336 : i32
      %dma_wait3A_337 = tpu.memref_slice %arg7[%dma_wait3A_336] : memref<32768xf32, #tpu.memory_space<vmem>> -> memref<2048xf32, #tpu.memory_space<vmem>>
      %dma_wait3A_338 = tpu.memref_slice %arg4[%mul3A_168] : memref<33554432xf32, #tpu.memory_space<hbm>> -> memref<2048xf32, #tpu.memory_space<hbm>>
      %dma_wait3A_339 = tpu.memref_slice %arg4[%mul3A_168] : memref<33554432xf32, #tpu.memory_space<hbm>> -> memref<2048xf32, #tpu.memory_space<hbm>>
      %dma_wait3A_340 = arith.constant 14336 : i32
      %dma_wait3A_341 = tpu.memref_slice %arg7[%dma_wait3A_340] : memref<32768xf32, #tpu.memory_space<vmem>> -> memref<2048xf32, #tpu.memory_space<vmem>>
      tpu.wait_dma2 semaphore(%arg8 : memref<!tpu.dma_semaphore, #tpu.memory_space<semaphore_mem>>) src(%dma_wait3A_341 : memref<2048xf32, #tpu.memory_space<vmem>>) dst(%dma_wait3A_339 : memref<2048xf32, #tpu.memory_space<hbm>>)
      %dma_wait3A_342 = arith.constant 16384 : i32
      %dma_wait3A_343 = tpu.memref_slice %arg7[%dma_wait3A_342] : memref<32768xf32, #tpu.memory_space<vmem>> -> memref<2048xf32, #tpu.memory_space<vmem>>
      %dma_wait3A_344 = tpu.memref_slice %arg4[%mul3A_183] : memref<33554432xf32, #tpu.memory_space<hbm>> -> memref<2048xf32, #tpu.memory_space<hbm>>
      %dma_wait3A_345 = tpu.memref_slice %arg4[%mul3A_183] : memref<33554432xf32, #tpu.memory_space<hbm>> -> memref<2048xf32, #tpu.memory_space<hbm>>
      %dma_wait3A_346 = arith.constant 16384 : i32
      %dma_wait3A_347 = tpu.memref_slice %arg7[%dma_wait3A_346] : memref<32768xf32, #tpu.memory_space<vmem>> -> memref<2048xf32, #tpu.memory_space<vmem>>
      tpu.wait_dma2 semaphore(%arg8 : memref<!tpu.dma_semaphore, #tpu.memory_space<semaphore_mem>>) src(%dma_wait3A_347 : memref<2048xf32, #tpu.memory_space<vmem>>) dst(%dma_wait3A_345 : memref<2048xf32, #tpu.memory_space<hbm>>)
      %dma_wait3A_348 = arith.constant 18432 : i32
      %dma_wait3A_349 = tpu.memref_slice %arg7[%dma_wait3A_348] : memref<32768xf32, #tpu.memory_space<vmem>> -> memref<2048xf32, #tpu.memory_space<vmem>>
      %dma_wait3A_350 = tpu.memref_slice %arg4[%mul3A_198] : memref<33554432xf32, #tpu.memory_space<hbm>> -> memref<2048xf32, #tpu.memory_space<hbm>>
      %dma_wait3A_351 = tpu.memref_slice %arg4[%mul3A_198] : memref<33554432xf32, #tpu.memory_space<hbm>> -> memref<2048xf32, #tpu.memory_space<hbm>>
      %dma_wait3A_352 = arith.constant 18432 : i32
      %dma_wait3A_353 = tpu.memref_slice %arg7[%dma_wait3A_352] : memref<32768xf32, #tpu.memory_space<vmem>> -> memref<2048xf32, #tpu.memory_space<vmem>>
      tpu.wait_dma2 semaphore(%arg8 : memref<!tpu.dma_semaphore, #tpu.memory_space<semaphore_mem>>) src(%dma_wait3A_353 : memref<2048xf32, #tpu.memory_space<vmem>>) dst(%dma_wait3A_351 : memref<2048xf32, #tpu.memory_space<hbm>>)
      %dma_wait3A_354 = arith.constant 20480 : i32
      %dma_wait3A_355 = tpu.memref_slice %arg7[%dma_wait3A_354] : memref<32768xf32, #tpu.memory_space<vmem>> -> memref<2048xf32, #tpu.memory_space<vmem>>
      %dma_wait3A_356 = tpu.memref_slice %arg4[%mul3A_213] : memref<33554432xf32, #tpu.memory_space<hbm>> -> memref<2048xf32, #tpu.memory_space<hbm>>
      %dma_wait3A_357 = tpu.memref_slice %arg4[%mul3A_213] : memref<33554432xf32, #tpu.memory_space<hbm>> -> memref<2048xf32, #tpu.memory_space<hbm>>
      %dma_wait3A_358 = arith.constant 20480 : i32
      %dma_wait3A_359 = tpu.memref_slice %arg7[%dma_wait3A_358] : memref<32768xf32, #tpu.memory_space<vmem>> -> memref<2048xf32, #tpu.memory_space<vmem>>
      tpu.wait_dma2 semaphore(%arg8 : memref<!tpu.dma_semaphore, #tpu.memory_space<semaphore_mem>>) src(%dma_wait3A_359 : memref<2048xf32, #tpu.memory_space<vmem>>) dst(%dma_wait3A_357 : memref<2048xf32, #tpu.memory_space<hbm>>)
      %dma_wait3A_360 = arith.constant 22528 : i32
      %dma_wait3A_361 = tpu.memref_slice %arg7[%dma_wait3A_360] : memref<32768xf32, #tpu.memory_space<vmem>> -> memref<2048xf32, #tpu.memory_space<vmem>>
      %dma_wait3A_362 = tpu.memref_slice %arg4[%mul3A_228] : memref<33554432xf32, #tpu.memory_space<hbm>> -> memref<2048xf32, #tpu.memory_space<hbm>>
      %dma_wait3A_363 = tpu.memref_slice %arg4[%mul3A_228] : memref<33554432xf32, #tpu.memory_space<hbm>> -> memref<2048xf32, #tpu.memory_space<hbm>>
      %dma_wait3A_364 = arith.constant 22528 : i32
      %dma_wait3A_365 = tpu.memref_slice %arg7[%dma_wait3A_364] : memref<32768xf32, #tpu.memory_space<vmem>> -> memref<2048xf32, #tpu.memory_space<vmem>>
      tpu.wait_dma2 semaphore(%arg8 : memref<!tpu.dma_semaphore, #tpu.memory_space<semaphore_mem>>) src(%dma_wait3A_365 : memref<2048xf32, #tpu.memory_space<vmem>>) dst(%dma_wait3A_363 : memref<2048xf32, #tpu.memory_space<hbm>>)
      %dma_wait3A_366 = arith.constant 24576 : i32
      %dma_wait3A_367 = tpu.memref_slice %arg7[%dma_wait3A_366] : memref<32768xf32, #tpu.memory_space<vmem>> -> memref<2048xf32, #tpu.memory_space<vmem>>
      %dma_wait3A_368 = tpu.memref_slice %arg4[%mul3A_243] : memref<33554432xf32, #tpu.memory_space<hbm>> -> memref<2048xf32, #tpu.memory_space<hbm>>
      %dma_wait3A_369 = tpu.memref_slice %arg4[%mul3A_243] : memref<33554432xf32, #tpu.memory_space<hbm>> -> memref<2048xf32, #tpu.memory_space<hbm>>
      %dma_wait3A_370 = arith.constant 24576 : i32
      %dma_wait3A_371 = tpu.memref_slice %arg7[%dma_wait3A_370] : memref<32768xf32, #tpu.memory_space<vmem>> -> memref<2048xf32, #tpu.memory_space<vmem>>
      tpu.wait_dma2 semaphore(%arg8 : memref<!tpu.dma_semaphore, #tpu.memory_space<semaphore_mem>>) src(%dma_wait3A_371 : memref<2048xf32, #tpu.memory_space<vmem>>) dst(%dma_wait3A_369 : memref<2048xf32, #tpu.memory_space<hbm>>)
      %dma_wait3A_372 = arith.constant 26624 : i32
      %dma_wait3A_373 = tpu.memref_slice %arg7[%dma_wait3A_372] : memref<32768xf32, #tpu.memory_space<vmem>> -> memref<2048xf32, #tpu.memory_space<vmem>>
      %dma_wait3A_374 = tpu.memref_slice %arg4[%mul3A_258] : memref<33554432xf32, #tpu.memory_space<hbm>> -> memref<2048xf32, #tpu.memory_space<hbm>>
      %dma_wait3A_375 = tpu.memref_slice %arg4[%mul3A_258] : memref<33554432xf32, #tpu.memory_space<hbm>> -> memref<2048xf32, #tpu.memory_space<hbm>>
      %dma_wait3A_376 = arith.constant 26624 : i32
      %dma_wait3A_377 = tpu.memref_slice %arg7[%dma_wait3A_376] : memref<32768xf32, #tpu.memory_space<vmem>> -> memref<2048xf32, #tpu.memory_space<vmem>>
      tpu.wait_dma2 semaphore(%arg8 : memref<!tpu.dma_semaphore, #tpu.memory_space<semaphore_mem>>) src(%dma_wait3A_377 : memref<2048xf32, #tpu.memory_space<vmem>>) dst(%dma_wait3A_375 : memref<2048xf32, #tpu.memory_space<hbm>>)
      %dma_wait3A_378 = arith.constant 28672 : i32
      %dma_wait3A_379 = tpu.memref_slice %arg7[%dma_wait3A_378] : memref<32768xf32, #tpu.memory_space<vmem>> -> memref<2048xf32, #tpu.memory_space<vmem>>
      %dma_wait3A_380 = tpu.memref_slice %arg4[%mul3A_273] : memref<33554432xf32, #tpu.memory_space<hbm>> -> memref<2048xf32, #tpu.memory_space<hbm>>
      %dma_wait3A_381 = tpu.memref_slice %arg4[%mul3A_273] : memref<33554432xf32, #tpu.memory_space<hbm>> -> memref<2048xf32, #tpu.memory_space<hbm>>
      %dma_wait3A_382 = arith.constant 28672 : i32
      %dma_wait3A_383 = tpu.memref_slice %arg7[%dma_wait3A_382] : memref<32768xf32, #tpu.memory_space<vmem>> -> memref<2048xf32, #tpu.memory_space<vmem>>
      tpu.wait_dma2 semaphore(%arg8 : memref<!tpu.dma_semaphore, #tpu.memory_space<semaphore_mem>>) src(%dma_wait3A_383 : memref<2048xf32, #tpu.memory_space<vmem>>) dst(%dma_wait3A_381 : memref<2048xf32, #tpu.memory_space<hbm>>)
      %dma_wait3A_384 = arith.constant 30720 : i32
      %dma_wait3A_385 = tpu.memref_slice %arg7[%dma_wait3A_384] : memref<32768xf32, #tpu.memory_space<vmem>> -> memref<2048xf32, #tpu.memory_space<vmem>>
      %dma_wait3A_386 = tpu.memref_slice %arg4[%mul3A_288] : memref<33554432xf32, #tpu.memory_space<hbm>> -> memref<2048xf32, #tpu.memory_space<hbm>>
      %dma_wait3A_387 = tpu.memref_slice %arg4[%mul3A_288] : memref<33554432xf32, #tpu.memory_space<hbm>> -> memref<2048xf32, #tpu.memory_space<hbm>>
      %dma_wait3A_388 = arith.constant 30720 : i32
      %dma_wait3A_389 = tpu.memref_slice %arg7[%dma_wait3A_388] : memref<32768xf32, #tpu.memory_space<vmem>> -> memref<2048xf32, #tpu.memory_space<vmem>>
      tpu.wait_dma2 semaphore(%arg8 : memref<!tpu.dma_semaphore, #tpu.memory_space<semaphore_mem>>) src(%dma_wait3A_389 : memref<2048xf32, #tpu.memory_space<vmem>>) dst(%dma_wait3A_387 : memref<2048xf32, #tpu.memory_space<hbm>>)
    }
    %scan3A_37 = arith.constant 32 : i32
    return
  }
}

</mosaic_0001>

<sc_bundles>
// kernel: _spatial_bias_sc.3.cloned.1.call-start
scs
__scs_entry_jumppad:
0x0: {  	(pc) =	sbr.rel $0x88, $3  }
0x1: {  	(tag) =	ssettag $0x0;
	lr =	simm.s32 $0x1  }
0x2: {  	[smem:$0x3F9F] =	sst lr;
	_ =	strace $0xD0000000  }
0x3: {  	_ = 	snop  }
0x4: {  	_ = 	snop  }
0x5: {  	_ = 	snop  }
0x6: {  	_ = 	snop  }
0x7: {  	_ = 	snop  }
__scs_overlays_trampoline_lowered:
0x8: {  	[smem:$0x3FAE] =	sst s0  }
0x9: {  	[smem:$0x3FAF] =	sst s1  }
0xa: {  	[smem:$0x3FB0] =	sst s2  }
0xb: {  	[smem:$0x3FB1] =	sst s3  }
0xc: {  	[smem:$0x3FB2] =	sst s4  }
0xd: {  	[smem:$0x3FB3] =	sst s5  }
0xe: {  	[smem:$0x3FB4] =	sst s6  }
0xf: {  	[smem:$0x3FB5] =	sst s7  }
0x10: {  	[smem:$0x3FB6] =	sst s8  }
0x11: {  	[smem:$0x3FB7] =	sst s9;
	s0 =	simm.s32 @!p0 $0x0  }
0x12: {  	s1 =	sld [smem:$0x3F9D];
	s0 =	simm.s32 @p0 $0x1  }
0x13: {  	[smem:$0x3FB8] =	sst s0;
	s0 =	simm.s32 @!p1 $0x0  }
0x14: {  	s2 =	sld [smem:$0x3F9C];
	s0 =	simm.s32 @p1 $0x1  }
0x15: {  	[smem:$0x3FB9] =	sst s0;
	s0 =	simm.s32 @!p2 $0x0  }
0x16: {  	s3 =	sld [smem:$0x3FDB];
	s0 =	simm.s32 @p2 $0x1  }
0x17: {  	s4 =	simm.s32 $0x1BF5;
	[smem:$0x3FBB] =	sst s0  }
0x18: {  	s0 =	sld [smem:$0x3F9E];
	_ =	swait.ge [sflag:s4], $0x0  }
0x19: {  	s7 =	sld [smem:$0x3F9F]  }
0x1a: {  	s8 =	sadd.s32 $0xFFFFE003, lr  }
0x1b: {  	s9 =	sadd.s32 $0xFFFFFEF7, lr;
	s5 =	simm.s32 $0xFFFFFFFF;
	p2 =	slt.u32 s8, $0xFFFFF086  }
0x1c: {  	p1 =	slt.u32 s9, $0xF7A;
	s5 =	simm.s32 @!p2 $0x0  }
0x1d: {  	s5 =	simm.s32 @p1 $0x1;
	p0 =	seq.s32 s7, s2  }
0x1e: {  	s7 =	smul.u32 @!p0 $0xF7A, s2;
	p2 =	seq.s32 @!p0 s5, $0x0  }
0x1f: {  	s9 =	smul.u32 $0xF7A, s1;
	s8 =	simm.s32 @!p0 $0x1BF5;
	p2 =	por !p2, p0  }
0x20: {  	[sflag:s8] =	ssyncset.s32 @!p0 $0xFFFFF086;
	s6 =	sadd.s32 @!p0 s3, s7;
	s7 =	simm.s32 @!p0 $0x108  }
0x21: {  	s3 =	sadd.s32 s3, s9;
	s6 =	sadd.s32 @!p0 $0x88, s6;
	s7 =	simm.s32 @p2 $0x1082  }
0x22: {  	[simem:s7], [sflag:s8] =	dma.local @!p0 [hbm:s6], $0xF7A  }
0x23: {  	s9 =	sor.u32 $0xD0000000, s2;
	s6 =	simm.s32 $0x108;
	_ =	swait.ge @!p0 [sflag:s8], $0x0  }
0x24: {  	s3 =	sadd.s32 $0x88, s3;
	s6 =	simm.s32 @!p1 $0x1082;
	[sflag:s4] =	ssyncset.s32 $0xFFFFF086  }
0x25: {  	[simem:s6], [sflag:s4] =	dma.local [hbm:s3], $0xF7A  }
0x26: {  	[smem:$0x3F9F] =	sst s1;
	(tag) =	ssettag s2;
	_ =	strace s9  }
0x27: {  	s1 =	sld [smem:$0x3FAF]  }
0x28: {  	s2 =	sld [smem:$0x3FB0]  }
0x29: {  	s4 =	sld [smem:$0x3FB2]  }
0x2a: {  	p0 =	seq.s32 s5, $0x0;
	s5 =	sld [smem:$0x3FB3]  }
0x2b: {  	s6 =	sld [smem:$0x3FB4]  }
0x2c: {  	s7 =	sld [smem:$0x3FB5]  }
0x2d: {  	s3 =	simm.s32 $0x108;
	s8 =	sld [smem:$0x3FB6]  }
0x2e: {  	s3 =	simm.s32 @!p0 $0x1082;
	s9 =	sld [smem:$0x3FB7]  }
0x2f: {  	lr =	sadd.s32 s0, s3;
	s0 =	sld [smem:$0x3FAE]  }
0x30: {  	s3 =	sld [smem:$0x3FB1]  }
0x31: {  	[smem:$0x3FBA] =	sst s10  }
0x32: {  	s10 =	sld [smem:$0x3FB8];
	_ =	sdelay $0x3  }
0x33: {  	p0 =	seq.s32 s10, $0x1;
	s10 =	sld [smem:$0x3FBA];
	_ =	sdelay $0x3  }
0x34: {  	[smem:$0x3FBA] =	sst s10  }
0x35: {  	s10 =	sld [smem:$0x3FB9];
	_ =	sdelay $0x3  }
0x36: {  	p1 =	seq.s32 s10, $0x1;
	s10 =	sld [smem:$0x3FBA];
	_ =	sdelay $0x3  }
0x37: {  	[smem:$0x3FBA] =	sst s10  }
0x38: {  	s10 =	sld [smem:$0x3FBB]  }
0x39: {  	_ = 	snop;
	(pc) =	sbr.ind lr, $3  }
0x3a: {  	_ = 	snop  }
0x3b: {  	_ = 	snop  }
0x3c: {  	p2 =	seq.s32 s10, $0x1;
	s10 =	sld [smem:$0x3FBA]  }
0x3d: {  	_ =	shalt  }
0x3e: {  	_ =	shalt  }
0x3f: {  	_ =	shalt  }
0x40: {  	_ =	shalt  }
0x41: {  	_ =	shalt  }
0x42: {  	_ =	shalt  }
0x43: {  	_ =	shalt  }
0x44: {  	_ =	shalt  }
0x45: {  	_ =	shalt  }
0x46: {  	_ =	shalt  }
0x47: {  	_ =	shalt  }
0x48: {  	_ =	shalt  }
0x49: {  	_ =	shalt  }
0x4a: {  	_ =	shalt  }
0x4b: {  	_ =	shalt  }
0x4c: {  	_ =	shalt  }
0x4d: {  	_ =	shalt  }
0x4e: {  	_ =	shalt  }
0x4f: {  	_ =	shalt  }
0x50: {  	_ =	shalt  }
0x51: {  	_ =	shalt  }
0x52: {  	_ =	shalt  }
0x53: {  	_ =	shalt  }
0x54: {  	_ =	shalt  }
0x55: {  	_ =	shalt  }
0x56: {  	_ =	shalt  }
0x57: {  	_ =	shalt  }
0x58: {  	_ =	shalt  }
0x59: {  	_ =	shalt  }
0x5a: {  	_ =	shalt  }
0x5b: {  	_ =	shalt  }
0x5c: {  	_ =	shalt  }
0x5d: {  	_ =	shalt  }
0x5e: {  	_ =	shalt  }
0x5f: {  	_ =	shalt  }
0x60: {  	_ =	shalt  }
0x61: {  	_ =	shalt  }
0x62: {  	_ =	shalt  }
0x63: {  	_ =	shalt  }
0x64: {  	_ =	shalt  }
0x65: {  	_ =	shalt  }
0x66: {  	_ =	shalt  }
0x67: {  	_ =	shalt  }
0x68: {  	_ =	shalt  }
0x69: {  	_ =	shalt  }
0x6a: {  	_ =	shalt  }
0x6b: {  	_ =	shalt  }
0x6c: {  	_ =	shalt  }
0x6d: {  	_ =	shalt  }
0x6e: {  	_ =	shalt  }
0x6f: {  	_ =	shalt  }
0x70: {  	_ =	shalt  }
0x71: {  	_ =	shalt  }
0x72: {  	_ =	shalt  }
0x73: {  	_ =	shalt  }
0x74: {  	_ =	shalt  }
0x75: {  	_ =	shalt  }
0x76: {  	_ =	shalt  }
0x77: {  	_ =	shalt  }
0x78: {  	_ =	shalt  }
0x79: {  	_ =	shalt  }
0x7a: {  	_ =	shalt  }
0x7b: {  	_ =	shalt  }
0x7c: {  	_ =	shalt  }
0x7d: {  	_ =	shalt  }
0x7e: {  	_ =	shalt  }
0x7f: {  	_ =	shalt  }
0x80: {  	_ =	shalt  }
0x81: {  	_ =	shalt  }
0x82: {  	_ =	shalt  }
0x83: {  	_ =	shalt  }
0x84: {  	_ =	shalt  }
0x85: {  	_ =	shalt  }
0x86: {  	_ =	shalt  }
0x87: {  	_ =	shalt  }
.Lfunc_end0:
.L_simem_size_0:
called_computation_lowered:
.L_overlay_start_0:
0x88: {  	s2 =	sld [smem:$0x3FD9]  }
0x89: {  	s3 =	sld [smem:$0x3FFE];
	_ =	sdelay $0x1  }
0x8a: {  	s1 =	srdreg.scid  }
0x8b: {  	s0 =	sand.u32 $0x1, s1  }
0x8c: {  	s18 =	sshll.u32 s0, $0xA;
	s2 =	sadd.s32 s3, s2  }
0x8d: {  	s2 =	sadd.s32 s2, s18  }
0x8e: {  	[smem:$0x3FC6] =	sst s2  }
0x8f: {  	_ = 	snop  }
0x90: {  	s2 =	sld [smem:$0x3FC9]  }
0x91: {  	s19 =	sld [smem:$0x3FC8]  }
0x92: {  	s4 =	sld [smem:$0x3FD0];
	(tm) =	ssettm $0x1  }
0x93: {  	s5 =	sld [smem:$0x3FFB];
	_ =	sdelay $0x3  }
0x94: {  	_ =	strace s5  }
0x95: {  	s5 =	sld [smem:$0x3FFC];
	_ =	sdelay $0x3  }
0x96: {  	_ =	strace s5  }
0x97: {  	s5 =	sld [smem:$0x3FFD];
	_ =	sdelay $0x3  }
0x98: {  	_ =	strace s5  }
0x99: {  	_ =	strace $0x8FFFFFFF  }
0x9a: {  	s20 =	sld [smem:$0x3FDB];
	_ =	sdelay $0x1  }
0x9b: {  	s6 =	simm.s32 $_scs_section_size  }
0x9c: {  	s7 =	simm.s32 $_size__tile_overlayer_lowered;
	s8 =	simm.s32 $_tile_overlayer_lowered  }
0x9d: {  	s23 =	simm.s32 $0x1BFF;
	s22 =	sshll.u32 s8, $0x1;
	s5 =	sadd.s32 s6, s20  }
0x9e: {  	s9 =	simm.s32 $0x0;
	s21 =	sshll.u32 s7, $0x1;
	s7 =	sadd.s32 s22, s5  }
0x9f: {  	[timem:s9], [sflag:s23] =	dma.local [hbm:s7], s21  }
0xa0: {  	_ =	swait.ge [sflag:s23], s21  }
0xa1: {  	s6 =	ssub.s32 $0x0, s21;
	[sflag:s23] =	ssyncset.done $0x0  }
0xa2: {  	[sflag:s23] =	ssyncadd.s32 s6;
	_ =	sdelay $0x1  }
0xa3: {  	s24 =	simm.s32 $0x1B8B  }
0xa4: {  	_ =	swait.ge [sflag:s24], $0x1  }
0xa5: {  	[sflag:s24] =	ssyncset.done $0x0  }
0xa6: {  	s25 =	simm.s32 $0x1B8E;
	[sflag:s24] =	ssyncadd.s32 $0xFFFFFFFF  }
0xa7: {  	s26 =	simm.s32 $execute0_lowered;
	[smem:$0x3FD2] =	sst s25  }
0xa8: {  	s6 =	sshll.u32 s26, $0x1;
	_ =	strace $0x80000046;
	[dreg:$0x1] =	wrdreg $0xFFFFFFFF  }
0xa9: {  	s28 =	simm.s32 $_size_execute0_lowered;
	s5 =	sadd.s32 s5, s6;
	[dreg:$0x0] =	wrdreg $0x0  }
0xaa: {  	s6 =	sshll.u32 s28, $0x1;
	[dreg:$0x2] =	wrdreg s5  }
0xab: {  	[dreg:$0x3] =	wrdreg s6  }
0xac: {  	[dreg:$0x4] =	wrdreg $0xC0  }
0xad: {  	_ =	task [dreg:s9], $0x5FFFF  }
0xae: {  	[dreg:$0x1] =	wrdreg $0xFFFFFFFF  }
0xaf: {  	[dreg:$0x0] =	wrdreg $0x60  }
0xb0: {  	[dreg:$0x2] =	wrdreg s2  }
0xb1: {  	[dreg:$0x3] =	wrdreg s19  }
0xb2: {  	[dreg:$0x4] =	wrdreg s4  }
0xb3: {  	[dreg:$0x5] =	wrdreg $0x9  }
0xb4: {  	_ =	task.clear_ibuf [dreg:s9], $0x6FFFF;
	_ =	strace $0x90000046  }
0xb5: {  	s29 =	simm.s32 $0x9;
	_ =	strace $0x80000048  }
0xb6: {  	_ =	swait.ge [sflag:s29], $0x1  }
0xb7: {  	[sflag:s29] =	ssyncadd.s32 $0xFFFFFFFF  }
0xb8: {  	_ =	strace $0x90000048  }
0xb9: {  	_ =	sfence  }
0xba: {  	s30 =	sld [smem:$0x0];
	_ =	sdelay $0x2  }
0xbb: {  	s31 =	sshll.u32 s1, $0xD;
	s1 =	sshrl.u32 s1, $0x2  }
0xbc: {  	s3 =	sand.u32 $0x4000, s31;
	s1 =	sadd.s32 s1, s30  }
0xbd: {  	s0 =	sor.u32 s3, s0;
	s1 =	sshll.u32 s1, $0x11  }
0xbe: {  	s0 =	sor.u32 s1, s0  }
0xbf: {  	s0 =	sadd.s32 $0x8F2B, s0  }
0xc0: {  	[sflag:s0] =	ssyncadd.remote.s32 $0x1  }
0xc1: {  	_ =	sfence.sel $0xFFFF  }
0xc2: {  	[dreg:$0x0] =	wrdreg $0xFFFFFFFF;
	(pc) =	sbr.abs _section_cstart, $3  }
0xc3: {  	[dreg:$0x1] =	wrdreg $0xFFFFFFFF  }
0xc4: {  	_ =	task.clear_ibuf [dreg:s9], $0x2FFFF;
	_ =	strace $0x9FFFFFFF  }
0xc5: {  	(tm) =	ssettm $0x7FFFFFFF  }
tec
execute0_lowered:
.L_overlay_start_1:
0x0: {  	(tag) =	ssettag $0x1  }
0x1: {  	s10 =	rddreg [dreg:$0x1]  }
0x2: {  	s4 =	rddreg [dreg:$0x2]  }
0x3: {  	s0 =	srdreg.scid;
	s6 =	stileid.u32;
	s5 =	simm.s32 $0x0  }
0x4: {  	s13 =	simm.s32 $0x2;
	s14 =	simm.s32 $0x80;
	s15 =	simm.s32 $0x200  }
0x5: {  	s22 =	simm.s32 $0xB880;
	s23 =	simm.s32 $0xC080;
	s28 =	simm.s32 $0xE080  }
0x6: {  	s29 =	simm.s32 $0xE880;
	s30 =	simm.s32 $0xF080;
	s31 =	simm.s32 $0xF880  }
0x7: {  	s12 =	simm.s32 $0x11880;
	s17 =	simm.s32 $0x0;
	s0 =	sand.u32 $0x1, s0  }
0x8: {  	s1 =	sshll.u32 s6, $0x1;
	[smem:$0x7FF] =	sst s5;
	s25 =	sshrl.u32 s6, $0x1  }
0x9: {  	s8 =	sadd.s32 $0x10, s10;
	s9 =	sadd.s32 $0x20, s10;
	s10 =	sadd.s32 $0x30, s10  }
0xa: {  	s2 =	ssub.s32 $0x2, s0;
	s1 =	sand.u32 $0x2, s1;
	_ =	strace $0x80000047  }
0xb: {  	s7 =	sshll.u32 s25, $0x11;
	s11 =	sshll.u32 s25, $0x13;
	s25 =	simm.s32 $0xD080  }
0xc: {  	s3 =	sshrl.u32 s2, $0x1;
	s0 =	sor.u32 s0, s1;
	s1 =	simm.s32 $0x11080  }
0xd: {  	s24 =	ssub.s32 s2, s3;
	s6 =	sshll.u32 s0, $0x7;
	s0 =	simm.s32 $0x10080  }
0xe: {  	s2 =	simm.s32 $0x10880;
	s3 =	simm.s32 $0x1;
	s26 =	smax.u32 s24, $0x1  }
0xf: {  	s24 =	simm.s32 $0xC880;
	[dreg:$0x4] =	wrdreg s26;
	s26 =	simm.s32 $0xD880  }
.LBB2_1:
0x10: {  	[dreg:$0x5] =	wrdreg s17  }
0x11: {  	s16 =	rddreg [dreg:$0x0]  }
0x12: {  	[tilespmem:s5], [sflag:$0x2] =	stream.linear.gather [hbm4b:s16+s5], $0x8080, $0x38;
	[tilespmem:$0x12080] =	vst v63  }
0x13: {  	_ =	swait.ge [sflag:s13], $0x8080  }
0x14: {  	[sflag:s13] =	ssyncset.done $0x0  }
0x15: {  	s16 =	simm.s32 $0x0;
	[sflag:s13] =	ssyncadd.s32 $0xFFFF7F80  }
.LBB2_2:
0x16: {  	s17 =	sshll.u32 s16, $0x2  }
0x17: {  	s17 =	sadd.s32 s6, s17  }
0x18: {  	s18 =	sshll.u32 s17, $0x8  }
0x19: {  	s21 =	rddreg [dreg:$0x1];
	s19 =	sadd.s32 s7, s18  }
0x1a: {  	s20 =	simm.s32 $0x8080;
	s18 =	sadd.s32 s21, s19  }
0x1b: {  	[tilespmem:s20], [sflag:$0x2] =	stream.strided.gather [hbm4b:s18+s14], $0x800, s15, s14, $0x38;
	[tilespmem:$0x12080] =	vst v63  }
0x1c: {  	_ =	swait.ge [sflag:s13], $0x800  }
0x1d: {  	[sflag:s13] =	ssyncset.done $0x0  }
0x1e: {  	s21 =	simm.s32 $0x8880;
	s20 =	sadd.s32 s19, s8;
	[sflag:s13] =	ssyncadd.s32 $0xFFFFF800  }
0x1f: {  	[tilespmem:s21], [sflag:$0x2] =	stream.strided.gather [hbm4b:s20+s14], $0x800, s15, s14, $0x38;
	[tilespmem:$0x12080] =	vst v63  }
0x20: {  	_ =	swait.ge [sflag:s13], $0x800  }
0x21: {  	[sflag:s13] =	ssyncset.done $0x0  }
0x22: {  	s18 =	simm.s32 $0x9080;
	s21 =	sadd.s32 s19, s9;
	[sflag:s13] =	ssyncadd.s32 $0xFFFFF800  }
0x23: {  	[tilespmem:s18], [sflag:$0x2] =	stream.strided.gather [hbm4b:s21+s14], $0x800, s15, s14, $0x38;
	[tilespmem:$0x12080] =	vst v63  }
0x24: {  	_ =	swait.ge [sflag:s13], $0x800  }
0x25: {  	[sflag:s13] =	ssyncset.done $0x0  }
0x26: {  	s19 =	sadd.s32 s19, s10;
	s21 =	simm.s32 $0x9880;
	[sflag:s13] =	ssyncadd.s32 $0xFFFFF800  }
0x27: {  	[tilespmem:s21], [sflag:$0x2] =	stream.strided.gather [hbm4b:s19+s14], $0x800, s15, s14, $0x38;
	[tilespmem:$0x12080] =	vst v63  }
0x28: {  	_ =	swait.ge [sflag:s13], $0x800  }
0x29: {  	[sflag:s13] =	ssyncset.done $0x0  }
0x2a: {  	s20 =	simm.s32 $0xB080;
	s19 =	simm.s32 $0x0;
	[sflag:s13] =	ssyncadd.s32 $0xFFFFF800  }
.LBB2_3:
0x2b: {  	v1 =	vld [tilespmem:s18+$0xFFFFF800]  }
0x2c: {  	v3 =	vld [tilespmem:s18+$0xFFFFF000]  }
0x2d: {  	v2 =	vld [tilespmem:s18+$0x0];
	_ =	sdelay $0x1  }
0x2e: {  	v0 =	vld [tilespmem:s18+$0x800]  }
0x2f: {  	v4 =	vadd.s32 $0x2010, v1;
	_ =	sdelay $0x1  }
0x30: {  	v5 =	vadd.s32 $0x4020, v2;
	_ =	sdelay $0x1  }
0x31: {  	v7 =	vadd.s32 $0x6030, v0;
	v6 =	vld.idx.msk [tilespmem:v3+s5+$0x0], $0xffff  }
0x32: {  	v4 =	vld.idx.msk [tilespmem:v4+s5+$0x0], $0xffff;
	_ =	sdelay $0x1  }
0x33: {  	v5 =	vld.idx.msk [tilespmem:v5+s5+$0x0], $0xffff;
	_ =	sdelay $0x1  }
0x34: {  	v7 =	vld.idx.msk [tilespmem:v7+s5+$0x0], $0xffff  }
0x35: {  	v4 =	vadd.f32 v4, v6;
	_ =	sdelay $0x1  }
0x36: {  	v48 =	vadd.s32 $0x201, v3;
	v4 =	vadd.f32 v5, v4  }
0x37: {  	v49 =	vadd.s32 $0x2211, v1  }
0x38: {  	v4 =	vadd.f32 v7, v4  }
0x39: {  	v50 =	vadd.s32 $0x4221, v2  }
0x3a: {  	[tilespmem:s20+$0xFFFFF000] =	vst v4  }
0x3b: {  	v51 =	vadd.s32 $0x6231, v0;
	v4 =	vld.idx.msk [tilespmem:v48+s5+$0x0], $0xffff  }
0x3c: {  	v6 =	vld.idx.msk [tilespmem:v49+s5+$0x0], $0xffff;
	_ =	sdelay $0x1  }
0x3d: {  	v7 =	vld.idx.msk [tilespmem:v50+s5+$0x0], $0xffff;
	_ =	sdelay $0x1  }
0x3e: {  	v5 =	vld.idx.msk [tilespmem:v51+s5+$0x0], $0xffff  }
0x3f: {  	v4 =	vadd.f32 v6, v4;
	_ =	sdelay $0x1  }
0x40: {  	v52 =	vadd.s32 $0x402, v3;
	v4 =	vadd.f32 v7, v4  }
0x41: {  	v53 =	vadd.s32 $0x2412, v1  }
0x42: {  	v4 =	vadd.f32 v5, v4  }
0x43: {  	v54 =	vadd.s32 $0x4422, v2  }
0x44: {  	[tilespmem:s20+$0xFFFFF800] =	vst v4  }
0x45: {  	v55 =	vadd.s32 $0x6432, v0;
	v4 =	vld.idx.msk [tilespmem:v52+s5+$0x0], $0xffff  }
0x46: {  	v7 =	vld.idx.msk [tilespmem:v53+s5+$0x0], $0xffff;
	_ =	sdelay $0x1  }
0x47: {  	v5 =	vld.idx.msk [tilespmem:v54+s5+$0x0], $0xffff;
	_ =	sdelay $0x1  }
0x48: {  	v6 =	vld.idx.msk [tilespmem:v55+s5+$0x0], $0xffff  }
0x49: {  	v4 =	vadd.f32 v7, v4;
	_ =	sdelay $0x1  }
0x4a: {  	v56 =	vadd.s32 $0x603, v3;
	v4 =	vadd.f32 v5, v4  }
0x4b: {  	v57 =	vadd.s32 $0x2613, v1  }
0x4c: {  	v4 =	vadd.f32 v6, v4  }
0x4d: {  	v58 =	vadd.s32 $0x4623, v2  }
0x4e: {  	[tilespmem:s20+$0x0] =	vst v4  }
0x4f: {  	v59 =	vadd.s32 $0x6633, v0;
	v4 =	vld.idx.msk [tilespmem:v56+s5+$0x0], $0xffff  }
0x50: {  	v7 =	vld.idx.msk [tilespmem:v57+s5+$0x0], $0xffff;
	_ =	sdelay $0x1  }
0x51: {  	v6 =	vld.idx.msk [tilespmem:v58+s5+$0x0], $0xffff;
	_ =	sdelay $0x1  }
0x52: {  	v5 =	vld.idx.msk [tilespmem:v59+s5+$0x0], $0xffff  }
0x53: {  	v4 =	vadd.f32 v7, v4;
	_ =	sdelay $0x1  }
0x54: {  	v60 =	vadd.s32 $0x804, v3;
	v4 =	vadd.f32 v6, v4  }
0x55: {  	v61 =	vadd.s32 $0x2814, v1  }
0x56: {  	v4 =	vadd.f32 v5, v4  }
0x57: {  	v62 =	vadd.s32 $0x4824, v2  }
0x58: {  	[tilespmem:s20+$0x800] =	vst v4  }
0x59: {  	v63 =	vadd.s32 $0x6834, v0;
	v4 =	vld.idx.msk [tilespmem:v60+s5+$0x0], $0xffff  }
0x5a: {  	v7 =	vld.idx.msk [tilespmem:v61+s5+$0x0], $0xffff;
	_ =	sdelay $0x1  }
0x5b: {  	v5 =	vld.idx.msk [tilespmem:v62+s5+$0x0], $0xffff;
	_ =	sdelay $0x1  }
0x5c: {  	v6 =	vld.idx.msk [tilespmem:v63+s5+$0x0], $0xffff  }
0x5d: {  	v4 =	vadd.f32 v7, v4;
	_ =	sdelay $0x1  }
0x5e: {  	v9 =	vadd.s32 $0xA05, v3;
	v4 =	vadd.f32 v5, v4  }
0x5f: {  	v10 =	vadd.s32 $0x2A15, v1  }
0x60: {  	v4 =	vadd.f32 v6, v4  }
0x61: {  	s21 =	sand.u32 $0x1F0, s19;
	v11 =	vadd.s32 $0x4A25, v2  }
0x62: {  	[tilespmem:s21+$0xC080] =	vst v4  }
0x63: {  	v12 =	vadd.s32 $0x6A35, v0;
	v4 =	vld.idx.msk [tilespmem:v9+s5+$0x0], $0xffff  }
0x64: {  	v7 =	vld.idx.msk [tilespmem:v10+s5+$0x0], $0xffff;
	_ =	sdelay $0x1  }
0x65: {  	v6 =	vld.idx.msk [tilespmem:v11+s5+$0x0], $0xffff;
	_ =	sdelay $0x1  }
0x66: {  	v5 =	vld.idx.msk [tilespmem:v12+s5+$0x0], $0xffff  }
0x67: {  	v4 =	vadd.f32 v7, v4;
	_ =	sdelay $0x1  }
0x68: {  	v13 =	vadd.s32 $0xC06, v3;
	v4 =	vadd.f32 v6, v4  }
0x69: {  	v14 =	vadd.s32 $0x2C16, v1  }
0x6a: {  	v4 =	vadd.f32 v5, v4  }
0x6b: {  	v15 =	vadd.s32 $0x4C26, v2  }
0x6c: {  	[tilespmem:s21+$0xC880] =	vst v4  }
0x6d: {  	v16 =	vadd.s32 $0x6C36, v0;
	v4 =	vld.idx.msk [tilespmem:v13+s5+$0x0], $0xffff  }
0x6e: {  	v7 =	vld.idx.msk [tilespmem:v14+s5+$0x0], $0xffff;
	_ =	sdelay $0x1  }
0x6f: {  	v5 =	vld.idx.msk [tilespmem:v15+s5+$0x0], $0xffff;
	_ =	sdelay $0x1  }
0x70: {  	v6 =	vld.idx.msk [tilespmem:v16+s5+$0x0], $0xffff  }
0x71: {  	v4 =	vadd.f32 v7, v4;
	_ =	sdelay $0x1  }
0x72: {  	v17 =	vadd.s32 $0xE07, v3;
	v4 =	vadd.f32 v5, v4  }
0x73: {  	v18 =	vadd.s32 $0x2E17, v1  }
0x74: {  	v4 =	vadd.f32 v6, v4  }
0x75: {  	v19 =	vadd.s32 $0x4E27, v2  }
0x76: {  	[tilespmem:s21+$0xD080] =	vst v4  }
0x77: {  	v20 =	vadd.s32 $0x6E37, v0;
	v4 =	vld.idx.msk [tilespmem:v17+s5+$0x0], $0xffff  }
0x78: {  	v7 =	vld.idx.msk [tilespmem:v18+s5+$0x0], $0xffff;
	_ =	sdelay $0x1  }
0x79: {  	v6 =	vld.idx.msk [tilespmem:v19+s5+$0x0], $0xffff;
	_ =	sdelay $0x1  }
0x7a: {  	v5 =	vld.idx.msk [tilespmem:v20+s5+$0x0], $0xffff  }
0x7b: {  	v4 =	vadd.f32 v7, v4;
	_ =	sdelay $0x1  }
0x7c: {  	v21 =	vadd.s32 $0x1008, v3;
	v4 =	vadd.f32 v6, v4  }
0x7d: {  	v22 =	vadd.s32 $0x3018, v1  }
0x7e: {  	v4 =	vadd.f32 v5, v4  }
0x7f: {  	v23 =	vadd.s32 $0x5028, v2  }
0x80: {  	[tilespmem:s21+$0xD880] =	vst v4  }
0x81: {  	v24 =	vadd.s32 $0x7038, v0;
	v4 =	vld.idx.msk [tilespmem:v21+s5+$0x0], $0xffff  }
0x82: {  	v7 =	vld.idx.msk [tilespmem:v22+s5+$0x0], $0xffff;
	_ =	sdelay $0x1  }
0x83: {  	v5 =	vld.idx.msk [tilespmem:v23+s5+$0x0], $0xffff;
	_ =	sdelay $0x1  }
0x84: {  	v6 =	vld.idx.msk [tilespmem:v24+s5+$0x0], $0xffff  }
0x85: {  	v4 =	vadd.f32 v7, v4;
	_ =	sdelay $0x1  }
0x86: {  	v25 =	vadd.s32 $0x1209, v3;
	v4 =	vadd.f32 v5, v4  }
0x87: {  	v26 =	vadd.s32 $0x3219, v1  }
0x88: {  	v4 =	vadd.f32 v6, v4  }
0x89: {  	v27 =	vadd.s32 $0x5229, v2  }
0x8a: {  	[tilespmem:s21+$0xE080] =	vst v4  }
0x8b: {  	v28 =	vadd.s32 $0x7239, v0;
	v4 =	vld.idx.msk [tilespmem:v25+s5+$0x0], $0xffff  }
0x8c: {  	v7 =	vld.idx.msk [tilespmem:v26+s5+$0x0], $0xffff;
	_ =	sdelay $0x1  }
0x8d: {  	v6 =	vld.idx.msk [tilespmem:v27+s5+$0x0], $0xffff;
	_ =	sdelay $0x1  }
0x8e: {  	v5 =	vld.idx.msk [tilespmem:v28+s5+$0x0], $0xffff  }
0x8f: {  	v4 =	vadd.f32 v7, v4;
	_ =	sdelay $0x1  }
0x90: {  	v29 =	vadd.s32 $0x140A, v3;
	v4 =	vadd.f32 v6, v4  }
0x91: {  	v30 =	vadd.s32 $0x341A, v1  }
0x92: {  	v4 =	vadd.f32 v5, v4  }
0x93: {  	v31 =	vadd.s32 $0x542A, v2  }
0x94: {  	[tilespmem:s21+$0xE880] =	vst v4  }
0x95: {  	v32 =	vadd.s32 $0x743A, v0;
	v4 =	vld.idx.msk [tilespmem:v29+s5+$0x0], $0xffff  }
0x96: {  	v7 =	vld.idx.msk [tilespmem:v30+s5+$0x0], $0xffff;
	_ =	sdelay $0x1  }
0x97: {  	v5 =	vld.idx.msk [tilespmem:v31+s5+$0x0], $0xffff;
	_ =	sdelay $0x1  }
0x98: {  	v6 =	vld.idx.msk [tilespmem:v32+s5+$0x0], $0xffff  }
0x99: {  	v4 =	vadd.f32 v7, v4;
	_ =	sdelay $0x1  }
0x9a: {  	v33 =	vadd.s32 $0x160B, v3;
	v4 =	vadd.f32 v5, v4  }
0x9b: {  	v34 =	vadd.s32 $0x361B, v1  }
0x9c: {  	v4 =	vadd.f32 v6, v4  }
0x9d: {  	v35 =	vadd.s32 $0x562B, v2  }
0x9e: {  	[tilespmem:s21+$0xF080] =	vst v4  }
0x9f: {  	v36 =	vadd.s32 $0x763B, v0;
	v4 =	vld.idx.msk [tilespmem:v33+s5+$0x0], $0xffff  }
0xa0: {  	v7 =	vld.idx.msk [tilespmem:v34+s5+$0x0], $0xffff;
	_ =	sdelay $0x1  }
0xa1: {  	v6 =	vld.idx.msk [tilespmem:v35+s5+$0x0], $0xffff;
	_ =	sdelay $0x1  }
0xa2: {  	v5 =	vld.idx.msk [tilespmem:v36+s5+$0x0], $0xffff  }
0xa3: {  	v4 =	vadd.f32 v7, v4;
	_ =	sdelay $0x1  }
0xa4: {  	v37 =	vadd.s32 $0x180C, v3;
	v4 =	vadd.f32 v6, v4  }
0xa5: {  	v38 =	vadd.s32 $0x381C, v1  }
0xa6: {  	v4 =	vadd.f32 v5, v4  }
0xa7: {  	v39 =	vadd.s32 $0x582C, v2  }
0xa8: {  	[tilespmem:s21+$0xF880] =	vst v4  }
0xa9: {  	v40 =	vadd.s32 $0x783C, v0;
	v4 =	vld.idx.msk [tilespmem:v37+s5+$0x0], $0xffff  }
0xaa: {  	v7 =	vld.idx.msk [tilespmem:v38+s5+$0x0], $0xffff;
	_ =	sdelay $0x1  }
0xab: {  	v5 =	vld.idx.msk [tilespmem:v39+s5+$0x0], $0xffff;
	_ =	sdelay $0x1  }
0xac: {  	v6 =	vld.idx.msk [tilespmem:v40+s5+$0x0], $0xffff  }
0xad: {  	v4 =	vadd.f32 v7, v4;
	_ =	sdelay $0x1  }
0xae: {  	v41 =	vadd.s32 $0x1A0D, v3;
	v4 =	vadd.f32 v5, v4  }
0xaf: {  	v42 =	vadd.s32 $0x3A1D, v1  }
0xb0: {  	v4 =	vadd.f32 v6, v4  }
0xb1: {  	v43 =	vadd.s32 $0x5A2D, v2  }
0xb2: {  	[tilespmem:s21+$0x10080] =	vst v4  }
0xb3: {  	v44 =	vadd.s32 $0x7A3D, v0;
	v4 =	vld.idx.msk [tilespmem:v41+s5+$0x0], $0xffff  }
0xb4: {  	v7 =	vld.idx.msk [tilespmem:v42+s5+$0x0], $0xffff;
	_ =	sdelay $0x1  }
0xb5: {  	v6 =	vld.idx.msk [tilespmem:v43+s5+$0x0], $0xffff;
	_ =	sdelay $0x1  }
0xb6: {  	v5 =	vld.idx.msk [tilespmem:v44+s5+$0x0], $0xffff  }
0xb7: {  	v4 =	vadd.f32 v7, v4;
	_ =	sdelay $0x1  }
0xb8: {  	v45 =	vadd.s32 $0x1C0E, v3;
	v4 =	vadd.f32 v6, v4  }
0xb9: {  	v46 =	vadd.s32 $0x3C1E, v1  }
0xba: {  	v4 =	vadd.f32 v5, v4  }
0xbb: {  	v47 =	vadd.s32 $0x5C2E, v2  }
0xbc: {  	[tilespmem:s21+$0x10880] =	vst v4  }
0xbd: {  	v48 =	vadd.s32 $0x7C3E, v0;
	v4 =	vld.idx.msk [tilespmem:v45+s5+$0x0], $0xffff  }
0xbe: {  	v7 =	vld.idx.msk [tilespmem:v46+s5+$0x0], $0xffff;
	_ =	sdelay $0x1  }
0xbf: {  	v5 =	vld.idx.msk [tilespmem:v47+s5+$0x0], $0xffff;
	_ =	sdelay $0x1  }
0xc0: {  	v6 =	vld.idx.msk [tilespmem:v48+s5+$0x0], $0xffff  }
0xc1: {  	v4 =	vadd.f32 v7, v4;
	_ =	sdelay $0x1  }
0xc2: {  	v3 =	vadd.s32 $0x1E0F, v3;
	v4 =	vadd.f32 v5, v4  }
0xc3: {  	v1 =	vadd.s32 $0x3E1F, v1  }
0xc4: {  	v4 =	vadd.f32 v6, v4  }
0xc5: {  	v2 =	vadd.s32 $0x5E2F, v2  }
0xc6: {  	[tilespmem:s21+$0x11080] =	vst v4  }
0xc7: {  	v0 =	vadd.s32 $0x7E3F, v0;
	v3 =	vld.idx.msk [tilespmem:v3+s5+$0x0], $0xffff  }
0xc8: {  	v1 =	vld.idx.msk [tilespmem:v1+s5+$0x0], $0xffff;
	_ =	sdelay $0x1  }
0xc9: {  	v2 =	vld.idx.msk [tilespmem:v2+s5+$0x0], $0xffff;
	_ =	sdelay $0x1  }
0xca: {  	v0 =	vld.idx.msk [tilespmem:v0+s5+$0x0], $0xffff  }
0xcb: {  	v1 =	vadd.f32 v1, v3;
	_ =	sdelay $0x1  }
0xcc: {  	v1 =	vadd.f32 v2, v1;
	_ =	sdelay $0x1  }
0xcd: {  	v0 =	vadd.f32 v0, v1;
	_ =	sdelay $0x1  }
0xce: {  	[tilespmem:s21+$0x11880] =	vst v0  }
0xcf: {  	v1 =	vld [tilespmem:s18+$0xFFFFFA00]  }
0xd0: {  	v3 =	vld [tilespmem:s18+$0xFFFFF200]  }
0xd1: {  	v2 =	vld [tilespmem:s18+$0x200];
	_ =	sdelay $0x1  }
0xd2: {  	v0 =	vld [tilespmem:s18+$0xA00]  }
0xd3: {  	v49 =	vadd.s32 $0x2010, v1;
	_ =	sdelay $0x1  }
0xd4: {  	v50 =	vadd.s32 $0x4020, v2;
	_ =	sdelay $0x1  }
0xd5: {  	v52 =	vadd.s32 $0x6030, v0;
	v51 =	vld.idx.msk [tilespmem:v3+s5+$0x0], $0xffff  }
0xd6: {  	v4 =	vld.idx.msk [tilespmem:v49+s5+$0x0], $0xffff;
	_ =	sdelay $0x1  }
0xd7: {  	v5 =	vld.idx.msk [tilespmem:v50+s5+$0x0], $0xffff;
	_ =	sdelay $0x1  }
0xd8: {  	v7 =	vld.idx.msk [tilespmem:v52+s5+$0x0], $0xffff  }
0xd9: {  	v4 =	vadd.f32 v4, v51;
	_ =	sdelay $0x1  }
0xda: {  	v53 =	vadd.s32 $0x201, v3;
	v4 =	vadd.f32 v5, v4  }
0xdb: {  	v54 =	vadd.s32 $0x2211, v1  }
0xdc: {  	v4 =	vadd.f32 v7, v4  }
0xdd: {  	v55 =	vadd.s32 $0x4221, v2  }
0xde: {  	[tilespmem:s20+$0xFFFFF200] =	vst v4  }
0xdf: {  	v56 =	vadd.s32 $0x6231, v0;
	v4 =	vld.idx.msk [tilespmem:v53+s5+$0x0], $0xffff  }
0xe0: {  	v6 =	vld.idx.msk [tilespmem:v54+s5+$0x0], $0xffff;
	_ =	sdelay $0x1  }
0xe1: {  	v7 =	vld.idx.msk [tilespmem:v55+s5+$0x0], $0xffff;
	_ =	sdelay $0x1  }
0xe2: {  	v5 =	vld.idx.msk [tilespmem:v56+s5+$0x0], $0xffff  }
0xe3: {  	v4 =	vadd.f32 v6, v4;
	_ =	sdelay $0x1  }
0xe4: {  	v57 =	vadd.s32 $0x402, v3;
	v4 =	vadd.f32 v7, v4  }
0xe5: {  	v58 =	vadd.s32 $0x2412, v1  }
0xe6: {  	v4 =	vadd.f32 v5, v4  }
0xe7: {  	v59 =	vadd.s32 $0x4422, v2  }
0xe8: {  	[tilespmem:s20+$0xFFFFFA00] =	vst v4  }
0xe9: {  	v60 =	vadd.s32 $0x6432, v0;
	v4 =	vld.idx.msk [tilespmem:v57+s5+$0x0], $0xffff  }
0xea: {  	v7 =	vld.idx.msk [tilespmem:v58+s5+$0x0], $0xffff;
	_ =	sdelay $0x1  }
0xeb: {  	v5 =	vld.idx.msk [tilespmem:v59+s5+$0x0], $0xffff;
	_ =	sdelay $0x1  }
0xec: {  	v6 =	vld.idx.msk [tilespmem:v60+s5+$0x0], $0xffff  }
0xed: {  	v4 =	vadd.f32 v7, v4;
	_ =	sdelay $0x1  }
0xee: {  	v61 =	vadd.s32 $0x603, v3;
	v4 =	vadd.f32 v5, v4  }
0xef: {  	v62 =	vadd.s32 $0x2613, v1  }
0xf0: {  	v4 =	vadd.f32 v6, v4  }
0xf1: {  	v63 =	vadd.s32 $0x4623, v2  }
0xf2: {  	[tilespmem:s20+$0x200] =	vst v4  }
0xf3: {  	v9 =	vadd.s32 $0x6633, v0;
	v4 =	vld.idx.msk [tilespmem:v61+s5+$0x0], $0xffff  }
0xf4: {  	v7 =	vld.idx.msk [tilespmem:v62+s5+$0x0], $0xffff;
	_ =	sdelay $0x1  }
0xf5: {  	v6 =	vld.idx.msk [tilespmem:v63+s5+$0x0], $0xffff;
	_ =	sdelay $0x1  }
0xf6: {  	v5 =	vld.idx.msk [tilespmem:v9+s5+$0x0], $0xffff  }
0xf7: {  	v4 =	vadd.f32 v7, v4;
	_ =	sdelay $0x1  }
0xf8: {  	v10 =	vadd.s32 $0x804, v3;
	v4 =	vadd.f32 v6, v4  }
0xf9: {  	v11 =	vadd.s32 $0x2814, v1  }
0xfa: {  	v4 =	vadd.f32 v5, v4  }
0xfb: {  	v12 =	vadd.s32 $0x4824, v2  }
0xfc: {  	[tilespmem:s20+$0xA00] =	vst v4  }
0xfd: {  	v13 =	vadd.s32 $0x6834, v0;
	v4 =	vld.idx.msk [tilespmem:v10+s5+$0x0], $0xffff  }
0xfe: {  	v7 =	vld.idx.msk [tilespmem:v11+s5+$0x0], $0xffff;
	_ =	sdelay $0x1  }
0xff: {  	v5 =	vld.idx.msk [tilespmem:v12+s5+$0x0], $0xffff;
	_ =	sdelay $0x1  }
0x100: {  	v6 =	vld.idx.msk [tilespmem:v13+s5+$0x0], $0xffff  }
0x101: {  	v4 =	vadd.f32 v7, v4;
	_ =	sdelay $0x1  }
0x102: {  	v14 =	vadd.s32 $0xA05, v3;
	v4 =	vadd.f32 v5, v4  }
0x103: {  	v15 =	vadd.s32 $0x2A15, v1  }
0x104: {  	v4 =	vadd.f32 v6, v4  }
0x105: {  	v16 =	vadd.s32 $0x4A25, v2  }
0x106: {  	[tilespmem:s21+$0xC280] =	vst v4  }
0x107: {  	v17 =	vadd.s32 $0x6A35, v0;
	v4 =	vld.idx.msk [tilespmem:v14+s5+$0x0], $0xffff  }
0x108: {  	v7 =	vld.idx.msk [tilespmem:v15+s5+$0x0], $0xffff;
	_ =	sdelay $0x1  }
0x109: {  	v6 =	vld.idx.msk [tilespmem:v16+s5+$0x0], $0xffff;
	_ =	sdelay $0x1  }
0x10a: {  	v5 =	vld.idx.msk [tilespmem:v17+s5+$0x0], $0xffff  }
0x10b: {  	v4 =	vadd.f32 v7, v4;
	_ =	sdelay $0x1  }
0x10c: {  	v18 =	vadd.s32 $0xC06, v3;
	v4 =	vadd.f32 v6, v4  }
0x10d: {  	v19 =	vadd.s32 $0x2C16, v1  }
0x10e: {  	v4 =	vadd.f32 v5, v4  }
0x10f: {  	v20 =	vadd.s32 $0x4C26, v2  }
0x110: {  	[tilespmem:s21+$0xCA80] =	vst v4  }
0x111: {  	v21 =	vadd.s32 $0x6C36, v0;
	v4 =	vld.idx.msk [tilespmem:v18+s5+$0x0], $0xffff  }
0x112: {  	v7 =	vld.idx.msk [tilespmem:v19+s5+$0x0], $0xffff;
	_ =	sdelay $0x1  }
0x113: {  	v5 =	vld.idx.msk [tilespmem:v20+s5+$0x0], $0xffff;
	_ =	sdelay $0x1  }
0x114: {  	v6 =	vld.idx.msk [tilespmem:v21+s5+$0x0], $0xffff  }
0x115: {  	v4 =	vadd.f32 v7, v4;
	_ =	sdelay $0x1  }
0x116: {  	v22 =	vadd.s32 $0xE07, v3;
	v4 =	vadd.f32 v5, v4  }
0x117: {  	v23 =	vadd.s32 $0x2E17, v1  }
0x118: {  	v4 =	vadd.f32 v6, v4  }
0x119: {  	v24 =	vadd.s32 $0x4E27, v2  }
0x11a: {  	[tilespmem:s21+$0xD280] =	vst v4  }
0x11b: {  	v25 =	vadd.s32 $0x6E37, v0;
	v4 =	vld.idx.msk [tilespmem:v22+s5+$0x0], $0xffff  }
0x11c: {  	v7 =	vld.idx.msk [tilespmem:v23+s5+$0x0], $0xffff;
	_ =	sdelay $0x1  }
0x11d: {  	v6 =	vld.idx.msk [tilespmem:v24+s5+$0x0], $0xffff;
	_ =	sdelay $0x1  }
0x11e: {  	v5 =	vld.idx.msk [tilespmem:v25+s5+$0x0], $0xffff  }
0x11f: {  	v4 =	vadd.f32 v7, v4;
	_ =	sdelay $0x1  }
0x120: {  	v26 =	vadd.s32 $0x1008, v3;
	v4 =	vadd.f32 v6, v4  }
0x121: {  	v27 =	vadd.s32 $0x3018, v1  }
0x122: {  	v4 =	vadd.f32 v5, v4  }
0x123: {  	v28 =	vadd.s32 $0x5028, v2  }
0x124: {  	[tilespmem:s21+$0xDA80] =	vst v4  }
0x125: {  	v29 =	vadd.s32 $0x7038, v0;
	v4 =	vld.idx.msk [tilespmem:v26+s5+$0x0], $0xffff  }
0x126: {  	v7 =	vld.idx.msk [tilespmem:v27+s5+$0x0], $0xffff;
	_ =	sdelay $0x1  }
0x127: {  	v5 =	vld.idx.msk [tilespmem:v28+s5+$0x0], $0xffff;
	_ =	sdelay $0x1  }
0x128: {  	v6 =	vld.idx.msk [tilespmem:v29+s5+$0x0], $0xffff  }
0x129: {  	v4 =	vadd.f32 v7, v4;
	_ =	sdelay $0x1  }
0x12a: {  	v30 =	vadd.s32 $0x1209, v3;
	v4 =	vadd.f32 v5, v4  }
0x12b: {  	v31 =	vadd.s32 $0x3219, v1  }
0x12c: {  	v4 =	vadd.f32 v6, v4  }
0x12d: {  	v32 =	vadd.s32 $0x5229, v2  }
0x12e: {  	[tilespmem:s21+$0xE280] =	vst v4  }
0x12f: {  	v33 =	vadd.s32 $0x7239, v0;
	v4 =	vld.idx.msk [tilespmem:v30+s5+$0x0], $0xffff  }
0x130: {  	v7 =	vld.idx.msk [tilespmem:v31+s5+$0x0], $0xffff;
	_ =	sdelay $0x1  }
0x131: {  	v6 =	vld.idx.msk [tilespmem:v32+s5+$0x0], $0xffff;
	_ =	sdelay $0x1  }
0x132: {  	v5 =	vld.idx.msk [tilespmem:v33+s5+$0x0], $0xffff  }
0x133: {  	v4 =	vadd.f32 v7, v4;
	_ =	sdelay $0x1  }
0x134: {  	v34 =	vadd.s32 $0x140A, v3;
	v4 =	vadd.f32 v6, v4  }
0x135: {  	v35 =	vadd.s32 $0x341A, v1  }
0x136: {  	v4 =	vadd.f32 v5, v4  }
0x137: {  	v36 =	vadd.s32 $0x542A, v2  }
0x138: {  	[tilespmem:s21+$0xEA80] =	vst v4  }
0x139: {  	v37 =	vadd.s32 $0x743A, v0;
	v4 =	vld.idx.msk [tilespmem:v34+s5+$0x0], $0xffff  }
0x13a: {  	v7 =	vld.idx.msk [tilespmem:v35+s5+$0x0], $0xffff;
	_ =	sdelay $0x1  }
0x13b: {  	v5 =	vld.idx.msk [tilespmem:v36+s5+$0x0], $0xffff;
	_ =	sdelay $0x1  }
0x13c: {  	v6 =	vld.idx.msk [tilespmem:v37+s5+$0x0], $0xffff  }
0x13d: {  	v4 =	vadd.f32 v7, v4;
	_ =	sdelay $0x1  }
0x13e: {  	v38 =	vadd.s32 $0x160B, v3;
	v4 =	vadd.f32 v5, v4  }
0x13f: {  	v39 =	vadd.s32 $0x361B, v1  }
0x140: {  	v4 =	vadd.f32 v6, v4  }
0x141: {  	v40 =	vadd.s32 $0x562B, v2  }
0x142: {  	[tilespmem:s21+$0xF280] =	vst v4  }
0x143: {  	v41 =	vadd.s32 $0x763B, v0;
	v4 =	vld.idx.msk [tilespmem:v38+s5+$0x0], $0xffff  }
0x144: {  	v7 =	vld.idx.msk [tilespmem:v39+s5+$0x0], $0xffff;
	_ =	sdelay $0x1  }
0x145: {  	v6 =	vld.idx.msk [tilespmem:v40+s5+$0x0], $0xffff;
	_ =	sdelay $0x1  }
0x146: {  	v5 =	vld.idx.msk [tilespmem:v41+s5+$0x0], $0xffff  }
0x147: {  	v4 =	vadd.f32 v7, v4;
	_ =	sdelay $0x1  }
0x148: {  	v42 =	vadd.s32 $0x180C, v3;
	v4 =	vadd.f32 v6, v4  }
0x149: {  	v43 =	vadd.s32 $0x381C, v1  }
0x14a: {  	v4 =	vadd.f32 v5, v4  }
0x14b: {  	v44 =	vadd.s32 $0x582C, v2  }
0x14c: {  	[tilespmem:s21+$0xFA80] =	vst v4  }
0x14d: {  	v45 =	vadd.s32 $0x783C, v0;
	v4 =	vld.idx.msk [tilespmem:v42+s5+$0x0], $0xffff  }
0x14e: {  	v7 =	vld.idx.msk [tilespmem:v43+s5+$0x0], $0xffff;
	_ =	sdelay $0x1  }
0x14f: {  	v5 =	vld.idx.msk [tilespmem:v44+s5+$0x0], $0xffff;
	_ =	sdelay $0x1  }
0x150: {  	v6 =	vld.idx.msk [tilespmem:v45+s5+$0x0], $0xffff  }
0x151: {  	v4 =	vadd.f32 v7, v4;
	_ =	sdelay $0x1  }
0x152: {  	v46 =	vadd.s32 $0x1A0D, v3;
	v4 =	vadd.f32 v5, v4  }
0x153: {  	v47 =	vadd.s32 $0x3A1D, v1  }
0x154: {  	v4 =	vadd.f32 v6, v4  }
0x155: {  	v48 =	vadd.s32 $0x5A2D, v2  }
0x156: {  	[tilespmem:s21+$0x10280] =	vst v4  }
0x157: {  	v49 =	vadd.s32 $0x7A3D, v0;
	v4 =	vld.idx.msk [tilespmem:v46+s5+$0x0], $0xffff  }
0x158: {  	v7 =	vld.idx.msk [tilespmem:v47+s5+$0x0], $0xffff;
	_ =	sdelay $0x1  }
0x159: {  	v6 =	vld.idx.msk [tilespmem:v48+s5+$0x0], $0xffff;
	_ =	sdelay $0x1  }
0x15a: {  	v5 =	vld.idx.msk [tilespmem:v49+s5+$0x0], $0xffff  }
0x15b: {  	v4 =	vadd.f32 v7, v4;
	_ =	sdelay $0x1  }
0x15c: {  	v50 =	vadd.s32 $0x1C0E, v3;
	v4 =	vadd.f32 v6, v4  }
0x15d: {  	v51 =	vadd.s32 $0x3C1E, v1  }
0x15e: {  	v4 =	vadd.f32 v5, v4  }
0x15f: {  	v52 =	vadd.s32 $0x5C2E, v2  }
0x160: {  	[tilespmem:s21+$0x10A80] =	vst v4  }
0x161: {  	v53 =	vadd.s32 $0x7C3E, v0;
	v4 =	vld.idx.msk [tilespmem:v50+s5+$0x0], $0xffff  }
0x162: {  	v7 =	vld.idx.msk [tilespmem:v51+s5+$0x0], $0xffff;
	_ =	sdelay $0x1  }
0x163: {  	v5 =	vld.idx.msk [tilespmem:v52+s5+$0x0], $0xffff;
	_ =	sdelay $0x1  }
0x164: {  	v6 =	vld.idx.msk [tilespmem:v53+s5+$0x0], $0xffff  }
0x165: {  	v4 =	vadd.f32 v7, v4;
	_ =	sdelay $0x1  }
0x166: {  	v3 =	vadd.s32 $0x1E0F, v3;
	v4 =	vadd.f32 v5, v4  }
0x167: {  	v1 =	vadd.s32 $0x3E1F, v1  }
0x168: {  	v4 =	vadd.f32 v6, v4  }
0x169: {  	v2 =	vadd.s32 $0x5E2F, v2  }
0x16a: {  	[tilespmem:s21+$0x11280] =	vst v4  }
0x16b: {  	v0 =	vadd.s32 $0x7E3F, v0;
	v3 =	vld.idx.msk [tilespmem:v3+s5+$0x0], $0xffff  }
0x16c: {  	v1 =	vld.idx.msk [tilespmem:v1+s5+$0x0], $0xffff;
	_ =	sdelay $0x1  }
0x16d: {  	v2 =	vld.idx.msk [tilespmem:v2+s5+$0x0], $0xffff;
	_ =	sdelay $0x1  }
0x16e: {  	v0 =	vld.idx.msk [tilespmem:v0+s5+$0x0], $0xffff  }
0x16f: {  	v1 =	vadd.f32 v1, v3;
	_ =	sdelay $0x1  }
0x170: {  	v1 =	vadd.f32 v2, v1;
	_ =	sdelay $0x1  }
0x171: {  	v0 =	vadd.f32 v0, v1;
	_ =	sdelay $0x1  }
0x172: {  	[tilespmem:s21+$0x11A80] =	vst v0  }
0x173: {  	v1 =	vld [tilespmem:s18+$0xFFFFFC00]  }
0x174: {  	v3 =	vld [tilespmem:s18+$0xFFFFF400]  }
0x175: {  	v2 =	vld [tilespmem:s18+$0x400];
	_ =	sdelay $0x1  }
0x176: {  	v0 =	vld [tilespmem:s18+$0xC00]  }
0x177: {  	v54 =	vadd.s32 $0x2010, v1;
	_ =	sdelay $0x1  }
0x178: {  	v55 =	vadd.s32 $0x4020, v2;
	_ =	sdelay $0x1  }
0x179: {  	v57 =	vadd.s32 $0x6030, v0;
	v56 =	vld.idx.msk [tilespmem:v3+s5+$0x0], $0xffff  }
0x17a: {  	v4 =	vld.idx.msk [tilespmem:v54+s5+$0x0], $0xffff;
	_ =	sdelay $0x1  }
0x17b: {  	v5 =	vld.idx.msk [tilespmem:v55+s5+$0x0], $0xffff;
	_ =	sdelay $0x1  }
0x17c: {  	v7 =	vld.idx.msk [tilespmem:v57+s5+$0x0], $0xffff  }
0x17d: {  	v4 =	vadd.f32 v4, v56;
	_ =	sdelay $0x1  }
0x17e: {  	v58 =	vadd.s32 $0x201, v3;
	v4 =	vadd.f32 v5, v4  }
0x17f: {  	v59 =	vadd.s32 $0x2211, v1  }
0x180: {  	v4 =	vadd.f32 v7, v4  }
0x181: {  	v60 =	vadd.s32 $0x4221, v2  }
0x182: {  	[tilespmem:s20+$0xFFFFF400] =	vst v4  }
0x183: {  	v61 =	vadd.s32 $0x6231, v0;
	v4 =	vld.idx.msk [tilespmem:v58+s5+$0x0], $0xffff  }
0x184: {  	v6 =	vld.idx.msk [tilespmem:v59+s5+$0x0], $0xffff;
	_ =	sdelay $0x1  }
0x185: {  	v7 =	vld.idx.msk [tilespmem:v60+s5+$0x0], $0xffff;
	_ =	sdelay $0x1  }
0x186: {  	v5 =	vld.idx.msk [tilespmem:v61+s5+$0x0], $0xffff  }
0x187: {  	v4 =	vadd.f32 v6, v4;
	_ =	sdelay $0x1  }
0x188: {  	v62 =	vadd.s32 $0x402, v3;
	v4 =	vadd.f32 v7, v4  }
0x189: {  	v63 =	vadd.s32 $0x2412, v1  }
0x18a: {  	v4 =	vadd.f32 v5, v4  }
0x18b: {  	v9 =	vadd.s32 $0x4422, v2  }
0x18c: {  	[tilespmem:s20+$0xFFFFFC00] =	vst v4  }
0x18d: {  	v10 =	vadd.s32 $0x6432, v0;
	v4 =	vld.idx.msk [tilespmem:v62+s5+$0x0], $0xffff  }
0x18e: {  	v7 =	vld.idx.msk [tilespmem:v63+s5+$0x0], $0xffff;
	_ =	sdelay $0x1  }
0x18f: {  	v5 =	vld.idx.msk [tilespmem:v9+s5+$0x0], $0xffff;
	_ =	sdelay $0x1  }
0x190: {  	v6 =	vld.idx.msk [tilespmem:v10+s5+$0x0], $0xffff  }
0x191: {  	v4 =	vadd.f32 v7, v4;
	_ =	sdelay $0x1  }
0x192: {  	v11 =	vadd.s32 $0x603, v3;
	v4 =	vadd.f32 v5, v4  }
0x193: {  	v12 =	vadd.s32 $0x2613, v1  }
0x194: {  	v4 =	vadd.f32 v6, v4  }
0x195: {  	v13 =	vadd.s32 $0x4623, v2  }
0x196: {  	[tilespmem:s20+$0x400] =	vst v4  }
0x197: {  	v14 =	vadd.s32 $0x6633, v0;
	v4 =	vld.idx.msk [tilespmem:v11+s5+$0x0], $0xffff  }
0x198: {  	v7 =	vld.idx.msk [tilespmem:v12+s5+$0x0], $0xffff;
	_ =	sdelay $0x1  }
0x199: {  	v6 =	vld.idx.msk [tilespmem:v13+s5+$0x0], $0xffff;
	_ =	sdelay $0x1  }
0x19a: {  	v5 =	vld.idx.msk [tilespmem:v14+s5+$0x0], $0xffff  }
0x19b: {  	v4 =	vadd.f32 v7, v4;
	_ =	sdelay $0x1  }
0x19c: {  	v15 =	vadd.s32 $0x804, v3;
	v4 =	vadd.f32 v6, v4  }
0x19d: {  	v16 =	vadd.s32 $0x2814, v1  }
0x19e: {  	v4 =	vadd.f32 v5, v4  }
0x19f: {  	v17 =	vadd.s32 $0x4824, v2  }
0x1a0: {  	[tilespmem:s20+$0xC00] =	vst v4  }
0x1a1: {  	v18 =	vadd.s32 $0x6834, v0;
	v4 =	vld.idx.msk [tilespmem:v15+s5+$0x0], $0xffff  }
0x1a2: {  	v7 =	vld.idx.msk [tilespmem:v16+s5+$0x0], $0xffff;
	_ =	sdelay $0x1  }
0x1a3: {  	v5 =	vld.idx.msk [tilespmem:v17+s5+$0x0], $0xffff;
	_ =	sdelay $0x1  }
0x1a4: {  	v6 =	vld.idx.msk [tilespmem:v18+s5+$0x0], $0xffff  }
0x1a5: {  	v4 =	vadd.f32 v7, v4;
	_ =	sdelay $0x1  }
0x1a6: {  	v19 =	vadd.s32 $0xA05, v3;
	v4 =	vadd.f32 v5, v4  }
0x1a7: {  	v20 =	vadd.s32 $0x2A15, v1  }
0x1a8: {  	v4 =	vadd.f32 v6, v4  }
0x1a9: {  	v21 =	vadd.s32 $0x4A25, v2  }
0x1aa: {  	[tilespmem:s21+$0xC480] =	vst v4  }
0x1ab: {  	v22 =	vadd.s32 $0x6A35, v0;
	v4 =	vld.idx.msk [tilespmem:v19+s5+$0x0], $0xffff  }
0x1ac: {  	v7 =	vld.idx.msk [tilespmem:v20+s5+$0x0], $0xffff;
	_ =	sdelay $0x1  }
0x1ad: {  	v6 =	vld.idx.msk [tilespmem:v21+s5+$0x0], $0xffff;
	_ =	sdelay $0x1  }
0x1ae: {  	v5 =	vld.idx.msk [tilespmem:v22+s5+$0x0], $0xffff  }
0x1af: {  	v4 =	vadd.f32 v7, v4;
	_ =	sdelay $0x1  }
0x1b0: {  	v23 =	vadd.s32 $0xC06, v3;
	v4 =	vadd.f32 v6, v4  }
0x1b1: {  	v24 =	vadd.s32 $0x2C16, v1  }
0x1b2: {  	v4 =	vadd.f32 v5, v4  }
0x1b3: {  	v25 =	vadd.s32 $0x4C26, v2  }
0x1b4: {  	[tilespmem:s21+$0xCC80] =	vst v4  }
0x1b5: {  	v26 =	vadd.s32 $0x6C36, v0;
	v4 =	vld.idx.msk [tilespmem:v23+s5+$0x0], $0xffff  }
0x1b6: {  	v7 =	vld.idx.msk [tilespmem:v24+s5+$0x0], $0xffff;
	_ =	sdelay $0x1  }
0x1b7: {  	v5 =	vld.idx.msk [tilespmem:v25+s5+$0x0], $0xffff;
	_ =	sdelay $0x1  }
0x1b8: {  	v6 =	vld.idx.msk [tilespmem:v26+s5+$0x0], $0xffff  }
0x1b9: {  	v4 =	vadd.f32 v7, v4;
	_ =	sdelay $0x1  }
0x1ba: {  	v27 =	vadd.s32 $0xE07, v3;
	v4 =	vadd.f32 v5, v4  }
0x1bb: {  	v28 =	vadd.s32 $0x2E17, v1  }
0x1bc: {  	v4 =	vadd.f32 v6, v4  }
0x1bd: {  	v29 =	vadd.s32 $0x4E27, v2  }
0x1be: {  	[tilespmem:s21+$0xD480] =	vst v4  }
0x1bf: {  	v30 =	vadd.s32 $0x6E37, v0;
	v4 =	vld.idx.msk [tilespmem:v27+s5+$0x0], $0xffff  }
0x1c0: {  	v7 =	vld.idx.msk [tilespmem:v28+s5+$0x0], $0xffff;
	_ =	sdelay $0x1  }
0x1c1: {  	v6 =	vld.idx.msk [tilespmem:v29+s5+$0x0], $0xffff;
	_ =	sdelay $0x1  }
0x1c2: {  	v5 =	vld.idx.msk [tilespmem:v30+s5+$0x0], $0xffff  }
0x1c3: {  	v4 =	vadd.f32 v7, v4;
	_ =	sdelay $0x1  }
0x1c4: {  	v31 =	vadd.s32 $0x1008, v3;
	v4 =	vadd.f32 v6, v4  }
0x1c5: {  	v32 =	vadd.s32 $0x3018, v1  }
0x1c6: {  	v4 =	vadd.f32 v5, v4  }
0x1c7: {  	v33 =	vadd.s32 $0x5028, v2  }
0x1c8: {  	[tilespmem:s21+$0xDC80] =	vst v4  }
0x1c9: {  	v34 =	vadd.s32 $0x7038, v0;
	v4 =	vld.idx.msk [tilespmem:v31+s5+$0x0], $0xffff  }
0x1ca: {  	v7 =	vld.idx.msk [tilespmem:v32+s5+$0x0], $0xffff;
	_ =	sdelay $0x1  }
0x1cb: {  	v5 =	vld.idx.msk [tilespmem:v33+s5+$0x0], $0xffff;
	_ =	sdelay $0x1  }
0x1cc: {  	v6 =	vld.idx.msk [tilespmem:v34+s5+$0x0], $0xffff  }
0x1cd: {  	v4 =	vadd.f32 v7, v4;
	_ =	sdelay $0x1  }
0x1ce: {  	v35 =	vadd.s32 $0x1209, v3;
	v4 =	vadd.f32 v5, v4  }
0x1cf: {  	v36 =	vadd.s32 $0x3219, v1  }
0x1d0: {  	v4 =	vadd.f32 v6, v4  }
0x1d1: {  	v37 =	vadd.s32 $0x5229, v2  }
0x1d2: {  	[tilespmem:s21+$0xE480] =	vst v4  }
0x1d3: {  	v38 =	vadd.s32 $0x7239, v0;
	v4 =	vld.idx.msk [tilespmem:v35+s5+$0x0], $0xffff  }
0x1d4: {  	v7 =	vld.idx.msk [tilespmem:v36+s5+$0x0], $0xffff;
	_ =	sdelay $0x1  }
0x1d5: {  	v6 =	vld.idx.msk [tilespmem:v37+s5+$0x0], $0xffff;
	_ =	sdelay $0x1  }
0x1d6: {  	v5 =	vld.idx.msk [tilespmem:v38+s5+$0x0], $0xffff  }
0x1d7: {  	v4 =	vadd.f32 v7, v4;
	_ =	sdelay $0x1  }
0x1d8: {  	v39 =	vadd.s32 $0x140A, v3;
	v4 =	vadd.f32 v6, v4  }
0x1d9: {  	v40 =	vadd.s32 $0x341A, v1  }
0x1da: {  	v4 =	vadd.f32 v5, v4  }
0x1db: {  	v41 =	vadd.s32 $0x542A, v2  }
0x1dc: {  	[tilespmem:s21+$0xEC80] =	vst v4  }
0x1dd: {  	v42 =	vadd.s32 $0x743A, v0;
	v4 =	vld.idx.msk [tilespmem:v39+s5+$0x0], $0xffff  }
0x1de: {  	v7 =	vld.idx.msk [tilespmem:v40+s5+$0x0], $0xffff;
	_ =	sdelay $0x1  }
0x1df: {  	v5 =	vld.idx.msk [tilespmem:v41+s5+$0x0], $0xffff;
	_ =	sdelay $0x1  }
0x1e0: {  	v6 =	vld.idx.msk [tilespmem:v42+s5+$0x0], $0xffff  }
0x1e1: {  	v4 =	vadd.f32 v7, v4;
	_ =	sdelay $0x1  }
0x1e2: {  	v43 =	vadd.s32 $0x160B, v3;
	v4 =	vadd.f32 v5, v4  }
0x1e3: {  	v44 =	vadd.s32 $0x361B, v1  }
0x1e4: {  	v4 =	vadd.f32 v6, v4  }
0x1e5: {  	v45 =	vadd.s32 $0x562B, v2  }
0x1e6: {  	[tilespmem:s21+$0xF480] =	vst v4  }
0x1e7: {  	v46 =	vadd.s32 $0x763B, v0;
	v4 =	vld.idx.msk [tilespmem:v43+s5+$0x0], $0xffff  }
0x1e8: {  	v7 =	vld.idx.msk [tilespmem:v44+s5+$0x0], $0xffff;
	_ =	sdelay $0x1  }
0x1e9: {  	v6 =	vld.idx.msk [tilespmem:v45+s5+$0x0], $0xffff;
	_ =	sdelay $0x1  }
0x1ea: {  	v5 =	vld.idx.msk [tilespmem:v46+s5+$0x0], $0xffff  }
0x1eb: {  	v4 =	vadd.f32 v7, v4;
	_ =	sdelay $0x1  }
0x1ec: {  	v47 =	vadd.s32 $0x180C, v3;
	v4 =	vadd.f32 v6, v4  }
0x1ed: {  	v48 =	vadd.s32 $0x381C, v1  }
0x1ee: {  	v4 =	vadd.f32 v5, v4  }
0x1ef: {  	v49 =	vadd.s32 $0x582C, v2  }
0x1f0: {  	[tilespmem:s21+$0xFC80] =	vst v4  }
0x1f1: {  	v50 =	vadd.s32 $0x783C, v0;
	v4 =	vld.idx.msk [tilespmem:v47+s5+$0x0], $0xffff  }
0x1f2: {  	v7 =	vld.idx.msk [tilespmem:v48+s5+$0x0], $0xffff;
	_ =	sdelay $0x1  }
0x1f3: {  	v5 =	vld.idx.msk [tilespmem:v49+s5+$0x0], $0xffff;
	_ =	sdelay $0x1  }
0x1f4: {  	v6 =	vld.idx.msk [tilespmem:v50+s5+$0x0], $0xffff  }
0x1f5: {  	v4 =	vadd.f32 v7, v4;
	_ =	sdelay $0x1  }
0x1f6: {  	v51 =	vadd.s32 $0x1A0D, v3;
	v4 =	vadd.f32 v5, v4  }
0x1f7: {  	v52 =	vadd.s32 $0x3A1D, v1  }
0x1f8: {  	v4 =	vadd.f32 v6, v4  }
0x1f9: {  	v53 =	vadd.s32 $0x5A2D, v2  }
0x1fa: {  	[tilespmem:s21+$0x10480] =	vst v4  }
0x1fb: {  	v54 =	vadd.s32 $0x7A3D, v0;
	v4 =	vld.idx.msk [tilespmem:v51+s5+$0x0], $0xffff  }
0x1fc: {  	v7 =	vld.idx.msk [tilespmem:v52+s5+$0x0], $0xffff;
	_ =	sdelay $0x1  }
0x1fd: {  	v6 =	vld.idx.msk [tilespmem:v53+s5+$0x0], $0xffff;
	_ =	sdelay $0x1  }
0x1fe: {  	v5 =	vld.idx.msk [tilespmem:v54+s5+$0x0], $0xffff  }
0x1ff: {  	v4 =	vadd.f32 v7, v4;
	_ =	sdelay $0x1  }
0x200: {  	v55 =	vadd.s32 $0x1C0E, v3;
	v4 =	vadd.f32 v6, v4  }
0x201: {  	v56 =	vadd.s32 $0x3C1E, v1  }
0x202: {  	v4 =	vadd.f32 v5, v4  }
0x203: {  	v57 =	vadd.s32 $0x5C2E, v2  }
0x204: {  	[tilespmem:s21+$0x10C80] =	vst v4  }
0x205: {  	v58 =	vadd.s32 $0x7C3E, v0;
	v4 =	vld.idx.msk [tilespmem:v55+s5+$0x0], $0xffff  }
0x206: {  	v7 =	vld.idx.msk [tilespmem:v56+s5+$0x0], $0xffff;
	_ =	sdelay $0x1  }
0x207: {  	v5 =	vld.idx.msk [tilespmem:v57+s5+$0x0], $0xffff;
	_ =	sdelay $0x1  }
0x208: {  	v6 =	vld.idx.msk [tilespmem:v58+s5+$0x0], $0xffff  }
0x209: {  	v4 =	vadd.f32 v7, v4;
	_ =	sdelay $0x1  }
0x20a: {  	v3 =	vadd.s32 $0x1E0F, v3;
	v4 =	vadd.f32 v5, v4  }
0x20b: {  	v1 =	vadd.s32 $0x3E1F, v1  }
0x20c: {  	v4 =	vadd.f32 v6, v4  }
0x20d: {  	v2 =	vadd.s32 $0x5E2F, v2  }
0x20e: {  	[tilespmem:s21+$0x11480] =	vst v4  }
0x20f: {  	v0 =	vadd.s32 $0x7E3F, v0;
	v3 =	vld.idx.msk [tilespmem:v3+s5+$0x0], $0xffff  }
0x210: {  	v1 =	vld.idx.msk [tilespmem:v1+s5+$0x0], $0xffff;
	_ =	sdelay $0x1  }
0x211: {  	v2 =	vld.idx.msk [tilespmem:v2+s5+$0x0], $0xffff;
	_ =	sdelay $0x1  }
0x212: {  	v0 =	vld.idx.msk [tilespmem:v0+s5+$0x0], $0xffff  }
0x213: {  	v1 =	vadd.f32 v1, v3;
	_ =	sdelay $0x1  }
0x214: {  	v1 =	vadd.f32 v2, v1;
	_ =	sdelay $0x1  }
0x215: {  	v0 =	vadd.f32 v0, v1;
	_ =	sdelay $0x1  }
0x216: {  	[tilespmem:s21+$0x11C80] =	vst v0  }
0x217: {  	v1 =	vld [tilespmem:s18+$0xFFFFFE00]  }
0x218: {  	v3 =	vld [tilespmem:s18+$0xFFFFF600]  }
0x219: {  	v2 =	vld [tilespmem:s18+$0x600];
	_ =	sdelay $0x1  }
0x21a: {  	v0 =	vld [tilespmem:s18+$0xE00]  }
0x21b: {  	v59 =	vadd.s32 $0x2010, v1;
	_ =	sdelay $0x1  }
0x21c: {  	v60 =	vadd.s32 $0x4020, v2;
	_ =	sdelay $0x1  }
0x21d: {  	v62 =	vadd.s32 $0x6030, v0;
	v61 =	vld.idx.msk [tilespmem:v3+s5+$0x0], $0xffff  }
0x21e: {  	v4 =	vld.idx.msk [tilespmem:v59+s5+$0x0], $0xffff;
	_ =	sdelay $0x1  }
0x21f: {  	v5 =	vld.idx.msk [tilespmem:v60+s5+$0x0], $0xffff;
	_ =	sdelay $0x1  }
0x220: {  	v7 =	vld.idx.msk [tilespmem:v62+s5+$0x0], $0xffff  }
0x221: {  	v4 =	vadd.f32 v4, v61;
	_ =	sdelay $0x1  }
0x222: {  	v63 =	vadd.s32 $0x201, v3;
	v4 =	vadd.f32 v5, v4  }
0x223: {  	v9 =	vadd.s32 $0x2211, v1  }
0x224: {  	v4 =	vadd.f32 v7, v4  }
0x225: {  	v10 =	vadd.s32 $0x4221, v2  }
0x226: {  	[tilespmem:s20+$0xFFFFF600] =	vst v4  }
0x227: {  	v11 =	vadd.s32 $0x6231, v0;
	v4 =	vld.idx.msk [tilespmem:v63+s5+$0x0], $0xffff  }
0x228: {  	v6 =	vld.idx.msk [tilespmem:v9+s5+$0x0], $0xffff;
	_ =	sdelay $0x1  }
0x229: {  	v7 =	vld.idx.msk [tilespmem:v10+s5+$0x0], $0xffff;
	_ =	sdelay $0x1  }
0x22a: {  	v5 =	vld.idx.msk [tilespmem:v11+s5+$0x0], $0xffff  }
0x22b: {  	v4 =	vadd.f32 v6, v4;
	_ =	sdelay $0x1  }
0x22c: {  	v12 =	vadd.s32 $0x402, v3;
	v4 =	vadd.f32 v7, v4  }
0x22d: {  	v13 =	vadd.s32 $0x2412, v1  }
0x22e: {  	v4 =	vadd.f32 v5, v4  }
0x22f: {  	v14 =	vadd.s32 $0x4422, v2  }
0x230: {  	[tilespmem:s20+$0xFFFFFE00] =	vst v4  }
0x231: {  	v15 =	vadd.s32 $0x6432, v0;
	v4 =	vld.idx.msk [tilespmem:v12+s5+$0x0], $0xffff  }
0x232: {  	v7 =	vld.idx.msk [tilespmem:v13+s5+$0x0], $0xffff;
	_ =	sdelay $0x1  }
0x233: {  	v5 =	vld.idx.msk [tilespmem:v14+s5+$0x0], $0xffff;
	_ =	sdelay $0x1  }
0x234: {  	v6 =	vld.idx.msk [tilespmem:v15+s5+$0x0], $0xffff  }
0x235: {  	v4 =	vadd.f32 v7, v4;
	_ =	sdelay $0x1  }
0x236: {  	v16 =	vadd.s32 $0x603, v3;
	v4 =	vadd.f32 v5, v4  }
0x237: {  	v17 =	vadd.s32 $0x2613, v1  }
0x238: {  	v4 =	vadd.f32 v6, v4  }
0x239: {  	v18 =	vadd.s32 $0x4623, v2  }
0x23a: {  	[tilespmem:s20+$0x600] =	vst v4  }
0x23b: {  	v19 =	vadd.s32 $0x6633, v0;
	v4 =	vld.idx.msk [tilespmem:v16+s5+$0x0], $0xffff  }
0x23c: {  	v7 =	vld.idx.msk [tilespmem:v17+s5+$0x0], $0xffff;
	_ =	sdelay $0x1  }
0x23d: {  	v6 =	vld.idx.msk [tilespmem:v18+s5+$0x0], $0xffff;
	_ =	sdelay $0x1  }
0x23e: {  	v5 =	vld.idx.msk [tilespmem:v19+s5+$0x0], $0xffff  }
0x23f: {  	v4 =	vadd.f32 v7, v4;
	_ =	sdelay $0x1  }
0x240: {  	v20 =	vadd.s32 $0x804, v3;
	v4 =	vadd.f32 v6, v4  }
0x241: {  	v21 =	vadd.s32 $0x2814, v1  }
0x242: {  	v4 =	vadd.f32 v5, v4  }
0x243: {  	v22 =	vadd.s32 $0x4824, v2  }
0x244: {  	[tilespmem:s20+$0xE00] =	vst v4  }
0x245: {  	v23 =	vadd.s32 $0x6834, v0;
	v4 =	vld.idx.msk [tilespmem:v20+s5+$0x0], $0xffff  }
0x246: {  	v7 =	vld.idx.msk [tilespmem:v21+s5+$0x0], $0xffff;
	_ =	sdelay $0x1  }
0x247: {  	v5 =	vld.idx.msk [tilespmem:v22+s5+$0x0], $0xffff;
	_ =	sdelay $0x1  }
0x248: {  	v6 =	vld.idx.msk [tilespmem:v23+s5+$0x0], $0xffff  }
0x249: {  	v4 =	vadd.f32 v7, v4;
	_ =	sdelay $0x1  }
0x24a: {  	v24 =	vadd.s32 $0xA05, v3;
	v4 =	vadd.f32 v5, v4  }
0x24b: {  	v25 =	vadd.s32 $0x2A15, v1  }
0x24c: {  	v4 =	vadd.f32 v6, v4  }
0x24d: {  	v26 =	vadd.s32 $0x4A25, v2  }
0x24e: {  	[tilespmem:s21+$0xC680] =	vst v4  }
0x24f: {  	v27 =	vadd.s32 $0x6A35, v0;
	v4 =	vld.idx.msk [tilespmem:v24+s5+$0x0], $0xffff  }
0x250: {  	v7 =	vld.idx.msk [tilespmem:v25+s5+$0x0], $0xffff;
	_ =	sdelay $0x1  }
0x251: {  	v6 =	vld.idx.msk [tilespmem:v26+s5+$0x0], $0xffff;
	_ =	sdelay $0x1  }
0x252: {  	v5 =	vld.idx.msk [tilespmem:v27+s5+$0x0], $0xffff  }
0x253: {  	v4 =	vadd.f32 v7, v4;
	_ =	sdelay $0x1  }
0x254: {  	v28 =	vadd.s32 $0xC06, v3;
	v4 =	vadd.f32 v6, v4  }
0x255: {  	v29 =	vadd.s32 $0x2C16, v1  }
0x256: {  	v4 =	vadd.f32 v5, v4  }
0x257: {  	v30 =	vadd.s32 $0x4C26, v2  }
0x258: {  	[tilespmem:s21+$0xCE80] =	vst v4  }
0x259: {  	v31 =	vadd.s32 $0x6C36, v0;
	v4 =	vld.idx.msk [tilespmem:v28+s5+$0x0], $0xffff  }
0x25a: {  	v7 =	vld.idx.msk [tilespmem:v29+s5+$0x0], $0xffff;
	_ =	sdelay $0x1  }
0x25b: {  	v5 =	vld.idx.msk [tilespmem:v30+s5+$0x0], $0xffff;
	_ =	sdelay $0x1  }
0x25c: {  	v6 =	vld.idx.msk [tilespmem:v31+s5+$0x0], $0xffff  }
0x25d: {  	v4 =	vadd.f32 v7, v4;
	_ =	sdelay $0x1  }
0x25e: {  	v32 =	vadd.s32 $0xE07, v3;
	v4 =	vadd.f32 v5, v4  }
0x25f: {  	v33 =	vadd.s32 $0x2E17, v1  }
0x260: {  	v4 =	vadd.f32 v6, v4  }
0x261: {  	v34 =	vadd.s32 $0x4E27, v2  }
0x262: {  	[tilespmem:s21+$0xD680] =	vst v4  }
0x263: {  	v35 =	vadd.s32 $0x6E37, v0;
	v4 =	vld.idx.msk [tilespmem:v32+s5+$0x0], $0xffff  }
0x264: {  	v7 =	vld.idx.msk [tilespmem:v33+s5+$0x0], $0xffff;
	_ =	sdelay $0x1  }
0x265: {  	v6 =	vld.idx.msk [tilespmem:v34+s5+$0x0], $0xffff;
	_ =	sdelay $0x1  }
0x266: {  	v5 =	vld.idx.msk [tilespmem:v35+s5+$0x0], $0xffff  }
0x267: {  	v4 =	vadd.f32 v7, v4;
	_ =	sdelay $0x1  }
0x268: {  	v36 =	vadd.s32 $0x1008, v3;
	v4 =	vadd.f32 v6, v4  }
0x269: {  	v37 =	vadd.s32 $0x3018, v1  }
0x26a: {  	v4 =	vadd.f32 v5, v4  }
0x26b: {  	v38 =	vadd.s32 $0x5028, v2  }
0x26c: {  	[tilespmem:s21+$0xDE80] =	vst v4  }
0x26d: {  	v39 =	vadd.s32 $0x7038, v0;
	v4 =	vld.idx.msk [tilespmem:v36+s5+$0x0], $0xffff  }
0x26e: {  	v7 =	vld.idx.msk [tilespmem:v37+s5+$0x0], $0xffff;
	_ =	sdelay $0x1  }
0x26f: {  	v5 =	vld.idx.msk [tilespmem:v38+s5+$0x0], $0xffff;
	_ =	sdelay $0x1  }
0x270: {  	v6 =	vld.idx.msk [tilespmem:v39+s5+$0x0], $0xffff  }
0x271: {  	v4 =	vadd.f32 v7, v4;
	_ =	sdelay $0x1  }
0x272: {  	v40 =	vadd.s32 $0x1209, v3;
	v4 =	vadd.f32 v5, v4  }
0x273: {  	v41 =	vadd.s32 $0x3219, v1  }
0x274: {  	v4 =	vadd.f32 v6, v4  }
0x275: {  	v42 =	vadd.s32 $0x5229, v2  }
0x276: {  	[tilespmem:s21+$0xE680] =	vst v4  }
0x277: {  	v43 =	vadd.s32 $0x7239, v0;
	v4 =	vld.idx.msk [tilespmem:v40+s5+$0x0], $0xffff  }
0x278: {  	v7 =	vld.idx.msk [tilespmem:v41+s5+$0x0], $0xffff;
	_ =	sdelay $0x1  }
0x279: {  	v6 =	vld.idx.msk [tilespmem:v42+s5+$0x0], $0xffff;
	_ =	sdelay $0x1  }
0x27a: {  	v5 =	vld.idx.msk [tilespmem:v43+s5+$0x0], $0xffff  }
0x27b: {  	v4 =	vadd.f32 v7, v4;
	_ =	sdelay $0x1  }
0x27c: {  	v44 =	vadd.s32 $0x140A, v3;
	v4 =	vadd.f32 v6, v4  }
0x27d: {  	v45 =	vadd.s32 $0x341A, v1  }
0x27e: {  	v4 =	vadd.f32 v5, v4  }
0x27f: {  	v46 =	vadd.s32 $0x542A, v2  }
0x280: {  	[tilespmem:s21+$0xEE80] =	vst v4  }
0x281: {  	v47 =	vadd.s32 $0x743A, v0;
	v4 =	vld.idx.msk [tilespmem:v44+s5+$0x0], $0xffff  }
0x282: {  	v7 =	vld.idx.msk [tilespmem:v45+s5+$0x0], $0xffff;
	_ =	sdelay $0x1  }
0x283: {  	v5 =	vld.idx.msk [tilespmem:v46+s5+$0x0], $0xffff;
	_ =	sdelay $0x1  }
0x284: {  	v6 =	vld.idx.msk [tilespmem:v47+s5+$0x0], $0xffff  }
0x285: {  	v4 =	vadd.f32 v7, v4;
	_ =	sdelay $0x1  }
0x286: {  	v48 =	vadd.s32 $0x160B, v3;
	v4 =	vadd.f32 v5, v4  }
0x287: {  	v49 =	vadd.s32 $0x361B, v1  }
0x288: {  	v4 =	vadd.f32 v6, v4  }
0x289: {  	v50 =	vadd.s32 $0x562B, v2  }
0x28a: {  	[tilespmem:s21+$0xF680] =	vst v4  }
0x28b: {  	v51 =	vadd.s32 $0x763B, v0;
	v4 =	vld.idx.msk [tilespmem:v48+s5+$0x0], $0xffff  }
0x28c: {  	v7 =	vld.idx.msk [tilespmem:v49+s5+$0x0], $0xffff;
	_ =	sdelay $0x1  }
0x28d: {  	v6 =	vld.idx.msk [tilespmem:v50+s5+$0x0], $0xffff;
	_ =	sdelay $0x1  }
0x28e: {  	v5 =	vld.idx.msk [tilespmem:v51+s5+$0x0], $0xffff  }
0x28f: {  	v4 =	vadd.f32 v7, v4;
	_ =	sdelay $0x1  }
0x290: {  	v52 =	vadd.s32 $0x180C, v3;
	v4 =	vadd.f32 v6, v4  }
0x291: {  	v53 =	vadd.s32 $0x381C, v1  }
0x292: {  	v4 =	vadd.f32 v5, v4  }
0x293: {  	v54 =	vadd.s32 $0x582C, v2  }
0x294: {  	[tilespmem:s21+$0xFE80] =	vst v4  }
0x295: {  	v55 =	vadd.s32 $0x783C, v0;
	v4 =	vld.idx.msk [tilespmem:v52+s5+$0x0], $0xffff  }
0x296: {  	v7 =	vld.idx.msk [tilespmem:v53+s5+$0x0], $0xffff;
	_ =	sdelay $0x1  }
0x297: {  	v5 =	vld.idx.msk [tilespmem:v54+s5+$0x0], $0xffff;
	_ =	sdelay $0x1  }
0x298: {  	v6 =	vld.idx.msk [tilespmem:v55+s5+$0x0], $0xffff  }
0x299: {  	v4 =	vadd.f32 v7, v4;
	_ =	sdelay $0x1  }
0x29a: {  	v56 =	vadd.s32 $0x1A0D, v3;
	v4 =	vadd.f32 v5, v4  }
0x29b: {  	v57 =	vadd.s32 $0x3A1D, v1  }
0x29c: {  	v4 =	vadd.f32 v6, v4  }
0x29d: {  	v58 =	vadd.s32 $0x5A2D, v2  }
0x29e: {  	[tilespmem:s21+$0x10680] =	vst v4  }
0x29f: {  	v59 =	vadd.s32 $0x7A3D, v0;
	v4 =	vld.idx.msk [tilespmem:v56+s5+$0x0], $0xffff  }
0x2a0: {  	v7 =	vld.idx.msk [tilespmem:v57+s5+$0x0], $0xffff;
	_ =	sdelay $0x1  }
0x2a1: {  	v6 =	vld.idx.msk [tilespmem:v58+s5+$0x0], $0xffff;
	_ =	sdelay $0x1  }
0x2a2: {  	v5 =	vld.idx.msk [tilespmem:v59+s5+$0x0], $0xffff  }
0x2a3: {  	v4 =	vadd.f32 v7, v4;
	_ =	sdelay $0x1  }
0x2a4: {  	v60 =	vadd.s32 $0x1C0E, v3;
	v4 =	vadd.f32 v6, v4  }
0x2a5: {  	v61 =	vadd.s32 $0x3C1E, v1  }
0x2a6: {  	v4 =	vadd.f32 v5, v4  }
0x2a7: {  	v62 =	vadd.s32 $0x5C2E, v2  }
0x2a8: {  	[tilespmem:s21+$0x10E80] =	vst v4  }
0x2a9: {  	v63 =	vadd.s32 $0x7C3E, v0;
	v4 =	vld.idx.msk [tilespmem:v60+s5+$0x0], $0xffff  }
0x2aa: {  	v7 =	vld.idx.msk [tilespmem:v61+s5+$0x0], $0xffff;
	_ =	sdelay $0x1  }
0x2ab: {  	v5 =	vld.idx.msk [tilespmem:v62+s5+$0x0], $0xffff;
	_ =	sdelay $0x1  }
0x2ac: {  	v6 =	vld.idx.msk [tilespmem:v63+s5+$0x0], $0xffff  }
0x2ad: {  	v4 =	vadd.f32 v7, v4;
	_ =	sdelay $0x1  }
0x2ae: {  	v3 =	vadd.s32 $0x1E0F, v3;
	v4 =	vadd.f32 v5, v4  }
0x2af: {  	v1 =	vadd.s32 $0x3E1F, v1  }
0x2b0: {  	v4 =	vadd.f32 v6, v4  }
0x2b1: {  	v2 =	vadd.s32 $0x5E2F, v2  }
0x2b2: {  	[tilespmem:s21+$0x11680] =	vst v4  }
0x2b3: {  	v0 =	vadd.s32 $0x7E3F, v0;
	v3 =	vld.idx.msk [tilespmem:v3+s5+$0x0], $0xffff  }
0x2b4: {  	v1 =	vld.idx.msk [tilespmem:v1+s5+$0x0], $0xffff;
	_ =	sdelay $0x1  }
0x2b5: {  	v2 =	vld.idx.msk [tilespmem:v2+s5+$0x0], $0xffff;
	_ =	sdelay $0x1  }
0x2b6: {  	v0 =	vld.idx.msk [tilespmem:v0+s5+$0x0], $0xffff  }
0x2b7: {  	v1 =	vadd.f32 v1, v3  }
0x2b8: {  	p0 =	sne.s32 s19, $0x1F0  }
.Ltmp0:
0x2b9: {  	v1 =	vadd.f32 v2, v1;
	(pc) =	sbr.rel @p0 .LBB2_3-.Ltmp0, $3  }
0x2ba: {  	_ = 	snop  }
0x2bb: {  	v0 =	vadd.f32 v0, v1;
	_ =	sdelay $0x1  }
0x2bc: {  	s19 =	sadd.s32 $0x10, s19;
	s18 =	sadd.s32 $0x10, s18;
	s20 =	sadd.s32 $0x10, s20;
	[tilespmem:s21+$0x11E80] =	vst v0  }
0x2bd: {  	s17 =	sshll.u32 s17, $0x6  }
0x2be: {  	s17 =	sadd.s32 s11, s17  }
0x2bf: {  	s19 =	simm.s32 $0xA080;
	s18 =	sadd.s32 s4, s17;
	s20 =	sor.u32 $0x8000, s17  }
0x2c0: {  	[hbm4b:s18+s5] =	stream.linear.scatter [tilespmem:s19], [sflag:$0x1], $0x800, $0x38;
	[tilespmem:$0x12080] =	vst v63  }
0x2c1: {  	s21 =	simm.s32 $0xA880;
	s18 =	sadd.s32 s4, s20;
	s20 =	sor.u32 $0x10000, s17  }
0x2c2: {  	[hbm4b:s18+s5] =	stream.linear.scatter [tilespmem:s21], [sflag:$0x1], $0x800, $0x38;
	[tilespmem:$0x12080] =	vst v63  }
0x2c3: {  	s19 =	sor.u32 $0x18000, s17;
	s18 =	sadd.s32 s4, s20;
	s21 =	simm.s32 $0xB080  }
0x2c4: {  	[hbm4b:s18+s5] =	stream.linear.scatter [tilespmem:s21], [sflag:$0x1], $0x800, $0x38;
	[tilespmem:$0x12080] =	vst v63  }
0x2c5: {  	s20 =	sor.u32 $0x20000, s17;
	s18 =	sadd.s32 s4, s19  }
0x2c6: {  	[hbm4b:s18+s5] =	stream.linear.scatter [tilespmem:s22], [sflag:$0x1], $0x800, $0x38;
	[tilespmem:$0x12080] =	vst v63  }
0x2c7: {  	s21 =	sor.u32 $0x28000, s17;
	s18 =	sadd.s32 s4, s20  }
0x2c8: {  	[hbm4b:s18+s5] =	stream.linear.scatter [tilespmem:s23], [sflag:$0x1], $0x800, $0x38;
	[tilespmem:$0x12080] =	vst v63  }
0x2c9: {  	s19 =	sor.u32 $0x30000, s17;
	s18 =	sadd.s32 s4, s21  }
0x2ca: {  	[hbm4b:s18+s5] =	stream.linear.scatter [tilespmem:s24], [sflag:$0x1], $0x800, $0x38;
	[tilespmem:$0x12080] =	vst v63  }
0x2cb: {  	s20 =	sor.u32 $0x38000, s17;
	s18 =	sadd.s32 s4, s19  }
0x2cc: {  	[hbm4b:s18+s5] =	stream.linear.scatter [tilespmem:s25], [sflag:$0x1], $0x800, $0x38;
	[tilespmem:$0x12080] =	vst v63  }
0x2cd: {  	s21 =	sor.u32 $0x40000, s17;
	s18 =	sadd.s32 s4, s20  }
0x2ce: {  	[hbm4b:s18+s5] =	stream.linear.scatter [tilespmem:s26], [sflag:$0x1], $0x800, $0x38;
	[tilespmem:$0x12080] =	vst v63  }
0x2cf: {  	s19 =	sor.u32 $0x48000, s17;
	s18 =	sadd.s32 s4, s21  }
0x2d0: {  	[hbm4b:s18+s5] =	stream.linear.scatter [tilespmem:s28], [sflag:$0x1], $0x800, $0x38;
	[tilespmem:$0x12080] =	vst v63  }
0x2d1: {  	s20 =	sor.u32 $0x50000, s17;
	s18 =	sadd.s32 s4, s19  }
0x2d2: {  	[hbm4b:s18+s5] =	stream.linear.scatter [tilespmem:s29], [sflag:$0x1], $0x800, $0x38;
	[tilespmem:$0x12080] =	vst v63  }
0x2d3: {  	s21 =	sor.u32 $0x58000, s17;
	s18 =	sadd.s32 s4, s20  }
0x2d4: {  	[hbm4b:s18+s5] =	stream.linear.scatter [tilespmem:s30], [sflag:$0x1], $0x800, $0x38;
	[tilespmem:$0x12080] =	vst v63  }
0x2d5: {  	s19 =	sor.u32 $0x60000, s17;
	s18 =	sadd.s32 s4, s21  }
0x2d6: {  	[hbm4b:s18+s5] =	stream.linear.scatter [tilespmem:s31], [sflag:$0x1], $0x800, $0x38;
	[tilespmem:$0x12080] =	vst v63  }
0x2d7: {  	s20 =	sor.u32 $0x68000, s17;
	s18 =	sadd.s32 s4, s19  }
0x2d8: {  	[hbm4b:s18+s5] =	stream.linear.scatter [tilespmem:s0], [sflag:$0x1], $0x800, $0x38;
	[tilespmem:$0x12080] =	vst v63  }
0x2d9: {  	s21 =	sor.u32 $0x70000, s17;
	s18 =	sadd.s32 s4, s20  }
0x2da: {  	[hbm4b:s18+s5] =	stream.linear.scatter [tilespmem:s2], [sflag:$0x1], $0x800, $0x38;
	[tilespmem:$0x12080] =	vst v63  }
0x2db: {  	s17 =	sor.u32 $0x78000, s17;
	s18 =	sadd.s32 s4, s21  }
0x2dc: {  	[hbm4b:s18+s5] =	stream.linear.scatter [tilespmem:s1], [sflag:$0x1], $0x800, $0x38;
	[tilespmem:$0x12080] =	vst v63  }
0x2dd: {  	s17 =	sadd.s32 s4, s17  }
0x2de: {  	[hbm4b:s17+s5] =	stream.linear.scatter [tilespmem:s12], [sflag:$0x1], $0x800, $0x38;
	[tilespmem:$0x12080] =	vst v63  }
0x2df: {  	_ =	swait.ge [sflag:s3], $0x800  }
0x2e0: {  	[sflag:s3] =	ssyncset.done $0x0  }
0x2e1: {  	[sflag:s3] =	ssyncadd.s32 $0xFFFFF800  }
0x2e2: {  	_ =	swait.ge [sflag:s3], $0x800  }
0x2e3: {  	[sflag:s3] =	ssyncset.done $0x0  }
0x2e4: {  	[sflag:s3] =	ssyncadd.s32 $0xFFFFF800  }
0x2e5: {  	_ =	swait.ge [sflag:s3], $0x800  }
0x2e6: {  	[sflag:s3] =	ssyncset.done $0x0  }
0x2e7: {  	[sflag:s3] =	ssyncadd.s32 $0xFFFFF800  }
0x2e8: {  	_ =	swait.ge [sflag:s3], $0x800  }
0x2e9: {  	[sflag:s3] =	ssyncset.done $0x0  }
0x2ea: {  	[sflag:s3] =	ssyncadd.s32 $0xFFFFF800  }
0x2eb: {  	_ =	swait.ge [sflag:s3], $0x800  }
0x2ec: {  	[sflag:s3] =	ssyncset.done $0x0  }
0x2ed: {  	[sflag:s3] =	ssyncadd.s32 $0xFFFFF800  }
0x2ee: {  	_ =	swait.ge [sflag:s3], $0x800  }
0x2ef: {  	[sflag:s3] =	ssyncset.done $0x0  }
0x2f0: {  	[sflag:s3] =	ssyncadd.s32 $0xFFFFF800  }
0x2f1: {  	_ =	swait.ge [sflag:s3], $0x800  }
0x2f2: {  	[sflag:s3] =	ssyncset.done $0x0  }
0x2f3: {  	[sflag:s3] =	ssyncadd.s32 $0xFFFFF800  }
0x2f4: {  	_ =	swait.ge [sflag:s3], $0x800  }
0x2f5: {  	[sflag:s3] =	ssyncset.done $0x0  }
0x2f6: {  	[sflag:s3] =	ssyncadd.s32 $0xFFFFF800  }
0x2f7: {  	_ =	swait.ge [sflag:s3], $0x800  }
0x2f8: {  	[sflag:s3] =	ssyncset.done $0x0  }
0x2f9: {  	[sflag:s3] =	ssyncadd.s32 $0xFFFFF800  }
0x2fa: {  	_ =	swait.ge [sflag:s3], $0x800  }
0x2fb: {  	[sflag:s3] =	ssyncset.done $0x0  }
0x2fc: {  	[sflag:s3] =	ssyncadd.s32 $0xFFFFF800  }
0x2fd: {  	_ =	swait.ge [sflag:s3], $0x800  }
0x2fe: {  	[sflag:s3] =	ssyncset.done $0x0  }
0x2ff: {  	[sflag:s3] =	ssyncadd.s32 $0xFFFFF800  }
0x300: {  	_ =	swait.ge [sflag:s3], $0x800  }
0x301: {  	[sflag:s3] =	ssyncset.done $0x0  }
0x302: {  	[sflag:s3] =	ssyncadd.s32 $0xFFFFF800  }
0x303: {  	_ =	swait.ge [sflag:s3], $0x800  }
0x304: {  	[sflag:s3] =	ssyncset.done $0x0  }
0x305: {  	[sflag:s3] =	ssyncadd.s32 $0xFFFFF800  }
0x306: {  	_ =	swait.ge [sflag:s3], $0x800  }
0x307: {  	[sflag:s3] =	ssyncset.done $0x0  }
0x308: {  	s16 =	sadd.s32 $0x1, s16;
	[sflag:s3] =	ssyncadd.s32 $0xFFFFF800  }
0x309: {  	p0 =	sne.s32 s16, $0x20;
	_ =	swait.ge [sflag:s3], $0x800  }
.Ltmp1:
0x30a: {  	[sflag:s3] =	ssyncset.done $0x0;
	(pc) =	sbr.rel @p0 .LBB2_2-.Ltmp1, $4  }
0x30b: {  	[sflag:s3] =	ssyncadd.s32 $0xFFFFF800  }
0x30c: {  	_ =	swait.ge [sflag:s3], $0x800  }
0x30d: {  	[sflag:s3] =	ssyncset.done $0x0  }
0x30e: {  	[sflag:s3] =	ssyncadd.s32 $0xFFFFF800  }
0x30f: {  	s17 =	rddreg [dreg:$0x5]  }
0x310: {  	s16 =	rddreg [dreg:$0x4];
	s17 =	sadd.s32 $0x1, s17  }
0x311: {  	p0 =	sne.s32 s17, s16  }
.Ltmp2:
0x312: {  	_ = 	snop;
	(pc) =	sbr.rel @p0 .LBB2_1-.Ltmp2, $1  }
0x313: {  	_ =	sdelay $0x3  }
0x314: {  	_ =	sfence.sel $0x180000  }
0x315: {  	[bflag:$0x0] =	sbarrier.arrive $0xFFFF  }
0x316: {  	_ =	strace $0x90000047  }
0x317: {  	s0 =	stileid.u32;
	[bflag:$0x2] =	sbarrier.arrive $0xFFFF  }
0x318: {  	p0 =	sne.s32 s0, $0x0;
	s0 =	rddreg [dreg:$0x3]  }
0x319: {  	s0 =	sadd.s32 @!p0 $0x100000, s0  }
0x31a: {  	[sflag:s0] =	ssyncadd.tile.s32 @!p0 $0x1;
	_ =	shalt  }
.Lfunc_end2:
_tile_overlayer_lowered:
.L_overlay_start_2:
0x31b: {  	(tag) =	ssettag $0x2  }
0x31c: {  	s0 =	rddreg [dreg:$0x0];
	s2 =	stileid.u32  }
0x31d: {  	s1 =	rddreg [dreg:$0x1];
	p0 =	sne.s32 s2, $0x0  }
0x31e: {  	s3 =	rddreg [dreg:$0x2];
	[bflag:$0x3] =	sbarrier.arrive $0xFFFF;
	s2 =	simm.s32 @!p0 $0x1C02  }
0x31f: {  	[timem:s3], [sflag:s2] =	dma.local @!p0 [hbm:s0], s1  }
0x320: {  	s0 =	simm.s32 @!p0 $0x2  }
0x321: {  	_ =	swait.ge @!p0 [sflag:s0], s1  }
0x322: {  	s1 =	ssub.s32 @!p0 $0x0, s1;
	[sflag:s0] =	ssyncset.done @!p0 $0x0  }
0x323: {  	[sflag:s0] =	ssyncadd.s32 @!p0 s1  }
0x324: {  	[bflag:$0x3] =	sbarrier.arrive $0xFFFF  }
0x325: {  	_ =	shalt  }

</sc_bundles>
